<compile_context>
chip_gen: v7x
topology: tpu7x:2x2x1
jax: 0.10.2.dev20260603
libtpu: 0.0.44.dev20260713+nightly
codegen_flags: <defaults>
</compile_context>

<pallas_src>
import jax
import jax.numpy as jnp
from jax import lax
from jax.experimental import pallas as pl
from jax.experimental.pallas import tpu as pltpu
from jax.experimental.pallas import tpu_sc as plsc

D_MODEL = 64
SCALE = 8.0
CH = 128
NBUF = 4
LANES = 16
NC, NS = 2, 16
NW = NC * NS


def kernel(x, table):
    seq, tok = x.shape
    n = seq * tok
    st_blocks = seq // CH
    idx = jnp.transpose(x).reshape(n)
    n_per_w = n // NW
    n_ch = n_per_w // CH
    mesh = plsc.VectorSubcoreMesh(core_axis_name="c", subcore_axis_name="s")

    @pl.kernel(
        out_type=jax.ShapeDtypeStruct(
            (tok, D_MODEL // 8, st_blocks, 8, CH), jnp.float32),
        mesh=mesh,
        scratch_types=[
            pltpu.VMEM((n_per_w,), jnp.int32),
            pltpu.VMEM((NBUF, CH, D_MODEL), jnp.float32),
            pltpu.VMEM((NBUF, D_MODEL, CH + 1), jnp.float32),
            pltpu.SemaphoreType.DMA((NBUF,)),
            pltpu.SemaphoreType.DMA((NBUF,)),
        ],
        compiler_params=pltpu.CompilerParams(
            use_tc_tiling_on_sc=False, needs_layout_passes=False),
    )
    def gather_kernel(table_hbm, idx_hbm, out_hbm, idx_v, rows_g, trans,
                      gsem, osem):
        wid = lax.axis_index("s") * NC + lax.axis_index("c")
        base_c = wid * n_ch
        pltpu.sync_copy(idx_hbm.at[pl.ds(wid * n_per_w, n_per_w)], idx_v)
        iota16 = lax.iota(jnp.int32, LANES)
        fv_list = [iota16 + f0 for f0 in range(0, D_MODEL, LANES)]

        def start_gather(k, b):
            pltpu.make_async_copy(
                table_hbm.at[idx_v.at[pl.ds(k * CH, CH)]],
                rows_g.at[b], gsem.at[b]).start()

        def wait_gather(b):
            pltpu.make_async_copy(
                table_hbm.at[idx_v.at[pl.ds(0, CH)]],
                rows_g.at[b], gsem.at[b]).wait()

        def start_out(k, b):
            gc = base_c + k
            t = gc // st_blocks
            st = gc % st_blocks
            for ft in range(D_MODEL // 8):
                pltpu.make_async_copy(
                    trans.at[b, pl.ds(ft * 8, 8), pl.ds(0, CH)],
                    out_hbm.at[t, ft, st], osem.at[b]).start()

        def wait_out(b):
            for ft in range(D_MODEL // 8):
                pltpu.make_async_copy(
                    trans.at[b, pl.ds(0, 8), pl.ds(0, CH)],
                    out_hbm.at[0, 0, 0], osem.at[b]).wait()

        def transpose_scale(b):
            src = rows_g.at[b]
            dst = trans.at[b]

            @plsc.parallel_loop(0, CH, step=1, unroll=8)
            def _(s):
                sb = lax.broadcast_in_dim(s, (LANES,), ())
                for k in range(D_MODEL // LANES):
                    v = src.at[s, pl.ds(k * LANES, LANES)][...]
                    plsc.store_scatter(dst, [fv_list[k], sb], v * SCALE)

        for b in range(NBUF):
            start_gather(b, b)

        @pl.loop(0, n_ch)
        def _(k):
            b = lax.rem(k, NBUF)
            wait_gather(b)

            @pl.when(k >= NBUF)
            def _():
                wait_out(b)

            transpose_scale(b)
            start_out(k, b)

            @pl.when(k + NBUF < n_ch)
            def _():
                start_gather(k + NBUF, b)

        for b in range(NBUF):
            wait_out(b)

    out5 = gather_kernel(table, idx)
    return out5.transpose((2, 4, 0, 1, 3)).reshape(seq, tok, D_MODEL)

# --- scband reference (transcript-rebuilt; emitter-appended) ---
"""Pipeline reference for scband-embeddings-13829794693801 (READ-ONLY COPY).

The authoritative reference and input builder live on the scoring server;
editing this copy changes nothing except your own understanding.
"""

import jax, jax.numpy as jnp
import numpy as np
import math

D_MODEL = 64
VOCAB_SIZE = 1000000

def setup_inputs(seed: int = 0) -> dict:
    key = jax.random.key(seed)
    k1, k2 = jax.random.split(key)
    x = jax.random.randint(k1, (4096, 200), 0, VOCAB_SIZE, dtype=jnp.int64 if jax.config.jax_enable_x64 else jnp.int32)
    table = jax.random.normal(k2, (VOCAB_SIZE, D_MODEL), dtype=jnp.float32)
    return {"x": x, "table": table}

def reference(x, table):
    # Embeddings.forward: self.emb(x) * math.sqrt(self.d_model)
    out = jnp.take(table, x, axis=0) * math.sqrt(D_MODEL)
    return out

if __name__ == "__main__":
    import jax
    _d = setup_inputs()
    print(jax.jit(kernel)(*tuple(_d.values())))

</pallas_src>

<mosaic_0001>
#map = affine_map<(d0, d1) -> (0, 0)>
#map1 = affine_map<(d0, d1) -> (0)>
#map2 = affine_map<(d0, d1) -> (0, 0, 0, 0, 0)>
module attributes {stable_mosaic.version = 14 : i64} {
  func.func @gather_kernel(%arg0: i32, %arg1: i32, %arg2: memref<1000000x64xf32, #tpu.memory_space<hbm>>, %arg3: memref<819200xi32, #tpu.memory_space<hbm>>, %arg4: memref<200x8x32x8x128xf32, #tpu.memory_space<hbm>>, %arg5: memref<25600xi32, #tpu.memory_space<vmem>>, %arg6: memref<4x128x64xf32, #tpu.memory_space<vmem>>, %arg7: memref<4x64x129xf32, #tpu.memory_space<vmem>>, %arg8: memref<4x!tpu.dma_semaphore, #tpu.memory_space<semaphore_mem>>, %arg9: memref<4x!tpu.dma_semaphore, #tpu.memory_space<semaphore_mem>>) attributes {dimension_semantics = [#tpu.dimension_semantics<core_parallel>, #tpu.dimension_semantics<subcore_parallel>], iteration_bounds = array<i64: 2, 16>, scalar_prefetch = 0 : i64, scratch_operands = 5 : i64, tpu.core_type = #tpu.core_type<sc_vector_subcore>, window_params = [{transform_indices = #map}, {transform_indices = #map1}, {transform_indices = #map2}]} {
    %mul3A = arith.constant 2 : i32
    %mul3A_0 = arith.muli %arg1, %mul3A : i32
    %add3A = arith.addi %mul3A_0, %arg0 : i32
    %mul3A_1 = arith.constant 200 : i32
    %mul3A_2 = arith.muli %add3A, %mul3A_1 : i32
    %mul3A_3 = arith.constant 25600 : i32
    %mul3A_4 = arith.muli %add3A, %mul3A_3 : i32
    "tpu.region"() ({
      %run_scoped3A = tpu.sem_alloc : memref<!tpu.dma_semaphore, #tpu.memory_space<semaphore_mem>>
      %dma_start3A_807 = tpu.memref_slice %arg3[%mul3A_4] : memref<819200xi32, #tpu.memory_space<hbm>> -> memref<25600xi32, #tpu.memory_space<hbm>>
      %dma_start3A_808 = tpu.memref_slice %arg3[%mul3A_4] : memref<819200xi32, #tpu.memory_space<hbm>> -> memref<25600xi32, #tpu.memory_space<hbm>>
      tpu.enqueue_dma source(%dma_start3A_808 : memref<25600xi32, #tpu.memory_space<hbm>>) target(%arg5 : memref<25600xi32, #tpu.memory_space<vmem>>) target_semaphore(%run_scoped3A : memref<!tpu.dma_semaphore, #tpu.memory_space<semaphore_mem>>)
      %dma_wait3A_809 = tpu.memref_slice %arg3[%mul3A_4] : memref<819200xi32, #tpu.memory_space<hbm>> -> memref<25600xi32, #tpu.memory_space<hbm>>
      %dma_wait3A_810 = tpu.memref_slice %arg3[%mul3A_4] : memref<819200xi32, #tpu.memory_space<hbm>> -> memref<25600xi32, #tpu.memory_space<hbm>>
      tpu.wait_dma2 semaphore(%run_scoped3A : memref<!tpu.dma_semaphore, #tpu.memory_space<semaphore_mem>>) src(%dma_wait3A_810 : memref<25600xi32, #tpu.memory_space<hbm>>) dst(%arg5 : memref<25600xi32, #tpu.memory_space<vmem>>)
      tpu.yield
    }) : () -> ()
    %iota3A = tpu.iota {dimensions = array<i32: 0>} : vector<16xi32>
    %add3A_5 = arith.constant 0 : i32
    %add3A_6 = vector.broadcast %add3A_5 : i32 to vector<16xi32>
    %add3A_7 = arith.addi %iota3A, %add3A_6 : vector<16xi32>
    %add3A_8 = arith.constant 16 : i32
    %add3A_9 = vector.broadcast %add3A_8 : i32 to vector<16xi32>
    %add3A_10 = arith.addi %iota3A, %add3A_9 : vector<16xi32>
    %add3A_11 = arith.constant 32 : i32
    %add3A_12 = vector.broadcast %add3A_11 : i32 to vector<16xi32>
    %add3A_13 = arith.addi %iota3A, %add3A_12 : vector<16xi32>
    %add3A_14 = arith.constant 48 : i32
    %add3A_15 = vector.broadcast %add3A_14 : i32 to vector<16xi32>
    %add3A_16 = arith.addi %iota3A, %add3A_15 : vector<16xi32>
    %dma_start3A = arith.constant 0 : i32
    %dma_start3A_17 = arith.constant 0 : i32
    %dma_start3A_18 = arith.constant 0 : i32
    %dma_start3A_19 = arith.constant 0 : i32
    %dma_start3A_20 = tpu.memref_slice %arg6[%dma_start3A, %dma_start3A_18, %dma_start3A_19] : memref<4x128x64xf32, #tpu.memory_space<vmem>> -> memref<1x128x64xf32, #tpu.memory_space<vmem>>
    %dma_start3A_21 = tpu.memref_squeeze %dma_start3A_20 : memref<1x128x64xf32, #tpu.memory_space<vmem>> -> memref<128x64xf32, #tpu.memory_space<vmem>>
    %dma_start3A_22 = arith.constant 0 : i32
    %dma_start3A_23 = tpu.memref_slice %arg5[%dma_start3A_22] : memref<25600xi32, #tpu.memory_space<vmem>> -> memref<128xi32, #tpu.memory_space<vmem>>
    %dma_start3A_24 = arith.constant 0 : i32
    %dma_start3A_25 = arith.constant 0 : i32
    %dma_start3A_26 = tpu.memref_slice %arg2[%dma_start3A_24, %dma_start3A_25] : memref<1000000x64xf32, #tpu.memory_space<hbm>> -> memref<1000000x64xf32, #tpu.memory_space<hbm>>
    %dma_start3A_27 = tpu.memref_slice %arg8[%dma_start3A_17] : memref<4x!tpu.dma_semaphore, #tpu.memory_space<semaphore_mem>> -> memref<1x!tpu.dma_semaphore, #tpu.memory_space<semaphore_mem>>
    %dma_start3A_28 = tpu.memref_squeeze %dma_start3A_27 : memref<1x!tpu.dma_semaphore, #tpu.memory_space<semaphore_mem>> -> memref<!tpu.dma_semaphore, #tpu.memory_space<semaphore_mem>>
    tpu.enqueue_indirect_dma source(%dma_start3A_26 : memref<1000000x64xf32, #tpu.memory_space<hbm>>) target(%dma_start3A_21 : memref<128x64xf32, #tpu.memory_space<vmem>>) offsets(%dma_start3A_23 : memref<128xi32, #tpu.memory_space<vmem>>) semaphore(%dma_start3A_28 : memref<!tpu.dma_semaphore, #tpu.memory_space<semaphore_mem>>)
    %dma_start3A_29 = arith.constant 1 : i32
    %dma_start3A_30 = arith.constant 1 : i32
    %dma_start3A_31 = arith.constant 0 : i32
    %dma_start3A_32 = arith.constant 0 : i32
    %dma_start3A_33 = tpu.memref_slice %arg6[%dma_start3A_29, %dma_start3A_31, %dma_start3A_32] : memref<4x128x64xf32, #tpu.memory_space<vmem>> -> memref<1x128x64xf32, #tpu.memory_space<vmem>>
    %dma_start3A_34 = tpu.memref_squeeze %dma_start3A_33 : memref<1x128x64xf32, #tpu.memory_space<vmem>> -> memref<128x64xf32, #tpu.memory_space<vmem>>
    %dma_start3A_35 = arith.constant 128 : i32
    %dma_start3A_36 = tpu.memref_slice %arg5[%dma_start3A_35] : memref<25600xi32, #tpu.memory_space<vmem>> -> memref<128xi32, #tpu.memory_space<vmem>>
    %dma_start3A_37 = arith.constant 0 : i32
    %dma_start3A_38 = arith.constant 0 : i32
    %dma_start3A_39 = tpu.memref_slice %arg2[%dma_start3A_37, %dma_start3A_38] : memref<1000000x64xf32, #tpu.memory_space<hbm>> -> memref<1000000x64xf32, #tpu.memory_space<hbm>>
    %dma_start3A_40 = tpu.memref_slice %arg8[%dma_start3A_30] : memref<4x!tpu.dma_semaphore, #tpu.memory_space<semaphore_mem>> -> memref<1x!tpu.dma_semaphore, #tpu.memory_space<semaphore_mem>>
    %dma_start3A_41 = tpu.memref_squeeze %dma_start3A_40 : memref<1x!tpu.dma_semaphore, #tpu.memory_space<semaphore_mem>> -> memref<!tpu.dma_semaphore, #tpu.memory_space<semaphore_mem>>
    tpu.enqueue_indirect_dma source(%dma_start3A_39 : memref<1000000x64xf32, #tpu.memory_space<hbm>>) target(%dma_start3A_34 : memref<128x64xf32, #tpu.memory_space<vmem>>) offsets(%dma_start3A_36 : memref<128xi32, #tpu.memory_space<vmem>>) semaphore(%dma_start3A_41 : memref<!tpu.dma_semaphore, #tpu.memory_space<semaphore_mem>>)
    %dma_start3A_42 = arith.constant 2 : i32
    %dma_start3A_43 = arith.constant 2 : i32
    %dma_start3A_44 = arith.constant 0 : i32
    %dma_start3A_45 = arith.constant 0 : i32
    %dma_start3A_46 = tpu.memref_slice %arg6[%dma_start3A_42, %dma_start3A_44, %dma_start3A_45] : memref<4x128x64xf32, #tpu.memory_space<vmem>> -> memref<1x128x64xf32, #tpu.memory_space<vmem>>
    %dma_start3A_47 = tpu.memref_squeeze %dma_start3A_46 : memref<1x128x64xf32, #tpu.memory_space<vmem>> -> memref<128x64xf32, #tpu.memory_space<vmem>>
    %dma_start3A_48 = arith.constant 256 : i32
    %dma_start3A_49 = tpu.memref_slice %arg5[%dma_start3A_48] : memref<25600xi32, #tpu.memory_space<vmem>> -> memref<128xi32, #tpu.memory_space<vmem>>
    %dma_start3A_50 = arith.constant 0 : i32
    %dma_start3A_51 = arith.constant 0 : i32
    %dma_start3A_52 = tpu.memref_slice %arg2[%dma_start3A_50, %dma_start3A_51] : memref<1000000x64xf32, #tpu.memory_space<hbm>> -> memref<1000000x64xf32, #tpu.memory_space<hbm>>
    %dma_start3A_53 = tpu.memref_slice %arg8[%dma_start3A_43] : memref<4x!tpu.dma_semaphore, #tpu.memory_space<semaphore_mem>> -> memref<1x!tpu.dma_semaphore, #tpu.memory_space<semaphore_mem>>
    %dma_start3A_54 = tpu.memref_squeeze %dma_start3A_53 : memref<1x!tpu.dma_semaphore, #tpu.memory_space<semaphore_mem>> -> memref<!tpu.dma_semaphore, #tpu.memory_space<semaphore_mem>>
    tpu.enqueue_indirect_dma source(%dma_start3A_52 : memref<1000000x64xf32, #tpu.memory_space<hbm>>) target(%dma_start3A_47 : memref<128x64xf32, #tpu.memory_space<vmem>>) offsets(%dma_start3A_49 : memref<128xi32, #tpu.memory_space<vmem>>) semaphore(%dma_start3A_54 : memref<!tpu.dma_semaphore, #tpu.memory_space<semaphore_mem>>)
    %dma_start3A_55 = arith.constant 3 : i32
    %dma_start3A_56 = arith.constant 3 : i32
    %dma_start3A_57 = arith.constant 0 : i32
    %dma_start3A_58 = arith.constant 0 : i32
    %dma_start3A_59 = tpu.memref_slice %arg6[%dma_start3A_55, %dma_start3A_57, %dma_start3A_58] : memref<4x128x64xf32, #tpu.memory_space<vmem>> -> memref<1x128x64xf32, #tpu.memory_space<vmem>>
    %dma_start3A_60 = tpu.memref_squeeze %dma_start3A_59 : memref<1x128x64xf32, #tpu.memory_space<vmem>> -> memref<128x64xf32, #tpu.memory_space<vmem>>
    %dma_start3A_61 = arith.constant 384 : i32
    %dma_start3A_62 = tpu.memref_slice %arg5[%dma_start3A_61] : memref<25600xi32, #tpu.memory_space<vmem>> -> memref<128xi32, #tpu.memory_space<vmem>>
    %dma_start3A_63 = arith.constant 0 : i32
    %dma_start3A_64 = arith.constant 0 : i32
    %dma_start3A_65 = tpu.memref_slice %arg2[%dma_start3A_63, %dma_start3A_64] : memref<1000000x64xf32, #tpu.memory_space<hbm>> -> memref<1000000x64xf32, #tpu.memory_space<hbm>>
    %dma_start3A_66 = tpu.memref_slice %arg8[%dma_start3A_56] : memref<4x!tpu.dma_semaphore, #tpu.memory_space<semaphore_mem>> -> memref<1x!tpu.dma_semaphore, #tpu.memory_space<semaphore_mem>>
    %dma_start3A_67 = tpu.memref_squeeze %dma_start3A_66 : memref<1x!tpu.dma_semaphore, #tpu.memory_space<semaphore_mem>> -> memref<!tpu.dma_semaphore, #tpu.memory_space<semaphore_mem>>
    tpu.enqueue_indirect_dma source(%dma_start3A_65 : memref<1000000x64xf32, #tpu.memory_space<hbm>>) target(%dma_start3A_60 : memref<128x64xf32, #tpu.memory_space<vmem>>) offsets(%dma_start3A_62 : memref<128xi32, #tpu.memory_space<vmem>>) semaphore(%dma_start3A_67 : memref<!tpu.dma_semaphore, #tpu.memory_space<semaphore_mem>>)
    %scan3A = arith.constant 0 : i32
    %scan3A_68 = arith.constant 200 : i32
    %scan3A_69 = arith.addi %scan3A, %scan3A_68 : i32
    %scan3A_70 = arith.constant 1 : i32
    scf.for %scan3A_807 = %scan3A to %scan3A_69 step %scan3A_70  : i32 {
      %mul3A_808 = arith.constant 1 : i32
      %mul3A_809 = arith.muli %scan3A_807, %mul3A_808 : i32
      %add3A_810 = arith.constant 0 : i32
      %add3A_811 = arith.addi %add3A_810, %mul3A_809 : i32
      %rem3A = arith.constant 4 : i32
      %rem3A_812 = arith.remsi %add3A_811, %rem3A : i32
      %dma_wait3A_813 = arith.constant 0 : i32
      %dma_wait3A_814 = arith.constant 0 : i32
      %dma_wait3A_815 = tpu.memref_slice %arg6[%rem3A_812, %dma_wait3A_813, %dma_wait3A_814] : memref<4x128x64xf32, #tpu.memory_space<vmem>> -> memref<1x128x64xf32, #tpu.memory_space<vmem>>
      %dma_wait3A_816 = tpu.memref_squeeze %dma_wait3A_815 : memref<1x128x64xf32, #tpu.memory_space<vmem>> -> memref<128x64xf32, #tpu.memory_space<vmem>>
      %dma_wait3A_817 = arith.constant 0 : i32
      %dma_wait3A_818 = tpu.memref_slice %arg5[%dma_wait3A_817] : memref<25600xi32, #tpu.memory_space<vmem>> -> memref<128xi32, #tpu.memory_space<vmem>>
      %dma_wait3A_819 = arith.constant 0 : i32
      %dma_wait3A_820 = arith.constant 0 : i32
      %dma_wait3A_821 = tpu.memref_slice %arg2[%dma_wait3A_819, %dma_wait3A_820] : memref<1000000x64xf32, #tpu.memory_space<hbm>> -> memref<1000000x64xf32, #tpu.memory_space<hbm>>
      %dma_wait3A_822 = tpu.memref_slice %arg8[%rem3A_812] : memref<4x!tpu.dma_semaphore, #tpu.memory_space<semaphore_mem>> -> memref<1x!tpu.dma_semaphore, #tpu.memory_space<semaphore_mem>>
      %dma_wait3A_823 = tpu.memref_squeeze %dma_wait3A_822 : memref<1x!tpu.dma_semaphore, #tpu.memory_space<semaphore_mem>> -> memref<!tpu.dma_semaphore, #tpu.memory_space<semaphore_mem>>
      tpu.wait_indirect_dma semaphore(%dma_wait3A_823 : memref<!tpu.dma_semaphore, #tpu.memory_space<semaphore_mem>>) src(%dma_wait3A_821 : memref<1000000x64xf32, #tpu.memory_space<hbm>>) dst(%dma_wait3A_816 : memref<128x64xf32, #tpu.memory_space<vmem>>)
      %ge3A = arith.constant 4 : i32
      %ge3A_824 = arith.cmpi sge, %add3A_811, %ge3A : i32
      %convert_element_type3A = arith.extui %ge3A_824 : i1 to i32
      %cond3A = arith.constant 0 : i32
      %cond3A_825 = arith.cmpi ne, %convert_element_type3A, %cond3A : i32
      scf.if %cond3A_825 {
        %dma_wait3A_1019 = arith.constant 0 : i32
        %dma_wait3A_1020 = arith.constant 0 : i32
        %dma_wait3A_1021 = arith.constant 0 : i32
        %dma_wait3A_1022 = arith.constant 0 : i32
        %dma_wait3A_1023 = arith.constant 0 : i32
        %dma_wait3A_1024 = tpu.memref_slice %arg7[%rem3A_812, %dma_wait3A_1022, %dma_wait3A_1023] : memref<4x64x129xf32, #tpu.memory_space<vmem>> -> memref<1x8x128xf32, #tpu.memory_space<vmem>>
        %dma_wait3A_1025 = tpu.memref_squeeze %dma_wait3A_1024 : memref<1x8x128xf32, #tpu.memory_space<vmem>> -> memref<8x128xf32, #tpu.memory_space<vmem>>
        %dma_wait3A_1026 = arith.constant 0 : i32
        %dma_wait3A_1027 = arith.constant 0 : i32
        %dma_wait3A_1028 = tpu.memref_slice %arg4[%dma_wait3A_1019, %dma_wait3A_1020, %dma_wait3A_1021, %dma_wait3A_1026, %dma_wait3A_1027] : memref<200x8x32x8x128xf32, #tpu.memory_space<hbm>> -> memref<1x1x1x8x128xf32, #tpu.memory_space<hbm>>
        %dma_wait3A_1029 = tpu.memref_squeeze %dma_wait3A_1028 : memref<1x1x1x8x128xf32, #tpu.memory_space<hbm>> -> memref<8x128xf32, #tpu.memory_space<hbm>>
        %dma_wait3A_1030 = tpu.memref_slice %arg9[%rem3A_812] : memref<4x!tpu.dma_semaphore, #tpu.memory_space<semaphore_mem>> -> memref<1x!tpu.dma_semaphore, #tpu.memory_space<semaphore_mem>>
        %dma_wait3A_1031 = tpu.memref_squeeze %dma_wait3A_1030 : memref<1x!tpu.dma_semaphore, #tpu.memory_space<semaphore_mem>> -> memref<!tpu.dma_semaphore, #tpu.memory_space<semaphore_mem>>
        %dma_wait3A_1032 = arith.constant 0 : i32
        %dma_wait3A_1033 = arith.constant 0 : i32
        %dma_wait3A_1034 = tpu.memref_slice %arg4[%dma_wait3A_1019, %dma_wait3A_1020, %dma_wait3A_1021, %dma_wait3A_1032, %dma_wait3A_1033] : memref<200x8x32x8x128xf32, #tpu.memory_space<hbm>> -> memref<1x1x1x8x128xf32, #tpu.memory_space<hbm>>
        %dma_wait3A_1035 = tpu.memref_squeeze %dma_wait3A_1034 : memref<1x1x1x8x128xf32, #tpu.memory_space<hbm>> -> memref<8x128xf32, #tpu.memory_space<hbm>>
        %dma_wait3A_1036 = arith.constant 0 : i32
        %dma_wait3A_1037 = arith.constant 0 : i32
        %dma_wait3A_1038 = tpu.memref_slice %arg7[%rem3A_812, %dma_wait3A_1036, %dma_wait3A_1037] : memref<4x64x129xf32, #tpu.memory_space<vmem>> -> memref<1x8x128xf32, #tpu.memory_space<vmem>>
        %dma_wait3A_1039 = tpu.memref_squeeze %dma_wait3A_1038 : memref<1x8x128xf32, #tpu.memory_space<vmem>> -> memref<8x128xf32, #tpu.memory_space<vmem>>
        tpu.wait_dma2 semaphore(%dma_wait3A_1031 : memref<!tpu.dma_semaphore, #tpu.memory_space<semaphore_mem>>) src(%dma_wait3A_1039 : memref<8x128xf32, #tpu.memory_space<vmem>>) dst(%dma_wait3A_1035 : memref<8x128xf32, #tpu.memory_space<hbm>>)
        %dma_wait3A_1040 = arith.constant 0 : i32
        %dma_wait3A_1041 = arith.constant 0 : i32
        %dma_wait3A_1042 = arith.constant 0 : i32
        %dma_wait3A_1043 = arith.constant 0 : i32
        %dma_wait3A_1044 = arith.constant 0 : i32
        %dma_wait3A_1045 = tpu.memref_slice %arg7[%rem3A_812, %dma_wait3A_1043, %dma_wait3A_1044] : memref<4x64x129xf32, #tpu.memory_space<vmem>> -> memref<1x8x128xf32, #tpu.memory_space<vmem>>
        %dma_wait3A_1046 = tpu.memref_squeeze %dma_wait3A_1045 : memref<1x8x128xf32, #tpu.memory_space<vmem>> -> memref<8x128xf32, #tpu.memory_space<vmem>>
        %dma_wait3A_1047 = arith.constant 0 : i32
        %dma_wait3A_1048 = arith.constant 0 : i32
        %dma_wait3A_1049 = tpu.memref_slice %arg4[%dma_wait3A_1040, %dma_wait3A_1041, %dma_wait3A_1042, %dma_wait3A_1047, %dma_wait3A_1048] : memref<200x8x32x8x128xf32, #tpu.memory_space<hbm>> -> memref<1x1x1x8x128xf32, #tpu.memory_space<hbm>>
        %dma_wait3A_1050 = tpu.memref_squeeze %dma_wait3A_1049 : memref<1x1x1x8x128xf32, #tpu.memory_space<hbm>> -> memref<8x128xf32, #tpu.memory_space<hbm>>
        %dma_wait3A_1051 = tpu.memref_slice %arg9[%rem3A_812] : memref<4x!tpu.dma_semaphore, #tpu.memory_space<semaphore_mem>> -> memref<1x!tpu.dma_semaphore, #tpu.memory_space<semaphore_mem>>
        %dma_wait3A_1052 = tpu.memref_squeeze %dma_wait3A_1051 : memref<1x!tpu.dma_semaphore, #tpu.memory_space<semaphore_mem>> -> memref<!tpu.dma_semaphore, #tpu.memory_space<semaphore_mem>>
        %dma_wait3A_1053 = arith.constant 0 : i32
        %dma_wait3A_1054 = arith.constant 0 : i32
        %dma_wait3A_1055 = tpu.memref_slice %arg4[%dma_wait3A_1040, %dma_wait3A_1041, %dma_wait3A_1042, %dma_wait3A_1053, %dma_wait3A_1054] : memref<200x8x32x8x128xf32, #tpu.memory_space<hbm>> -> memref<1x1x1x8x128xf32, #tpu.memory_space<hbm>>
        %dma_wait3A_1056 = tpu.memref_squeeze %dma_wait3A_1055 : memref<1x1x1x8x128xf32, #tpu.memory_space<hbm>> -> memref<8x128xf32, #tpu.memory_space<hbm>>
        %dma_wait3A_1057 = arith.constant 0 : i32
        %dma_wait3A_1058 = arith.constant 0 : i32
        %dma_wait3A_1059 = tpu.memref_slice %arg7[%rem3A_812, %dma_wait3A_1057, %dma_wait3A_1058] : memref<4x64x129xf32, #tpu.memory_space<vmem>> -> memref<1x8x128xf32, #tpu.memory_space<vmem>>
        %dma_wait3A_1060 = tpu.memref_squeeze %dma_wait3A_1059 : memref<1x8x128xf32, #tpu.memory_space<vmem>> -> memref<8x128xf32, #tpu.memory_space<vmem>>
        tpu.wait_dma2 semaphore(%dma_wait3A_1052 : memref<!tpu.dma_semaphore, #tpu.memory_space<semaphore_mem>>) src(%dma_wait3A_1060 : memref<8x128xf32, #tpu.memory_space<vmem>>) dst(%dma_wait3A_1056 : memref<8x128xf32, #tpu.memory_space<hbm>>)
        %dma_wait3A_1061 = arith.constant 0 : i32
        %dma_wait3A_1062 = arith.constant 0 : i32
        %dma_wait3A_1063 = arith.constant 0 : i32
        %dma_wait3A_1064 = arith.constant 0 : i32
        %dma_wait3A_1065 = arith.constant 0 : i32
        %dma_wait3A_1066 = tpu.memref_slice %arg7[%rem3A_812, %dma_wait3A_1064, %dma_wait3A_1065] : memref<4x64x129xf32, #tpu.memory_space<vmem>> -> memref<1x8x128xf32, #tpu.memory_space<vmem>>
        %dma_wait3A_1067 = tpu.memref_squeeze %dma_wait3A_1066 : memref<1x8x128xf32, #tpu.memory_space<vmem>> -> memref<8x128xf32, #tpu.memory_space<vmem>>
        %dma_wait3A_1068 = arith.constant 0 : i32
        %dma_wait3A_1069 = arith.constant 0 : i32
        %dma_wait3A_1070 = tpu.memref_slice %arg4[%dma_wait3A_1061, %dma_wait3A_1062, %dma_wait3A_1063, %dma_wait3A_1068, %dma_wait3A_1069] : memref<200x8x32x8x128xf32, #tpu.memory_space<hbm>> -> memref<1x1x1x8x128xf32, #tpu.memory_space<hbm>>
        %dma_wait3A_1071 = tpu.memref_squeeze %dma_wait3A_1070 : memref<1x1x1x8x128xf32, #tpu.memory_space<hbm>> -> memref<8x128xf32, #tpu.memory_space<hbm>>
        %dma_wait3A_1072 = tpu.memref_slice %arg9[%rem3A_812] : memref<4x!tpu.dma_semaphore, #tpu.memory_space<semaphore_mem>> -> memref<1x!tpu.dma_semaphore, #tpu.memory_space<semaphore_mem>>
        %dma_wait3A_1073 = tpu.memref_squeeze %dma_wait3A_1072 : memref<1x!tpu.dma_semaphore, #tpu.memory_space<semaphore_mem>> -> memref<!tpu.dma_semaphore, #tpu.memory_space<semaphore_mem>>
        %dma_wait3A_1074 = arith.constant 0 : i32
        %dma_wait3A_1075 = arith.constant 0 : i32
        %dma_wait3A_1076 = tpu.memref_slice %arg4[%dma_wait3A_1061, %dma_wait3A_1062, %dma_wait3A_1063, %dma_wait3A_1074, %dma_wait3A_1075] : memref<200x8x32x8x128xf32, #tpu.memory_space<hbm>> -> memref<1x1x1x8x128xf32, #tpu.memory_space<hbm>>
        %dma_wait3A_1077 = tpu.memref_squeeze %dma_wait3A_1076 : memref<1x1x1x8x128xf32, #tpu.memory_space<hbm>> -> memref<8x128xf32, #tpu.memory_space<hbm>>
        %dma_wait3A_1078 = arith.constant 0 : i32
        %dma_wait3A_1079 = arith.constant 0 : i32
        %dma_wait3A_1080 = tpu.memref_slice %arg7[%rem3A_812, %dma_wait3A_1078, %dma_wait3A_1079] : memref<4x64x129xf32, #tpu.memory_space<vmem>> -> memref<1x8x128xf32, #tpu.memory_space<vmem>>
        %dma_wait3A_1081 = tpu.memref_squeeze %dma_wait3A_1080 : memref<1x8x128xf32, #tpu.memory_space<vmem>> -> memref<8x128xf32, #tpu.memory_space<vmem>>
        tpu.wait_dma2 semaphore(%dma_wait3A_1073 : memref<!tpu.dma_semaphore, #tpu.memory_space<semaphore_mem>>) src(%dma_wait3A_1081 : memref<8x128xf32, #tpu.memory_space<vmem>>) dst(%dma_wait3A_1077 : memref<8x128xf32, #tpu.memory_space<hbm>>)
        %dma_wait3A_1082 = arith.constant 0 : i32
        %dma_wait3A_1083 = arith.constant 0 : i32
        %dma_wait3A_1084 = arith.constant 0 : i32
        %dma_wait3A_1085 = arith.constant 0 : i32
        %dma_wait3A_1086 = arith.constant 0 : i32
        %dma_wait3A_1087 = tpu.memref_slice %arg7[%rem3A_812, %dma_wait3A_1085, %dma_wait3A_1086] : memref<4x64x129xf32, #tpu.memory_space<vmem>> -> memref<1x8x128xf32, #tpu.memory_space<vmem>>
        %dma_wait3A_1088 = tpu.memref_squeeze %dma_wait3A_1087 : memref<1x8x128xf32, #tpu.memory_space<vmem>> -> memref<8x128xf32, #tpu.memory_space<vmem>>
        %dma_wait3A_1089 = arith.constant 0 : i32
        %dma_wait3A_1090 = arith.constant 0 : i32
        %dma_wait3A_1091 = tpu.memref_slice %arg4[%dma_wait3A_1082, %dma_wait3A_1083, %dma_wait3A_1084, %dma_wait3A_1089, %dma_wait3A_1090] : memref<200x8x32x8x128xf32, #tpu.memory_space<hbm>> -> memref<1x1x1x8x128xf32, #tpu.memory_space<hbm>>
        %dma_wait3A_1092 = tpu.memref_squeeze %dma_wait3A_1091 : memref<1x1x1x8x128xf32, #tpu.memory_space<hbm>> -> memref<8x128xf32, #tpu.memory_space<hbm>>
        %dma_wait3A_1093 = tpu.memref_slice %arg9[%rem3A_812] : memref<4x!tpu.dma_semaphore, #tpu.memory_space<semaphore_mem>> -> memref<1x!tpu.dma_semaphore, #tpu.memory_space<semaphore_mem>>
        %dma_wait3A_1094 = tpu.memref_squeeze %dma_wait3A_1093 : memref<1x!tpu.dma_semaphore, #tpu.memory_space<semaphore_mem>> -> memref<!tpu.dma_semaphore, #tpu.memory_space<semaphore_mem>>
        %dma_wait3A_1095 = arith.constant 0 : i32
        %dma_wait3A_1096 = arith.constant 0 : i32
        %dma_wait3A_1097 = tpu.memref_slice %arg4[%dma_wait3A_1082, %dma_wait3A_1083, %dma_wait3A_1084, %dma_wait3A_1095, %dma_wait3A_1096] : memref<200x8x32x8x128xf32, #tpu.memory_space<hbm>> -> memref<1x1x1x8x128xf32, #tpu.memory_space<hbm>>
        %dma_wait3A_1098 = tpu.memref_squeeze %dma_wait3A_1097 : memref<1x1x1x8x128xf32, #tpu.memory_space<hbm>> -> memref<8x128xf32, #tpu.memory_space<hbm>>
        %dma_wait3A_1099 = arith.constant 0 : i32
        %dma_wait3A_1100 = arith.constant 0 : i32
        %dma_wait3A_1101 = tpu.memref_slice %arg7[%rem3A_812, %dma_wait3A_1099, %dma_wait3A_1100] : memref<4x64x129xf32, #tpu.memory_space<vmem>> -> memref<1x8x128xf32, #tpu.memory_space<vmem>>
        %dma_wait3A_1102 = tpu.memref_squeeze %dma_wait3A_1101 : memref<1x8x128xf32, #tpu.memory_space<vmem>> -> memref<8x128xf32, #tpu.memory_space<vmem>>
        tpu.wait_dma2 semaphore(%dma_wait3A_1094 : memref<!tpu.dma_semaphore, #tpu.memory_space<semaphore_mem>>) src(%dma_wait3A_1102 : memref<8x128xf32, #tpu.memory_space<vmem>>) dst(%dma_wait3A_1098 : memref<8x128xf32, #tpu.memory_space<hbm>>)
        %dma_wait3A_1103 = arith.constant 0 : i32
        %dma_wait3A_1104 = arith.constant 0 : i32
        %dma_wait3A_1105 = arith.constant 0 : i32
        %dma_wait3A_1106 = arith.constant 0 : i32
        %dma_wait3A_1107 = arith.constant 0 : i32
        %dma_wait3A_1108 = tpu.memref_slice %arg7[%rem3A_812, %dma_wait3A_1106, %dma_wait3A_1107] : memref<4x64x129xf32, #tpu.memory_space<vmem>> -> memref<1x8x128xf32, #tpu.memory_space<vmem>>
        %dma_wait3A_1109 = tpu.memref_squeeze %dma_wait3A_1108 : memref<1x8x128xf32, #tpu.memory_space<vmem>> -> memref<8x128xf32, #tpu.memory_space<vmem>>
        %dma_wait3A_1110 = arith.constant 0 : i32
        %dma_wait3A_1111 = arith.constant 0 : i32
        %dma_wait3A_1112 = tpu.memref_slice %arg4[%dma_wait3A_1103, %dma_wait3A_1104, %dma_wait3A_1105, %dma_wait3A_1110, %dma_wait3A_1111] : memref<200x8x32x8x128xf32, #tpu.memory_space<hbm>> -> memref<1x1x1x8x128xf32, #tpu.memory_space<hbm>>
        %dma_wait3A_1113 = tpu.memref_squeeze %dma_wait3A_1112 : memref<1x1x1x8x128xf32, #tpu.memory_space<hbm>> -> memref<8x128xf32, #tpu.memory_space<hbm>>
        %dma_wait3A_1114 = tpu.memref_slice %arg9[%rem3A_812] : memref<4x!tpu.dma_semaphore, #tpu.memory_space<semaphore_mem>> -> memref<1x!tpu.dma_semaphore, #tpu.memory_space<semaphore_mem>>
        %dma_wait3A_1115 = tpu.memref_squeeze %dma_wait3A_1114 : memref<1x!tpu.dma_semaphore, #tpu.memory_space<semaphore_mem>> -> memref<!tpu.dma_semaphore, #tpu.memory_space<semaphore_mem>>
        %dma_wait3A_1116 = arith.constant 0 : i32
        %dma_wait3A_1117 = arith.constant 0 : i32
        %dma_wait3A_1118 = tpu.memref_slice %arg4[%dma_wait3A_1103, %dma_wait3A_1104, %dma_wait3A_1105, %dma_wait3A_1116, %dma_wait3A_1117] : memref<200x8x32x8x128xf32, #tpu.memory_space<hbm>> -> memref<1x1x1x8x128xf32, #tpu.memory_space<hbm>>
        %dma_wait3A_1119 = tpu.memref_squeeze %dma_wait3A_1118 : memref<1x1x1x8x128xf32, #tpu.memory_space<hbm>> -> memref<8x128xf32, #tpu.memory_space<hbm>>
        %dma_wait3A_1120 = arith.constant 0 : i32
        %dma_wait3A_1121 = arith.constant 0 : i32
        %dma_wait3A_1122 = tpu.memref_slice %arg7[%rem3A_812, %dma_wait3A_1120, %dma_wait3A_1121] : memref<4x64x129xf32, #tpu.memory_space<vmem>> -> memref<1x8x128xf32, #tpu.memory_space<vmem>>
        %dma_wait3A_1123 = tpu.memref_squeeze %dma_wait3A_1122 : memref<1x8x128xf32, #tpu.memory_space<vmem>> -> memref<8x128xf32, #tpu.memory_space<vmem>>
        tpu.wait_dma2 semaphore(%dma_wait3A_1115 : memref<!tpu.dma_semaphore, #tpu.memory_space<semaphore_mem>>) src(%dma_wait3A_1123 : memref<8x128xf32, #tpu.memory_space<vmem>>) dst(%dma_wait3A_1119 : memref<8x128xf32, #tpu.memory_space<hbm>>)
        %dma_wait3A_1124 = arith.constant 0 : i32
        %dma_wait3A_1125 = arith.constant 0 : i32
        %dma_wait3A_1126 = arith.constant 0 : i32
        %dma_wait3A_1127 = arith.constant 0 : i32
        %dma_wait3A_1128 = arith.constant 0 : i32
        %dma_wait3A_1129 = tpu.memref_slice %arg7[%rem3A_812, %dma_wait3A_1127, %dma_wait3A_1128] : memref<4x64x129xf32, #tpu.memory_space<vmem>> -> memref<1x8x128xf32, #tpu.memory_space<vmem>>
        %dma_wait3A_1130 = tpu.memref_squeeze %dma_wait3A_1129 : memref<1x8x128xf32, #tpu.memory_space<vmem>> -> memref<8x128xf32, #tpu.memory_space<vmem>>
        %dma_wait3A_1131 = arith.constant 0 : i32
        %dma_wait3A_1132 = arith.constant 0 : i32
        %dma_wait3A_1133 = tpu.memref_slice %arg4[%dma_wait3A_1124, %dma_wait3A_1125, %dma_wait3A_1126, %dma_wait3A_1131, %dma_wait3A_1132] : memref<200x8x32x8x128xf32, #tpu.memory_space<hbm>> -> memref<1x1x1x8x128xf32, #tpu.memory_space<hbm>>
        %dma_wait3A_1134 = tpu.memref_squeeze %dma_wait3A_1133 : memref<1x1x1x8x128xf32, #tpu.memory_space<hbm>> -> memref<8x128xf32, #tpu.memory_space<hbm>>
        %dma_wait3A_1135 = tpu.memref_slice %arg9[%rem3A_812] : memref<4x!tpu.dma_semaphore, #tpu.memory_space<semaphore_mem>> -> memref<1x!tpu.dma_semaphore, #tpu.memory_space<semaphore_mem>>
        %dma_wait3A_1136 = tpu.memref_squeeze %dma_wait3A_1135 : memref<1x!tpu.dma_semaphore, #tpu.memory_space<semaphore_mem>> -> memref<!tpu.dma_semaphore, #tpu.memory_space<semaphore_mem>>
        %dma_wait3A_1137 = arith.constant 0 : i32
        %dma_wait3A_1138 = arith.constant 0 : i32
        %dma_wait3A_1139 = tpu.memref_slice %arg4[%dma_wait3A_1124, %dma_wait3A_1125, %dma_wait3A_1126, %dma_wait3A_1137, %dma_wait3A_1138] : memref<200x8x32x8x128xf32, #tpu.memory_space<hbm>> -> memref<1x1x1x8x128xf32, #tpu.memory_space<hbm>>
        %dma_wait3A_1140 = tpu.memref_squeeze %dma_wait3A_1139 : memref<1x1x1x8x128xf32, #tpu.memory_space<hbm>> -> memref<8x128xf32, #tpu.memory_space<hbm>>
        %dma_wait3A_1141 = arith.constant 0 : i32
        %dma_wait3A_1142 = arith.constant 0 : i32
        %dma_wait3A_1143 = tpu.memref_slice %arg7[%rem3A_812, %dma_wait3A_1141, %dma_wait3A_1142] : memref<4x64x129xf32, #tpu.memory_space<vmem>> -> memref<1x8x128xf32, #tpu.memory_space<vmem>>
        %dma_wait3A_1144 = tpu.memref_squeeze %dma_wait3A_1143 : memref<1x8x128xf32, #tpu.memory_space<vmem>> -> memref<8x128xf32, #tpu.memory_space<vmem>>
        tpu.wait_dma2 semaphore(%dma_wait3A_1136 : memref<!tpu.dma_semaphore, #tpu.memory_space<semaphore_mem>>) src(%dma_wait3A_1144 : memref<8x128xf32, #tpu.memory_space<vmem>>) dst(%dma_wait3A_1140 : memref<8x128xf32, #tpu.memory_space<hbm>>)
        %dma_wait3A_1145 = arith.constant 0 : i32
        %dma_wait3A_1146 = arith.constant 0 : i32
        %dma_wait3A_1147 = arith.constant 0 : i32
        %dma_wait3A_1148 = arith.constant 0 : i32
        %dma_wait3A_1149 = arith.constant 0 : i32
        %dma_wait3A_1150 = tpu.memref_slice %arg7[%rem3A_812, %dma_wait3A_1148, %dma_wait3A_1149] : memref<4x64x129xf32, #tpu.memory_space<vmem>> -> memref<1x8x128xf32, #tpu.memory_space<vmem>>
        %dma_wait3A_1151 = tpu.memref_squeeze %dma_wait3A_1150 : memref<1x8x128xf32, #tpu.memory_space<vmem>> -> memref<8x128xf32, #tpu.memory_space<vmem>>
        %dma_wait3A_1152 = arith.constant 0 : i32
        %dma_wait3A_1153 = arith.constant 0 : i32
        %dma_wait3A_1154 = tpu.memref_slice %arg4[%dma_wait3A_1145, %dma_wait3A_1146, %dma_wait3A_1147, %dma_wait3A_1152, %dma_wait3A_1153] : memref<200x8x32x8x128xf32, #tpu.memory_space<hbm>> -> memref<1x1x1x8x128xf32, #tpu.memory_space<hbm>>
        %dma_wait3A_1155 = tpu.memref_squeeze %dma_wait3A_1154 : memref<1x1x1x8x128xf32, #tpu.memory_space<hbm>> -> memref<8x128xf32, #tpu.memory_space<hbm>>
        %dma_wait3A_1156 = tpu.memref_slice %arg9[%rem3A_812] : memref<4x!tpu.dma_semaphore, #tpu.memory_space<semaphore_mem>> -> memref<1x!tpu.dma_semaphore, #tpu.memory_space<semaphore_mem>>
        %dma_wait3A_1157 = tpu.memref_squeeze %dma_wait3A_1156 : memref<1x!tpu.dma_semaphore, #tpu.memory_space<semaphore_mem>> -> memref<!tpu.dma_semaphore, #tpu.memory_space<semaphore_mem>>
        %dma_wait3A_1158 = arith.constant 0 : i32
        %dma_wait3A_1159 = arith.constant 0 : i32
        %dma_wait3A_1160 = tpu.memref_slice %arg4[%dma_wait3A_1145, %dma_wait3A_1146, %dma_wait3A_1147, %dma_wait3A_1158, %dma_wait3A_1159] : memref<200x8x32x8x128xf32, #tpu.memory_space<hbm>> -> memref<1x1x1x8x128xf32, #tpu.memory_space<hbm>>
        %dma_wait3A_1161 = tpu.memref_squeeze %dma_wait3A_1160 : memref<1x1x1x8x128xf32, #tpu.memory_space<hbm>> -> memref<8x128xf32, #tpu.memory_space<hbm>>
        %dma_wait3A_1162 = arith.constant 0 : i32
        %dma_wait3A_1163 = arith.constant 0 : i32
        %dma_wait3A_1164 = tpu.memref_slice %arg7[%rem3A_812, %dma_wait3A_1162, %dma_wait3A_1163] : memref<4x64x129xf32, #tpu.memory_space<vmem>> -> memref<1x8x128xf32, #tpu.memory_space<vmem>>
        %dma_wait3A_1165 = tpu.memref_squeeze %dma_wait3A_1164 : memref<1x8x128xf32, #tpu.memory_space<vmem>> -> memref<8x128xf32, #tpu.memory_space<vmem>>
        tpu.wait_dma2 semaphore(%dma_wait3A_1157 : memref<!tpu.dma_semaphore, #tpu.memory_space<semaphore_mem>>) src(%dma_wait3A_1165 : memref<8x128xf32, #tpu.memory_space<vmem>>) dst(%dma_wait3A_1161 : memref<8x128xf32, #tpu.memory_space<hbm>>)
        %dma_wait3A_1166 = arith.constant 0 : i32
        %dma_wait3A_1167 = arith.constant 0 : i32
        %dma_wait3A_1168 = arith.constant 0 : i32
        %dma_wait3A_1169 = arith.constant 0 : i32
        %dma_wait3A_1170 = arith.constant 0 : i32
        %dma_wait3A_1171 = tpu.memref_slice %arg7[%rem3A_812, %dma_wait3A_1169, %dma_wait3A_1170] : memref<4x64x129xf32, #tpu.memory_space<vmem>> -> memref<1x8x128xf32, #tpu.memory_space<vmem>>
        %dma_wait3A_1172 = tpu.memref_squeeze %dma_wait3A_1171 : memref<1x8x128xf32, #tpu.memory_space<vmem>> -> memref<8x128xf32, #tpu.memory_space<vmem>>
        %dma_wait3A_1173 = arith.constant 0 : i32
        %dma_wait3A_1174 = arith.constant 0 : i32
        %dma_wait3A_1175 = tpu.memref_slice %arg4[%dma_wait3A_1166, %dma_wait3A_1167, %dma_wait3A_1168, %dma_wait3A_1173, %dma_wait3A_1174] : memref<200x8x32x8x128xf32, #tpu.memory_space<hbm>> -> memref<1x1x1x8x128xf32, #tpu.memory_space<hbm>>
        %dma_wait3A_1176 = tpu.memref_squeeze %dma_wait3A_1175 : memref<1x1x1x8x128xf32, #tpu.memory_space<hbm>> -> memref<8x128xf32, #tpu.memory_space<hbm>>
        %dma_wait3A_1177 = tpu.memref_slice %arg9[%rem3A_812] : memref<4x!tpu.dma_semaphore, #tpu.memory_space<semaphore_mem>> -> memref<1x!tpu.dma_semaphore, #tpu.memory_space<semaphore_mem>>
        %dma_wait3A_1178 = tpu.memref_squeeze %dma_wait3A_1177 : memref<1x!tpu.dma_semaphore, #tpu.memory_space<semaphore_mem>> -> memref<!tpu.dma_semaphore, #tpu.memory_space<semaphore_mem>>
        %dma_wait3A_1179 = arith.constant 0 : i32
        %dma_wait3A_1180 = arith.constant 0 : i32
        %dma_wait3A_1181 = tpu.memref_slice %arg4[%dma_wait3A_1166, %dma_wait3A_1167, %dma_wait3A_1168, %dma_wait3A_1179, %dma_wait3A_1180] : memref<200x8x32x8x128xf32, #tpu.memory_space<hbm>> -> memref<1x1x1x8x128xf32, #tpu.memory_space<hbm>>
        %dma_wait3A_1182 = tpu.memref_squeeze %dma_wait3A_1181 : memref<1x1x1x8x128xf32, #tpu.memory_space<hbm>> -> memref<8x128xf32, #tpu.memory_space<hbm>>
        %dma_wait3A_1183 = arith.constant 0 : i32
        %dma_wait3A_1184 = arith.constant 0 : i32
        %dma_wait3A_1185 = tpu.memref_slice %arg7[%rem3A_812, %dma_wait3A_1183, %dma_wait3A_1184] : memref<4x64x129xf32, #tpu.memory_space<vmem>> -> memref<1x8x128xf32, #tpu.memory_space<vmem>>
        %dma_wait3A_1186 = tpu.memref_squeeze %dma_wait3A_1185 : memref<1x8x128xf32, #tpu.memory_space<vmem>> -> memref<8x128xf32, #tpu.memory_space<vmem>>
        tpu.wait_dma2 semaphore(%dma_wait3A_1178 : memref<!tpu.dma_semaphore, #tpu.memory_space<semaphore_mem>>) src(%dma_wait3A_1186 : memref<8x128xf32, #tpu.memory_space<vmem>>) dst(%dma_wait3A_1182 : memref<8x128xf32, #tpu.memory_space<hbm>>)
      } else {
      }
      %parallel_loop3A = arith.constant 0 : i32
      %parallel_loop3A_826 = arith.constant 128 : i32
      %parallel_loop3A_827 = arith.constant 1 : i32
      scf.for %parallel_loop3A_1019 = %parallel_loop3A to %parallel_loop3A_826 step %parallel_loop3A_827  : i32 {
        %parallel_loop3A_1020 = vector.broadcast %parallel_loop3A_1019 : i32 to vector<16xi32>
        %parallel_loop3A_1021 = arith.constant 0 : i32
        %parallel_loop3A_1022 = arith.constant 0 : i32
        %parallel_loop3A_1023 = tpu.memref_slice %arg6[%rem3A_812, %parallel_loop3A_1021, %parallel_loop3A_1022] : memref<4x128x64xf32, #tpu.memory_space<vmem>> -> memref<1x128x64xf32, #tpu.memory_space<vmem>>
        %parallel_loop3A_1024 = tpu.memref_squeeze %parallel_loop3A_1023 : memref<1x128x64xf32, #tpu.memory_space<vmem>> -> memref<128x64xf32, #tpu.memory_space<vmem>>
        %parallel_loop3A_1025 = arith.index_cast %parallel_loop3A_1019 : i32 to index
        %parallel_loop3A_1026 = arith.constant 0 : index
        %parallel_loop3A_1027 = tpu.vector_load %parallel_loop3A_1024[%parallel_loop3A_1025, %parallel_loop3A_1026] {strides = array<i32>} : memref<128x64xf32, #tpu.memory_space<vmem>>, vector<16xf32>,
        %parallel_loop3A_1028 = arith.constant 8.000000e+00 : f32
        %parallel_loop3A_1029 = vector.broadcast %parallel_loop3A_1028 : f32 to vector<16xf32>
        %parallel_loop3A_1030 = arith.mulf %parallel_loop3A_1027, %parallel_loop3A_1029 : vector<16xf32>
        %parallel_loop3A_1031 = arith.constant 0 : i32
        %parallel_loop3A_1032 = arith.constant 0 : i32
        %parallel_loop3A_1033 = tpu.memref_slice %arg7[%rem3A_812, %parallel_loop3A_1031, %parallel_loop3A_1032] : memref<4x64x129xf32, #tpu.memory_space<vmem>> -> memref<1x64x129xf32, #tpu.memory_space<vmem>>
        %parallel_loop3A_1034 = tpu.memref_squeeze %parallel_loop3A_1033 : memref<1x64x129xf32, #tpu.memory_space<vmem>> -> memref<64x129xf32, #tpu.memory_space<vmem>>
        tpu.vector_store_idx %parallel_loop3A_1034[%add3A_7, %parallel_loop3A_1020], %parallel_loop3A_1030 : memref<64x129xf32, #tpu.memory_space<vmem>>[vector<16xi32>, vector<16xi32>], vector<16xf32>,
        %parallel_loop3A_1035 = arith.constant 0 : i32
        %parallel_loop3A_1036 = arith.constant 0 : i32
        %parallel_loop3A_1037 = tpu.memref_slice %arg6[%rem3A_812, %parallel_loop3A_1035, %parallel_loop3A_1036] : memref<4x128x64xf32, #tpu.memory_space<vmem>> -> memref<1x128x64xf32, #tpu.memory_space<vmem>>
        %parallel_loop3A_1038 = tpu.memref_squeeze %parallel_loop3A_1037 : memref<1x128x64xf32, #tpu.memory_space<vmem>> -> memref<128x64xf32, #tpu.memory_space<vmem>>
        %parallel_loop3A_1039 = arith.index_cast %parallel_loop3A_1019 : i32 to index
        %parallel_loop3A_1040 = arith.constant 16 : index
        %parallel_loop3A_1041 = tpu.vector_load %parallel_loop3A_1038[%parallel_loop3A_1039, %parallel_loop3A_1040] {strides = array<i32>} : memref<128x64xf32, #tpu.memory_space<vmem>>, vector<16xf32>,
        %parallel_loop3A_1042 = arith.constant 8.000000e+00 : f32
        %parallel_loop3A_1043 = vector.broadcast %parallel_loop3A_1042 : f32 to vector<16xf32>
        %parallel_loop3A_1044 = arith.mulf %parallel_loop3A_1041, %parallel_loop3A_1043 : vector<16xf32>
        %parallel_loop3A_1045 = arith.constant 0 : i32
        %parallel_loop3A_1046 = arith.constant 0 : i32
        %parallel_loop3A_1047 = tpu.memref_slice %arg7[%rem3A_812, %parallel_loop3A_1045, %parallel_loop3A_1046] : memref<4x64x129xf32, #tpu.memory_space<vmem>> -> memref<1x64x129xf32, #tpu.memory_space<vmem>>
        %parallel_loop3A_1048 = tpu.memref_squeeze %parallel_loop3A_1047 : memref<1x64x129xf32, #tpu.memory_space<vmem>> -> memref<64x129xf32, #tpu.memory_space<vmem>>
        tpu.vector_store_idx %parallel_loop3A_1048[%add3A_10, %parallel_loop3A_1020], %parallel_loop3A_1044 : memref<64x129xf32, #tpu.memory_space<vmem>>[vector<16xi32>, vector<16xi32>], vector<16xf32>,
        %parallel_loop3A_1049 = arith.constant 0 : i32
        %parallel_loop3A_1050 = arith.constant 0 : i32
        %parallel_loop3A_1051 = tpu.memref_slice %arg6[%rem3A_812, %parallel_loop3A_1049, %parallel_loop3A_1050] : memref<4x128x64xf32, #tpu.memory_space<vmem>> -> memref<1x128x64xf32, #tpu.memory_space<vmem>>
        %parallel_loop3A_1052 = tpu.memref_squeeze %parallel_loop3A_1051 : memref<1x128x64xf32, #tpu.memory_space<vmem>> -> memref<128x64xf32, #tpu.memory_space<vmem>>
        %parallel_loop3A_1053 = arith.index_cast %parallel_loop3A_1019 : i32 to index
        %parallel_loop3A_1054 = arith.constant 32 : index
        %parallel_loop3A_1055 = tpu.vector_load %parallel_loop3A_1052[%parallel_loop3A_1053, %parallel_loop3A_1054] {strides = array<i32>} : memref<128x64xf32, #tpu.memory_space<vmem>>, vector<16xf32>,
        %parallel_loop3A_1056 = arith.constant 8.000000e+00 : f32
        %parallel_loop3A_1057 = vector.broadcast %parallel_loop3A_1056 : f32 to vector<16xf32>
        %parallel_loop3A_1058 = arith.mulf %parallel_loop3A_1055, %parallel_loop3A_1057 : vector<16xf32>
        %parallel_loop3A_1059 = arith.constant 0 : i32
        %parallel_loop3A_1060 = arith.constant 0 : i32
        %parallel_loop3A_1061 = tpu.memref_slice %arg7[%rem3A_812, %parallel_loop3A_1059, %parallel_loop3A_1060] : memref<4x64x129xf32, #tpu.memory_space<vmem>> -> memref<1x64x129xf32, #tpu.memory_space<vmem>>
        %parallel_loop3A_1062 = tpu.memref_squeeze %parallel_loop3A_1061 : memref<1x64x129xf32, #tpu.memory_space<vmem>> -> memref<64x129xf32, #tpu.memory_space<vmem>>
        tpu.vector_store_idx %parallel_loop3A_1062[%add3A_13, %parallel_loop3A_1020], %parallel_loop3A_1058 : memref<64x129xf32, #tpu.memory_space<vmem>>[vector<16xi32>, vector<16xi32>], vector<16xf32>,
        %parallel_loop3A_1063 = arith.constant 0 : i32
        %parallel_loop3A_1064 = arith.constant 0 : i32
        %parallel_loop3A_1065 = tpu.memref_slice %arg6[%rem3A_812, %parallel_loop3A_1063, %parallel_loop3A_1064] : memref<4x128x64xf32, #tpu.memory_space<vmem>> -> memref<1x128x64xf32, #tpu.memory_space<vmem>>
        %parallel_loop3A_1066 = tpu.memref_squeeze %parallel_loop3A_1065 : memref<1x128x64xf32, #tpu.memory_space<vmem>> -> memref<128x64xf32, #tpu.memory_space<vmem>>
        %parallel_loop3A_1067 = arith.index_cast %parallel_loop3A_1019 : i32 to index
        %parallel_loop3A_1068 = arith.constant 48 : index
        %parallel_loop3A_1069 = tpu.vector_load %parallel_loop3A_1066[%parallel_loop3A_1067, %parallel_loop3A_1068] {strides = array<i32>} : memref<128x64xf32, #tpu.memory_space<vmem>>, vector<16xf32>,
        %parallel_loop3A_1070 = arith.constant 8.000000e+00 : f32
        %parallel_loop3A_1071 = vector.broadcast %parallel_loop3A_1070 : f32 to vector<16xf32>
        %parallel_loop3A_1072 = arith.mulf %parallel_loop3A_1069, %parallel_loop3A_1071 : vector<16xf32>
        %parallel_loop3A_1073 = arith.constant 0 : i32
        %parallel_loop3A_1074 = arith.constant 0 : i32
        %parallel_loop3A_1075 = tpu.memref_slice %arg7[%rem3A_812, %parallel_loop3A_1073, %parallel_loop3A_1074] : memref<4x64x129xf32, #tpu.memory_space<vmem>> -> memref<1x64x129xf32, #tpu.memory_space<vmem>>
        %parallel_loop3A_1076 = tpu.memref_squeeze %parallel_loop3A_1075 : memref<1x64x129xf32, #tpu.memory_space<vmem>> -> memref<64x129xf32, #tpu.memory_space<vmem>>
        tpu.vector_store_idx %parallel_loop3A_1076[%add3A_16, %parallel_loop3A_1020], %parallel_loop3A_1072 : memref<64x129xf32, #tpu.memory_space<vmem>>[vector<16xi32>, vector<16xi32>], vector<16xf32>,
      } {sc.loop_unroll_factor = 8 : i64, sc.parallel_access}
      %add3A_828 = arith.addi %mul3A_2, %add3A_811 : i32
      %jit3A = arith.constant 32 : i32
      %div3A = arith.divsi %add3A_828, %jit3A : i32
      %sign3A = arith.constant 0 : i32
      %sign3A_829 = arith.cmpi sgt, %add3A_828, %sign3A : i32
      %sign3A_830 = arith.extui %sign3A_829 : i1 to i32
      %sign3A_831 = arith.constant 0 : i32
      %sign3A_832 = arith.cmpi slt, %add3A_828, %sign3A_831 : i32
      %sign3A_833 = arith.extui %sign3A_832 : i1 to i32
      %sign3A_834 = arith.subi %sign3A_830, %sign3A_833 : i32
      %sign3A_835 = arith.constant 0 : i32
      %sign3A_836 = arith.cmpi sgt, %jit3A, %sign3A_835 : i32
      %sign3A_837 = arith.extui %sign3A_836 : i1 to i32
      %sign3A_838 = arith.constant 0 : i32
      %sign3A_839 = arith.cmpi slt, %jit3A, %sign3A_838 : i32
      %sign3A_840 = arith.extui %sign3A_839 : i1 to i32
      %sign3A_841 = arith.subi %sign3A_837, %sign3A_840 : i32
      %ne3A = arith.cmpi ne, %sign3A_834, %sign3A_841 : i32
      %rem3A_842 = arith.remsi %add3A_828, %jit3A : i32
      %ne3A_843 = arith.constant 0 : i32
      %ne3A_844 = arith.cmpi ne, %rem3A_842, %ne3A_843 : i32
      %and3A = arith.andi %ne3A, %ne3A_844 : i1
      %sub3A = arith.constant 1 : i32
      %sub3A_845 = arith.subi %div3A, %sub3A : i32
      %select_n3A = arith.select %and3A, %sub3A_845, %div3A : i32
      %jit3A_846 = arith.constant 32 : i32
      %eq3A = arith.constant 0 : i32
      %eq3A_847 = arith.cmpi eq, %jit3A_846, %eq3A : i32
      %jit3A_848 = arith.constant 1 : i32
      %select_n3A_849 = arith.select %eq3A_847, %jit3A_848, %jit3A_846 : i32
      %rem3A_850 = arith.remsi %add3A_828, %select_n3A_849 : i32
      %ne3A_851 = arith.constant 0 : i32
      %ne3A_852 = arith.cmpi ne, %rem3A_850, %ne3A_851 : i32
      %lt3A = arith.constant 0 : i32
      %lt3A_853 = arith.cmpi slt, %rem3A_850, %lt3A : i32
      %lt3A_854 = arith.constant 0 : i32
      %lt3A_855 = arith.cmpi slt, %select_n3A_849, %lt3A_854 : i32
      %ne3A_856 = arith.xori %lt3A_853, %lt3A_855 : i1
      %and3A_857 = arith.andi %ne3A_856, %ne3A_852 : i1
      %add3A_858 = arith.addi %rem3A_850, %select_n3A_849 : i32
      %select_n3A_859 = arith.select %and3A_857, %add3A_858, %rem3A_850 : i32
      %dma_start3A_860 = arith.constant 0 : i32
      %dma_start3A_861 = arith.constant 0 : i32
      %dma_start3A_862 = arith.constant 0 : i32
      %dma_start3A_863 = tpu.memref_slice %arg7[%rem3A_812, %dma_start3A_861, %dma_start3A_862] : memref<4x64x129xf32, #tpu.memory_space<vmem>> -> memref<1x8x128xf32, #tpu.memory_space<vmem>>
      %dma_start3A_864 = tpu.memref_squeeze %dma_start3A_863 : memref<1x8x128xf32, #tpu.memory_space<vmem>> -> memref<8x128xf32, #tpu.memory_space<vmem>>
      %dma_start3A_865 = arith.constant 0 : i32
      %dma_start3A_866 = arith.constant 0 : i32
      %dma_start3A_867 = tpu.memref_slice %arg4[%select_n3A, %dma_start3A_860, %select_n3A_859, %dma_start3A_865, %dma_start3A_866] : memref<200x8x32x8x128xf32, #tpu.memory_space<hbm>> -> memref<1x1x1x8x128xf32, #tpu.memory_space<hbm>>
      %dma_start3A_868 = tpu.memref_squeeze %dma_start3A_867 : memref<1x1x1x8x128xf32, #tpu.memory_space<hbm>> -> memref<8x128xf32, #tpu.memory_space<hbm>>
      %dma_start3A_869 = tpu.memref_slice %arg9[%rem3A_812] : memref<4x!tpu.dma_semaphore, #tpu.memory_space<semaphore_mem>> -> memref<1x!tpu.dma_semaphore, #tpu.memory_space<semaphore_mem>>
      %dma_start3A_870 = tpu.memref_squeeze %dma_start3A_869 : memref<1x!tpu.dma_semaphore, #tpu.memory_space<semaphore_mem>> -> memref<!tpu.dma_semaphore, #tpu.memory_space<semaphore_mem>>
      %dma_start3A_871 = arith.constant 0 : i32
      %dma_start3A_872 = arith.constant 0 : i32
      %dma_start3A_873 = tpu.memref_slice %arg4[%select_n3A, %dma_start3A_860, %select_n3A_859, %dma_start3A_871, %dma_start3A_872] : memref<200x8x32x8x128xf32, #tpu.memory_space<hbm>> -> memref<1x1x1x8x128xf32, #tpu.memory_space<hbm>>
      %dma_start3A_874 = tpu.memref_squeeze %dma_start3A_873 : memref<1x1x1x8x128xf32, #tpu.memory_space<hbm>> -> memref<8x128xf32, #tpu.memory_space<hbm>>
      %dma_start3A_875 = arith.constant 0 : i32
      %dma_start3A_876 = arith.constant 0 : i32
      %dma_start3A_877 = tpu.memref_slice %arg7[%rem3A_812, %dma_start3A_875, %dma_start3A_876] : memref<4x64x129xf32, #tpu.memory_space<vmem>> -> memref<1x8x128xf32, #tpu.memory_space<vmem>>
      %dma_start3A_878 = tpu.memref_squeeze %dma_start3A_877 : memref<1x8x128xf32, #tpu.memory_space<vmem>> -> memref<8x128xf32, #tpu.memory_space<vmem>>
      tpu.enqueue_dma source(%dma_start3A_878 : memref<8x128xf32, #tpu.memory_space<vmem>>) target(%dma_start3A_874 : memref<8x128xf32, #tpu.memory_space<hbm>>) target_semaphore(%dma_start3A_870 : memref<!tpu.dma_semaphore, #tpu.memory_space<semaphore_mem>>)
      %dma_start3A_879 = arith.constant 1 : i32
      %dma_start3A_880 = arith.constant 8 : i32
      %dma_start3A_881 = arith.constant 0 : i32
      %dma_start3A_882 = tpu.memref_slice %arg7[%rem3A_812, %dma_start3A_880, %dma_start3A_881] : memref<4x64x129xf32, #tpu.memory_space<vmem>> -> memref<1x8x128xf32, #tpu.memory_space<vmem>>
      %dma_start3A_883 = tpu.memref_squeeze %dma_start3A_882 : memref<1x8x128xf32, #tpu.memory_space<vmem>> -> memref<8x128xf32, #tpu.memory_space<vmem>>
      %dma_start3A_884 = arith.constant 0 : i32
      %dma_start3A_885 = arith.constant 0 : i32
      %dma_start3A_886 = tpu.memref_slice %arg4[%select_n3A, %dma_start3A_879, %select_n3A_859, %dma_start3A_884, %dma_start3A_885] : memref<200x8x32x8x128xf32, #tpu.memory_space<hbm>> -> memref<1x1x1x8x128xf32, #tpu.memory_space<hbm>>
      %dma_start3A_887 = tpu.memref_squeeze %dma_start3A_886 : memref<1x1x1x8x128xf32, #tpu.memory_space<hbm>> -> memref<8x128xf32, #tpu.memory_space<hbm>>
      %dma_start3A_888 = tpu.memref_slice %arg9[%rem3A_812] : memref<4x!tpu.dma_semaphore, #tpu.memory_space<semaphore_mem>> -> memref<1x!tpu.dma_semaphore, #tpu.memory_space<semaphore_mem>>
      %dma_start3A_889 = tpu.memref_squeeze %dma_start3A_888 : memref<1x!tpu.dma_semaphore, #tpu.memory_space<semaphore_mem>> -> memref<!tpu.dma_semaphore, #tpu.memory_space<semaphore_mem>>
      %dma_start3A_890 = arith.constant 0 : i32
      %dma_start3A_891 = arith.constant 0 : i32
      %dma_start3A_892 = tpu.memref_slice %arg4[%select_n3A, %dma_start3A_879, %select_n3A_859, %dma_start3A_890, %dma_start3A_891] : memref<200x8x32x8x128xf32, #tpu.memory_space<hbm>> -> memref<1x1x1x8x128xf32, #tpu.memory_space<hbm>>
      %dma_start3A_893 = tpu.memref_squeeze %dma_start3A_892 : memref<1x1x1x8x128xf32, #tpu.memory_space<hbm>> -> memref<8x128xf32, #tpu.memory_space<hbm>>
      %dma_start3A_894 = arith.constant 8 : i32
      %dma_start3A_895 = arith.constant 0 : i32
      %dma_start3A_896 = tpu.memref_slice %arg7[%rem3A_812, %dma_start3A_894, %dma_start3A_895] : memref<4x64x129xf32, #tpu.memory_space<vmem>> -> memref<1x8x128xf32, #tpu.memory_space<vmem>>
      %dma_start3A_897 = tpu.memref_squeeze %dma_start3A_896 : memref<1x8x128xf32, #tpu.memory_space<vmem>> -> memref<8x128xf32, #tpu.memory_space<vmem>>
      tpu.enqueue_dma source(%dma_start3A_897 : memref<8x128xf32, #tpu.memory_space<vmem>>) target(%dma_start3A_893 : memref<8x128xf32, #tpu.memory_space<hbm>>) target_semaphore(%dma_start3A_889 : memref<!tpu.dma_semaphore, #tpu.memory_space<semaphore_mem>>)
      %dma_start3A_898 = arith.constant 2 : i32
      %dma_start3A_899 = arith.constant 16 : i32
      %dma_start3A_900 = arith.constant 0 : i32
      %dma_start3A_901 = tpu.memref_slice %arg7[%rem3A_812, %dma_start3A_899, %dma_start3A_900] : memref<4x64x129xf32, #tpu.memory_space<vmem>> -> memref<1x8x128xf32, #tpu.memory_space<vmem>>
      %dma_start3A_902 = tpu.memref_squeeze %dma_start3A_901 : memref<1x8x128xf32, #tpu.memory_space<vmem>> -> memref<8x128xf32, #tpu.memory_space<vmem>>
      %dma_start3A_903 = arith.constant 0 : i32
      %dma_start3A_904 = arith.constant 0 : i32
      %dma_start3A_905 = tpu.memref_slice %arg4[%select_n3A, %dma_start3A_898, %select_n3A_859, %dma_start3A_903, %dma_start3A_904] : memref<200x8x32x8x128xf32, #tpu.memory_space<hbm>> -> memref<1x1x1x8x128xf32, #tpu.memory_space<hbm>>
      %dma_start3A_906 = tpu.memref_squeeze %dma_start3A_905 : memref<1x1x1x8x128xf32, #tpu.memory_space<hbm>> -> memref<8x128xf32, #tpu.memory_space<hbm>>
      %dma_start3A_907 = tpu.memref_slice %arg9[%rem3A_812] : memref<4x!tpu.dma_semaphore, #tpu.memory_space<semaphore_mem>> -> memref<1x!tpu.dma_semaphore, #tpu.memory_space<semaphore_mem>>
      %dma_start3A_908 = tpu.memref_squeeze %dma_start3A_907 : memref<1x!tpu.dma_semaphore, #tpu.memory_space<semaphore_mem>> -> memref<!tpu.dma_semaphore, #tpu.memory_space<semaphore_mem>>
      %dma_start3A_909 = arith.constant 0 : i32
      %dma_start3A_910 = arith.constant 0 : i32
      %dma_start3A_911 = tpu.memref_slice %arg4[%select_n3A, %dma_start3A_898, %select_n3A_859, %dma_start3A_909, %dma_start3A_910] : memref<200x8x32x8x128xf32, #tpu.memory_space<hbm>> -> memref<1x1x1x8x128xf32, #tpu.memory_space<hbm>>
      %dma_start3A_912 = tpu.memref_squeeze %dma_start3A_911 : memref<1x1x1x8x128xf32, #tpu.memory_space<hbm>> -> memref<8x128xf32, #tpu.memory_space<hbm>>
      %dma_start3A_913 = arith.constant 16 : i32
      %dma_start3A_914 = arith.constant 0 : i32
      %dma_start3A_915 = tpu.memref_slice %arg7[%rem3A_812, %dma_start3A_913, %dma_start3A_914] : memref<4x64x129xf32, #tpu.memory_space<vmem>> -> memref<1x8x128xf32, #tpu.memory_space<vmem>>
      %dma_start3A_916 = tpu.memref_squeeze %dma_start3A_915 : memref<1x8x128xf32, #tpu.memory_space<vmem>> -> memref<8x128xf32, #tpu.memory_space<vmem>>
      tpu.enqueue_dma source(%dma_start3A_916 : memref<8x128xf32, #tpu.memory_space<vmem>>) target(%dma_start3A_912 : memref<8x128xf32, #tpu.memory_space<hbm>>) target_semaphore(%dma_start3A_908 : memref<!tpu.dma_semaphore, #tpu.memory_space<semaphore_mem>>)
      %dma_start3A_917 = arith.constant 3 : i32
      %dma_start3A_918 = arith.constant 24 : i32
      %dma_start3A_919 = arith.constant 0 : i32
      %dma_start3A_920 = tpu.memref_slice %arg7[%rem3A_812, %dma_start3A_918, %dma_start3A_919] : memref<4x64x129xf32, #tpu.memory_space<vmem>> -> memref<1x8x128xf32, #tpu.memory_space<vmem>>
      %dma_start3A_921 = tpu.memref_squeeze %dma_start3A_920 : memref<1x8x128xf32, #tpu.memory_space<vmem>> -> memref<8x128xf32, #tpu.memory_space<vmem>>
      %dma_start3A_922 = arith.constant 0 : i32
      %dma_start3A_923 = arith.constant 0 : i32
      %dma_start3A_924 = tpu.memref_slice %arg4[%select_n3A, %dma_start3A_917, %select_n3A_859, %dma_start3A_922, %dma_start3A_923] : memref<200x8x32x8x128xf32, #tpu.memory_space<hbm>> -> memref<1x1x1x8x128xf32, #tpu.memory_space<hbm>>
      %dma_start3A_925 = tpu.memref_squeeze %dma_start3A_924 : memref<1x1x1x8x128xf32, #tpu.memory_space<hbm>> -> memref<8x128xf32, #tpu.memory_space<hbm>>
      %dma_start3A_926 = tpu.memref_slice %arg9[%rem3A_812] : memref<4x!tpu.dma_semaphore, #tpu.memory_space<semaphore_mem>> -> memref<1x!tpu.dma_semaphore, #tpu.memory_space<semaphore_mem>>
      %dma_start3A_927 = tpu.memref_squeeze %dma_start3A_926 : memref<1x!tpu.dma_semaphore, #tpu.memory_space<semaphore_mem>> -> memref<!tpu.dma_semaphore, #tpu.memory_space<semaphore_mem>>
      %dma_start3A_928 = arith.constant 0 : i32
      %dma_start3A_929 = arith.constant 0 : i32
      %dma_start3A_930 = tpu.memref_slice %arg4[%select_n3A, %dma_start3A_917, %select_n3A_859, %dma_start3A_928, %dma_start3A_929] : memref<200x8x32x8x128xf32, #tpu.memory_space<hbm>> -> memref<1x1x1x8x128xf32, #tpu.memory_space<hbm>>
      %dma_start3A_931 = tpu.memref_squeeze %dma_start3A_930 : memref<1x1x1x8x128xf32, #tpu.memory_space<hbm>> -> memref<8x128xf32, #tpu.memory_space<hbm>>
      %dma_start3A_932 = arith.constant 24 : i32
      %dma_start3A_933 = arith.constant 0 : i32
      %dma_start3A_934 = tpu.memref_slice %arg7[%rem3A_812, %dma_start3A_932, %dma_start3A_933] : memref<4x64x129xf32, #tpu.memory_space<vmem>> -> memref<1x8x128xf32, #tpu.memory_space<vmem>>
      %dma_start3A_935 = tpu.memref_squeeze %dma_start3A_934 : memref<1x8x128xf32, #tpu.memory_space<vmem>> -> memref<8x128xf32, #tpu.memory_space<vmem>>
      tpu.enqueue_dma source(%dma_start3A_935 : memref<8x128xf32, #tpu.memory_space<vmem>>) target(%dma_start3A_931 : memref<8x128xf32, #tpu.memory_space<hbm>>) target_semaphore(%dma_start3A_927 : memref<!tpu.dma_semaphore, #tpu.memory_space<semaphore_mem>>)
      %dma_start3A_936 = arith.constant 4 : i32
      %dma_start3A_937 = arith.constant 32 : i32
      %dma_start3A_938 = arith.constant 0 : i32
      %dma_start3A_939 = tpu.memref_slice %arg7[%rem3A_812, %dma_start3A_937, %dma_start3A_938] : memref<4x64x129xf32, #tpu.memory_space<vmem>> -> memref<1x8x128xf32, #tpu.memory_space<vmem>>
      %dma_start3A_940 = tpu.memref_squeeze %dma_start3A_939 : memref<1x8x128xf32, #tpu.memory_space<vmem>> -> memref<8x128xf32, #tpu.memory_space<vmem>>
      %dma_start3A_941 = arith.constant 0 : i32
      %dma_start3A_942 = arith.constant 0 : i32
      %dma_start3A_943 = tpu.memref_slice %arg4[%select_n3A, %dma_start3A_936, %select_n3A_859, %dma_start3A_941, %dma_start3A_942] : memref<200x8x32x8x128xf32, #tpu.memory_space<hbm>> -> memref<1x1x1x8x128xf32, #tpu.memory_space<hbm>>
      %dma_start3A_944 = tpu.memref_squeeze %dma_start3A_943 : memref<1x1x1x8x128xf32, #tpu.memory_space<hbm>> -> memref<8x128xf32, #tpu.memory_space<hbm>>
      %dma_start3A_945 = tpu.memref_slice %arg9[%rem3A_812] : memref<4x!tpu.dma_semaphore, #tpu.memory_space<semaphore_mem>> -> memref<1x!tpu.dma_semaphore, #tpu.memory_space<semaphore_mem>>
      %dma_start3A_946 = tpu.memref_squeeze %dma_start3A_945 : memref<1x!tpu.dma_semaphore, #tpu.memory_space<semaphore_mem>> -> memref<!tpu.dma_semaphore, #tpu.memory_space<semaphore_mem>>
      %dma_start3A_947 = arith.constant 0 : i32
      %dma_start3A_948 = arith.constant 0 : i32
      %dma_start3A_949 = tpu.memref_slice %arg4[%select_n3A, %dma_start3A_936, %select_n3A_859, %dma_start3A_947, %dma_start3A_948] : memref<200x8x32x8x128xf32, #tpu.memory_space<hbm>> -> memref<1x1x1x8x128xf32, #tpu.memory_space<hbm>>
      %dma_start3A_950 = tpu.memref_squeeze %dma_start3A_949 : memref<1x1x1x8x128xf32, #tpu.memory_space<hbm>> -> memref<8x128xf32, #tpu.memory_space<hbm>>
      %dma_start3A_951 = arith.constant 32 : i32
      %dma_start3A_952 = arith.constant 0 : i32
      %dma_start3A_953 = tpu.memref_slice %arg7[%rem3A_812, %dma_start3A_951, %dma_start3A_952] : memref<4x64x129xf32, #tpu.memory_space<vmem>> -> memref<1x8x128xf32, #tpu.memory_space<vmem>>
      %dma_start3A_954 = tpu.memref_squeeze %dma_start3A_953 : memref<1x8x128xf32, #tpu.memory_space<vmem>> -> memref<8x128xf32, #tpu.memory_space<vmem>>
      tpu.enqueue_dma source(%dma_start3A_954 : memref<8x128xf32, #tpu.memory_space<vmem>>) target(%dma_start3A_950 : memref<8x128xf32, #tpu.memory_space<hbm>>) target_semaphore(%dma_start3A_946 : memref<!tpu.dma_semaphore, #tpu.memory_space<semaphore_mem>>)
      %dma_start3A_955 = arith.constant 5 : i32
      %dma_start3A_956 = arith.constant 40 : i32
      %dma_start3A_957 = arith.constant 0 : i32
      %dma_start3A_958 = tpu.memref_slice %arg7[%rem3A_812, %dma_start3A_956, %dma_start3A_957] : memref<4x64x129xf32, #tpu.memory_space<vmem>> -> memref<1x8x128xf32, #tpu.memory_space<vmem>>
      %dma_start3A_959 = tpu.memref_squeeze %dma_start3A_958 : memref<1x8x128xf32, #tpu.memory_space<vmem>> -> memref<8x128xf32, #tpu.memory_space<vmem>>
      %dma_start3A_960 = arith.constant 0 : i32
      %dma_start3A_961 = arith.constant 0 : i32
      %dma_start3A_962 = tpu.memref_slice %arg4[%select_n3A, %dma_start3A_955, %select_n3A_859, %dma_start3A_960, %dma_start3A_961] : memref<200x8x32x8x128xf32, #tpu.memory_space<hbm>> -> memref<1x1x1x8x128xf32, #tpu.memory_space<hbm>>
      %dma_start3A_963 = tpu.memref_squeeze %dma_start3A_962 : memref<1x1x1x8x128xf32, #tpu.memory_space<hbm>> -> memref<8x128xf32, #tpu.memory_space<hbm>>
      %dma_start3A_964 = tpu.memref_slice %arg9[%rem3A_812] : memref<4x!tpu.dma_semaphore, #tpu.memory_space<semaphore_mem>> -> memref<1x!tpu.dma_semaphore, #tpu.memory_space<semaphore_mem>>
      %dma_start3A_965 = tpu.memref_squeeze %dma_start3A_964 : memref<1x!tpu.dma_semaphore, #tpu.memory_space<semaphore_mem>> -> memref<!tpu.dma_semaphore, #tpu.memory_space<semaphore_mem>>
      %dma_start3A_966 = arith.constant 0 : i32
      %dma_start3A_967 = arith.constant 0 : i32
      %dma_start3A_968 = tpu.memref_slice %arg4[%select_n3A, %dma_start3A_955, %select_n3A_859, %dma_start3A_966, %dma_start3A_967] : memref<200x8x32x8x128xf32, #tpu.memory_space<hbm>> -> memref<1x1x1x8x128xf32, #tpu.memory_space<hbm>>
      %dma_start3A_969 = tpu.memref_squeeze %dma_start3A_968 : memref<1x1x1x8x128xf32, #tpu.memory_space<hbm>> -> memref<8x128xf32, #tpu.memory_space<hbm>>
      %dma_start3A_970 = arith.constant 40 : i32
      %dma_start3A_971 = arith.constant 0 : i32
      %dma_start3A_972 = tpu.memref_slice %arg7[%rem3A_812, %dma_start3A_970, %dma_start3A_971] : memref<4x64x129xf32, #tpu.memory_space<vmem>> -> memref<1x8x128xf32, #tpu.memory_space<vmem>>
      %dma_start3A_973 = tpu.memref_squeeze %dma_start3A_972 : memref<1x8x128xf32, #tpu.memory_space<vmem>> -> memref<8x128xf32, #tpu.memory_space<vmem>>
      tpu.enqueue_dma source(%dma_start3A_973 : memref<8x128xf32, #tpu.memory_space<vmem>>) target(%dma_start3A_969 : memref<8x128xf32, #tpu.memory_space<hbm>>) target_semaphore(%dma_start3A_965 : memref<!tpu.dma_semaphore, #tpu.memory_space<semaphore_mem>>)
      %dma_start3A_974 = arith.constant 6 : i32
      %dma_start3A_975 = arith.constant 48 : i32
      %dma_start3A_976 = arith.constant 0 : i32
      %dma_start3A_977 = tpu.memref_slice %arg7[%rem3A_812, %dma_start3A_975, %dma_start3A_976] : memref<4x64x129xf32, #tpu.memory_space<vmem>> -> memref<1x8x128xf32, #tpu.memory_space<vmem>>
      %dma_start3A_978 = tpu.memref_squeeze %dma_start3A_977 : memref<1x8x128xf32, #tpu.memory_space<vmem>> -> memref<8x128xf32, #tpu.memory_space<vmem>>
      %dma_start3A_979 = arith.constant 0 : i32
      %dma_start3A_980 = arith.constant 0 : i32
      %dma_start3A_981 = tpu.memref_slice %arg4[%select_n3A, %dma_start3A_974, %select_n3A_859, %dma_start3A_979, %dma_start3A_980] : memref<200x8x32x8x128xf32, #tpu.memory_space<hbm>> -> memref<1x1x1x8x128xf32, #tpu.memory_space<hbm>>
      %dma_start3A_982 = tpu.memref_squeeze %dma_start3A_981 : memref<1x1x1x8x128xf32, #tpu.memory_space<hbm>> -> memref<8x128xf32, #tpu.memory_space<hbm>>
      %dma_start3A_983 = tpu.memref_slice %arg9[%rem3A_812] : memref<4x!tpu.dma_semaphore, #tpu.memory_space<semaphore_mem>> -> memref<1x!tpu.dma_semaphore, #tpu.memory_space<semaphore_mem>>
      %dma_start3A_984 = tpu.memref_squeeze %dma_start3A_983 : memref<1x!tpu.dma_semaphore, #tpu.memory_space<semaphore_mem>> -> memref<!tpu.dma_semaphore, #tpu.memory_space<semaphore_mem>>
      %dma_start3A_985 = arith.constant 0 : i32
      %dma_start3A_986 = arith.constant 0 : i32
      %dma_start3A_987 = tpu.memref_slice %arg4[%select_n3A, %dma_start3A_974, %select_n3A_859, %dma_start3A_985, %dma_start3A_986] : memref<200x8x32x8x128xf32, #tpu.memory_space<hbm>> -> memref<1x1x1x8x128xf32, #tpu.memory_space<hbm>>
      %dma_start3A_988 = tpu.memref_squeeze %dma_start3A_987 : memref<1x1x1x8x128xf32, #tpu.memory_space<hbm>> -> memref<8x128xf32, #tpu.memory_space<hbm>>
      %dma_start3A_989 = arith.constant 48 : i32
      %dma_start3A_990 = arith.constant 0 : i32
      %dma_start3A_991 = tpu.memref_slice %arg7[%rem3A_812, %dma_start3A_989, %dma_start3A_990] : memref<4x64x129xf32, #tpu.memory_space<vmem>> -> memref<1x8x128xf32, #tpu.memory_space<vmem>>
      %dma_start3A_992 = tpu.memref_squeeze %dma_start3A_991 : memref<1x8x128xf32, #tpu.memory_space<vmem>> -> memref<8x128xf32, #tpu.memory_space<vmem>>
      tpu.enqueue_dma source(%dma_start3A_992 : memref<8x128xf32, #tpu.memory_space<vmem>>) target(%dma_start3A_988 : memref<8x128xf32, #tpu.memory_space<hbm>>) target_semaphore(%dma_start3A_984 : memref<!tpu.dma_semaphore, #tpu.memory_space<semaphore_mem>>)
      %dma_start3A_993 = arith.constant 7 : i32
      %dma_start3A_994 = arith.constant 56 : i32
      %dma_start3A_995 = arith.constant 0 : i32
      %dma_start3A_996 = tpu.memref_slice %arg7[%rem3A_812, %dma_start3A_994, %dma_start3A_995] : memref<4x64x129xf32, #tpu.memory_space<vmem>> -> memref<1x8x128xf32, #tpu.memory_space<vmem>>
      %dma_start3A_997 = tpu.memref_squeeze %dma_start3A_996 : memref<1x8x128xf32, #tpu.memory_space<vmem>> -> memref<8x128xf32, #tpu.memory_space<vmem>>
      %dma_start3A_998 = arith.constant 0 : i32
      %dma_start3A_999 = arith.constant 0 : i32
      %dma_start3A_1000 = tpu.memref_slice %arg4[%select_n3A, %dma_start3A_993, %select_n3A_859, %dma_start3A_998, %dma_start3A_999] : memref<200x8x32x8x128xf32, #tpu.memory_space<hbm>> -> memref<1x1x1x8x128xf32, #tpu.memory_space<hbm>>
      %dma_start3A_1001 = tpu.memref_squeeze %dma_start3A_1000 : memref<1x1x1x8x128xf32, #tpu.memory_space<hbm>> -> memref<8x128xf32, #tpu.memory_space<hbm>>
      %dma_start3A_1002 = tpu.memref_slice %arg9[%rem3A_812] : memref<4x!tpu.dma_semaphore, #tpu.memory_space<semaphore_mem>> -> memref<1x!tpu.dma_semaphore, #tpu.memory_space<semaphore_mem>>
      %dma_start3A_1003 = tpu.memref_squeeze %dma_start3A_1002 : memref<1x!tpu.dma_semaphore, #tpu.memory_space<semaphore_mem>> -> memref<!tpu.dma_semaphore, #tpu.memory_space<semaphore_mem>>
      %dma_start3A_1004 = arith.constant 0 : i32
      %dma_start3A_1005 = arith.constant 0 : i32
      %dma_start3A_1006 = tpu.memref_slice %arg4[%select_n3A, %dma_start3A_993, %select_n3A_859, %dma_start3A_1004, %dma_start3A_1005] : memref<200x8x32x8x128xf32, #tpu.memory_space<hbm>> -> memref<1x1x1x8x128xf32, #tpu.memory_space<hbm>>
      %dma_start3A_1007 = tpu.memref_squeeze %dma_start3A_1006 : memref<1x1x1x8x128xf32, #tpu.memory_space<hbm>> -> memref<8x128xf32, #tpu.memory_space<hbm>>
      %dma_start3A_1008 = arith.constant 56 : i32
      %dma_start3A_1009 = arith.constant 0 : i32
      %dma_start3A_1010 = tpu.memref_slice %arg7[%rem3A_812, %dma_start3A_1008, %dma_start3A_1009] : memref<4x64x129xf32, #tpu.memory_space<vmem>> -> memref<1x8x128xf32, #tpu.memory_space<vmem>>
      %dma_start3A_1011 = tpu.memref_squeeze %dma_start3A_1010 : memref<1x8x128xf32, #tpu.memory_space<vmem>> -> memref<8x128xf32, #tpu.memory_space<vmem>>
      tpu.enqueue_dma source(%dma_start3A_1011 : memref<8x128xf32, #tpu.memory_space<vmem>>) target(%dma_start3A_1007 : memref<8x128xf32, #tpu.memory_space<hbm>>) target_semaphore(%dma_start3A_1003 : memref<!tpu.dma_semaphore, #tpu.memory_space<semaphore_mem>>)
      %add3A_1012 = arith.constant 4 : i32
      %add3A_1013 = arith.addi %add3A_811, %add3A_1012 : i32
      %lt3A_1014 = arith.constant 200 : i32
      %lt3A_1015 = arith.cmpi slt, %add3A_1013, %lt3A_1014 : i32
      %convert_element_type3A_1016 = arith.extui %lt3A_1015 : i1 to i32
      %cond3A_1017 = arith.constant 0 : i32
      %cond3A_1018 = arith.cmpi ne, %convert_element_type3A_1016, %cond3A_1017 : i32
      scf.if %cond3A_1018 {
        %add3A_1019 = arith.constant 4 : i32
        %add3A_1020 = arith.addi %add3A_811, %add3A_1019 : i32
        %mul3A_1021 = arith.constant 128 : i32
        %mul3A_1022 = arith.muli %add3A_1020, %mul3A_1021 : i32
        %dma_start3A_1023 = arith.constant 0 : i32
        %dma_start3A_1024 = arith.constant 0 : i32
        %dma_start3A_1025 = tpu.memref_slice %arg6[%rem3A_812, %dma_start3A_1023, %dma_start3A_1024] : memref<4x128x64xf32, #tpu.memory_space<vmem>> -> memref<1x128x64xf32, #tpu.memory_space<vmem>>
        %dma_start3A_1026 = tpu.memref_squeeze %dma_start3A_1025 : memref<1x128x64xf32, #tpu.memory_space<vmem>> -> memref<128x64xf32, #tpu.memory_space<vmem>>
        %dma_start3A_1027 = tpu.memref_slice %arg5[%mul3A_1022] : memref<25600xi32, #tpu.memory_space<vmem>> -> memref<128xi32, #tpu.memory_space<vmem>>
        %dma_start3A_1028 = arith.constant 0 : i32
        %dma_start3A_1029 = arith.constant 0 : i32
        %dma_start3A_1030 = tpu.memref_slice %arg2[%dma_start3A_1028, %dma_start3A_1029] : memref<1000000x64xf32, #tpu.memory_space<hbm>> -> memref<1000000x64xf32, #tpu.memory_space<hbm>>
        %dma_start3A_1031 = tpu.memref_slice %arg8[%rem3A_812] : memref<4x!tpu.dma_semaphore, #tpu.memory_space<semaphore_mem>> -> memref<1x!tpu.dma_semaphore, #tpu.memory_space<semaphore_mem>>
        %dma_start3A_1032 = tpu.memref_squeeze %dma_start3A_1031 : memref<1x!tpu.dma_semaphore, #tpu.memory_space<semaphore_mem>> -> memref<!tpu.dma_semaphore, #tpu.memory_space<semaphore_mem>>
        tpu.enqueue_indirect_dma source(%dma_start3A_1030 : memref<1000000x64xf32, #tpu.memory_space<hbm>>) target(%dma_start3A_1026 : memref<128x64xf32, #tpu.memory_space<vmem>>) offsets(%dma_start3A_1027 : memref<128xi32, #tpu.memory_space<vmem>>) semaphore(%dma_start3A_1032 : memref<!tpu.dma_semaphore, #tpu.memory_space<semaphore_mem>>)
      } else {
      }
    }
    %scan3A_71 = arith.constant 200 : i32
    %dma_wait3A = arith.constant 0 : i32
    %dma_wait3A_72 = arith.constant 0 : i32
    %dma_wait3A_73 = arith.constant 0 : i32
    %dma_wait3A_74 = arith.constant 0 : i32
    %dma_wait3A_75 = arith.constant 0 : i32
    %dma_wait3A_76 = arith.constant 0 : i32
    %dma_wait3A_77 = arith.constant 0 : i32
    %dma_wait3A_78 = tpu.memref_slice %arg7[%dma_wait3A, %dma_wait3A_76, %dma_wait3A_77] : memref<4x64x129xf32, #tpu.memory_space<vmem>> -> memref<1x8x128xf32, #tpu.memory_space<vmem>>
    %dma_wait3A_79 = tpu.memref_squeeze %dma_wait3A_78 : memref<1x8x128xf32, #tpu.memory_space<vmem>> -> memref<8x128xf32, #tpu.memory_space<vmem>>
    %dma_wait3A_80 = arith.constant 0 : i32
    %dma_wait3A_81 = arith.constant 0 : i32
    %dma_wait3A_82 = tpu.memref_slice %arg4[%dma_wait3A_72, %dma_wait3A_73, %dma_wait3A_74, %dma_wait3A_80, %dma_wait3A_81] : memref<200x8x32x8x128xf32, #tpu.memory_space<hbm>> -> memref<1x1x1x8x128xf32, #tpu.memory_space<hbm>>
    %dma_wait3A_83 = tpu.memref_squeeze %dma_wait3A_82 : memref<1x1x1x8x128xf32, #tpu.memory_space<hbm>> -> memref<8x128xf32, #tpu.memory_space<hbm>>
    %dma_wait3A_84 = tpu.memref_slice %arg9[%dma_wait3A_75] : memref<4x!tpu.dma_semaphore, #tpu.memory_space<semaphore_mem>> -> memref<1x!tpu.dma_semaphore, #tpu.memory_space<semaphore_mem>>
    %dma_wait3A_85 = tpu.memref_squeeze %dma_wait3A_84 : memref<1x!tpu.dma_semaphore, #tpu.memory_space<semaphore_mem>> -> memref<!tpu.dma_semaphore, #tpu.memory_space<semaphore_mem>>
    %dma_wait3A_86 = arith.constant 0 : i32
    %dma_wait3A_87 = arith.constant 0 : i32
    %dma_wait3A_88 = tpu.memref_slice %arg4[%dma_wait3A_72, %dma_wait3A_73, %dma_wait3A_74, %dma_wait3A_86, %dma_wait3A_87] : memref<200x8x32x8x128xf32, #tpu.memory_space<hbm>> -> memref<1x1x1x8x128xf32, #tpu.memory_space<hbm>>
    %dma_wait3A_89 = tpu.memref_squeeze %dma_wait3A_88 : memref<1x1x1x8x128xf32, #tpu.memory_space<hbm>> -> memref<8x128xf32, #tpu.memory_space<hbm>>
    %dma_wait3A_90 = arith.constant 0 : i32
    %dma_wait3A_91 = arith.constant 0 : i32
    %dma_wait3A_92 = tpu.memref_slice %arg7[%dma_wait3A, %dma_wait3A_90, %dma_wait3A_91] : memref<4x64x129xf32, #tpu.memory_space<vmem>> -> memref<1x8x128xf32, #tpu.memory_space<vmem>>
    %dma_wait3A_93 = tpu.memref_squeeze %dma_wait3A_92 : memref<1x8x128xf32, #tpu.memory_space<vmem>> -> memref<8x128xf32, #tpu.memory_space<vmem>>
    tpu.wait_dma2 semaphore(%dma_wait3A_85 : memref<!tpu.dma_semaphore, #tpu.memory_space<semaphore_mem>>) src(%dma_wait3A_93 : memref<8x128xf32, #tpu.memory_space<vmem>>) dst(%dma_wait3A_89 : memref<8x128xf32, #tpu.memory_space<hbm>>)
    %dma_wait3A_94 = arith.constant 0 : i32
    %dma_wait3A_95 = arith.constant 0 : i32
    %dma_wait3A_96 = arith.constant 0 : i32
    %dma_wait3A_97 = arith.constant 0 : i32
    %dma_wait3A_98 = arith.constant 0 : i32
    %dma_wait3A_99 = arith.constant 0 : i32
    %dma_wait3A_100 = arith.constant 0 : i32
    %dma_wait3A_101 = tpu.memref_slice %arg7[%dma_wait3A_94, %dma_wait3A_99, %dma_wait3A_100] : memref<4x64x129xf32, #tpu.memory_space<vmem>> -> memref<1x8x128xf32, #tpu.memory_space<vmem>>
    %dma_wait3A_102 = tpu.memref_squeeze %dma_wait3A_101 : memref<1x8x128xf32, #tpu.memory_space<vmem>> -> memref<8x128xf32, #tpu.memory_space<vmem>>
    %dma_wait3A_103 = arith.constant 0 : i32
    %dma_wait3A_104 = arith.constant 0 : i32
    %dma_wait3A_105 = tpu.memref_slice %arg4[%dma_wait3A_95, %dma_wait3A_96, %dma_wait3A_97, %dma_wait3A_103, %dma_wait3A_104] : memref<200x8x32x8x128xf32, #tpu.memory_space<hbm>> -> memref<1x1x1x8x128xf32, #tpu.memory_space<hbm>>
    %dma_wait3A_106 = tpu.memref_squeeze %dma_wait3A_105 : memref<1x1x1x8x128xf32, #tpu.memory_space<hbm>> -> memref<8x128xf32, #tpu.memory_space<hbm>>
    %dma_wait3A_107 = tpu.memref_slice %arg9[%dma_wait3A_98] : memref<4x!tpu.dma_semaphore, #tpu.memory_space<semaphore_mem>> -> memref<1x!tpu.dma_semaphore, #tpu.memory_space<semaphore_mem>>
    %dma_wait3A_108 = tpu.memref_squeeze %dma_wait3A_107 : memref<1x!tpu.dma_semaphore, #tpu.memory_space<semaphore_mem>> -> memref<!tpu.dma_semaphore, #tpu.memory_space<semaphore_mem>>
    %dma_wait3A_109 = arith.constant 0 : i32
    %dma_wait3A_110 = arith.constant 0 : i32
    %dma_wait3A_111 = tpu.memref_slice %arg4[%dma_wait3A_95, %dma_wait3A_96, %dma_wait3A_97, %dma_wait3A_109, %dma_wait3A_110] : memref<200x8x32x8x128xf32, #tpu.memory_space<hbm>> -> memref<1x1x1x8x128xf32, #tpu.memory_space<hbm>>
    %dma_wait3A_112 = tpu.memref_squeeze %dma_wait3A_111 : memref<1x1x1x8x128xf32, #tpu.memory_space<hbm>> -> memref<8x128xf32, #tpu.memory_space<hbm>>
    %dma_wait3A_113 = arith.constant 0 : i32
    %dma_wait3A_114 = arith.constant 0 : i32
    %dma_wait3A_115 = tpu.memref_slice %arg7[%dma_wait3A_94, %dma_wait3A_113, %dma_wait3A_114] : memref<4x64x129xf32, #tpu.memory_space<vmem>> -> memref<1x8x128xf32, #tpu.memory_space<vmem>>
    %dma_wait3A_116 = tpu.memref_squeeze %dma_wait3A_115 : memref<1x8x128xf32, #tpu.memory_space<vmem>> -> memref<8x128xf32, #tpu.memory_space<vmem>>
    tpu.wait_dma2 semaphore(%dma_wait3A_108 : memref<!tpu.dma_semaphore, #tpu.memory_space<semaphore_mem>>) src(%dma_wait3A_116 : memref<8x128xf32, #tpu.memory_space<vmem>>) dst(%dma_wait3A_112 : memref<8x128xf32, #tpu.memory_space<hbm>>)
    %dma_wait3A_117 = arith.constant 0 : i32
    %dma_wait3A_118 = arith.constant 0 : i32
    %dma_wait3A_119 = arith.constant 0 : i32
    %dma_wait3A_120 = arith.constant 0 : i32
    %dma_wait3A_121 = arith.constant 0 : i32
    %dma_wait3A_122 = arith.constant 0 : i32
    %dma_wait3A_123 = arith.constant 0 : i32
    %dma_wait3A_124 = tpu.memref_slice %arg7[%dma_wait3A_117, %dma_wait3A_122, %dma_wait3A_123] : memref<4x64x129xf32, #tpu.memory_space<vmem>> -> memref<1x8x128xf32, #tpu.memory_space<vmem>>
    %dma_wait3A_125 = tpu.memref_squeeze %dma_wait3A_124 : memref<1x8x128xf32, #tpu.memory_space<vmem>> -> memref<8x128xf32, #tpu.memory_space<vmem>>
    %dma_wait3A_126 = arith.constant 0 : i32
    %dma_wait3A_127 = arith.constant 0 : i32
    %dma_wait3A_128 = tpu.memref_slice %arg4[%dma_wait3A_118, %dma_wait3A_119, %dma_wait3A_120, %dma_wait3A_126, %dma_wait3A_127] : memref<200x8x32x8x128xf32, #tpu.memory_space<hbm>> -> memref<1x1x1x8x128xf32, #tpu.memory_space<hbm>>
    %dma_wait3A_129 = tpu.memref_squeeze %dma_wait3A_128 : memref<1x1x1x8x128xf32, #tpu.memory_space<hbm>> -> memref<8x128xf32, #tpu.memory_space<hbm>>
    %dma_wait3A_130 = tpu.memref_slice %arg9[%dma_wait3A_121] : memref<4x!tpu.dma_semaphore, #tpu.memory_space<semaphore_mem>> -> memref<1x!tpu.dma_semaphore, #tpu.memory_space<semaphore_mem>>
    %dma_wait3A_131 = tpu.memref_squeeze %dma_wait3A_130 : memref<1x!tpu.dma_semaphore, #tpu.memory_space<semaphore_mem>> -> memref<!tpu.dma_semaphore, #tpu.memory_space<semaphore_mem>>
    %dma_wait3A_132 = arith.constant 0 : i32
    %dma_wait3A_133 = arith.constant 0 : i32
    %dma_wait3A_134 = tpu.memref_slice %arg4[%dma_wait3A_118, %dma_wait3A_119, %dma_wait3A_120, %dma_wait3A_132, %dma_wait3A_133] : memref<200x8x32x8x128xf32, #tpu.memory_space<hbm>> -> memref<1x1x1x8x128xf32, #tpu.memory_space<hbm>>
    %dma_wait3A_135 = tpu.memref_squeeze %dma_wait3A_134 : memref<1x1x1x8x128xf32, #tpu.memory_space<hbm>> -> memref<8x128xf32, #tpu.memory_space<hbm>>
    %dma_wait3A_136 = arith.constant 0 : i32
    %dma_wait3A_137 = arith.constant 0 : i32
    %dma_wait3A_138 = tpu.memref_slice %arg7[%dma_wait3A_117, %dma_wait3A_136, %dma_wait3A_137] : memref<4x64x129xf32, #tpu.memory_space<vmem>> -> memref<1x8x128xf32, #tpu.memory_space<vmem>>
    %dma_wait3A_139 = tpu.memref_squeeze %dma_wait3A_138 : memref<1x8x128xf32, #tpu.memory_space<vmem>> -> memref<8x128xf32, #tpu.memory_space<vmem>>
    tpu.wait_dma2 semaphore(%dma_wait3A_131 : memref<!tpu.dma_semaphore, #tpu.memory_space<semaphore_mem>>) src(%dma_wait3A_139 : memref<8x128xf32, #tpu.memory_space<vmem>>) dst(%dma_wait3A_135 : memref<8x128xf32, #tpu.memory_space<hbm>>)
    %dma_wait3A_140 = arith.constant 0 : i32
    %dma_wait3A_141 = arith.constant 0 : i32
    %dma_wait3A_142 = arith.constant 0 : i32
    %dma_wait3A_143 = arith.constant 0 : i32
    %dma_wait3A_144 = arith.constant 0 : i32
    %dma_wait3A_145 = arith.constant 0 : i32
    %dma_wait3A_146 = arith.constant 0 : i32
    %dma_wait3A_147 = tpu.memref_slice %arg7[%dma_wait3A_140, %dma_wait3A_145, %dma_wait3A_146] : memref<4x64x129xf32, #tpu.memory_space<vmem>> -> memref<1x8x128xf32, #tpu.memory_space<vmem>>
    %dma_wait3A_148 = tpu.memref_squeeze %dma_wait3A_147 : memref<1x8x128xf32, #tpu.memory_space<vmem>> -> memref<8x128xf32, #tpu.memory_space<vmem>>
    %dma_wait3A_149 = arith.constant 0 : i32
    %dma_wait3A_150 = arith.constant 0 : i32
    %dma_wait3A_151 = tpu.memref_slice %arg4[%dma_wait3A_141, %dma_wait3A_142, %dma_wait3A_143, %dma_wait3A_149, %dma_wait3A_150] : memref<200x8x32x8x128xf32, #tpu.memory_space<hbm>> -> memref<1x1x1x8x128xf32, #tpu.memory_space<hbm>>
    %dma_wait3A_152 = tpu.memref_squeeze %dma_wait3A_151 : memref<1x1x1x8x128xf32, #tpu.memory_space<hbm>> -> memref<8x128xf32, #tpu.memory_space<hbm>>
    %dma_wait3A_153 = tpu.memref_slice %arg9[%dma_wait3A_144] : memref<4x!tpu.dma_semaphore, #tpu.memory_space<semaphore_mem>> -> memref<1x!tpu.dma_semaphore, #tpu.memory_space<semaphore_mem>>
    %dma_wait3A_154 = tpu.memref_squeeze %dma_wait3A_153 : memref<1x!tpu.dma_semaphore, #tpu.memory_space<semaphore_mem>> -> memref<!tpu.dma_semaphore, #tpu.memory_space<semaphore_mem>>
    %dma_wait3A_155 = arith.constant 0 : i32
    %dma_wait3A_156 = arith.constant 0 : i32
    %dma_wait3A_157 = tpu.memref_slice %arg4[%dma_wait3A_141, %dma_wait3A_142, %dma_wait3A_143, %dma_wait3A_155, %dma_wait3A_156] : memref<200x8x32x8x128xf32, #tpu.memory_space<hbm>> -> memref<1x1x1x8x128xf32, #tpu.memory_space<hbm>>
    %dma_wait3A_158 = tpu.memref_squeeze %dma_wait3A_157 : memref<1x1x1x8x128xf32, #tpu.memory_space<hbm>> -> memref<8x128xf32, #tpu.memory_space<hbm>>
    %dma_wait3A_159 = arith.constant 0 : i32
    %dma_wait3A_160 = arith.constant 0 : i32
    %dma_wait3A_161 = tpu.memref_slice %arg7[%dma_wait3A_140, %dma_wait3A_159, %dma_wait3A_160] : memref<4x64x129xf32, #tpu.memory_space<vmem>> -> memref<1x8x128xf32, #tpu.memory_space<vmem>>
    %dma_wait3A_162 = tpu.memref_squeeze %dma_wait3A_161 : memref<1x8x128xf32, #tpu.memory_space<vmem>> -> memref<8x128xf32, #tpu.memory_space<vmem>>
    tpu.wait_dma2 semaphore(%dma_wait3A_154 : memref<!tpu.dma_semaphore, #tpu.memory_space<semaphore_mem>>) src(%dma_wait3A_162 : memref<8x128xf32, #tpu.memory_space<vmem>>) dst(%dma_wait3A_158 : memref<8x128xf32, #tpu.memory_space<hbm>>)
    %dma_wait3A_163 = arith.constant 0 : i32
    %dma_wait3A_164 = arith.constant 0 : i32
    %dma_wait3A_165 = arith.constant 0 : i32
    %dma_wait3A_166 = arith.constant 0 : i32
    %dma_wait3A_167 = arith.constant 0 : i32
    %dma_wait3A_168 = arith.constant 0 : i32
    %dma_wait3A_169 = arith.constant 0 : i32
    %dma_wait3A_170 = tpu.memref_slice %arg7[%dma_wait3A_163, %dma_wait3A_168, %dma_wait3A_169] : memref<4x64x129xf32, #tpu.memory_space<vmem>> -> memref<1x8x128xf32, #tpu.memory_space<vmem>>
    %dma_wait3A_171 = tpu.memref_squeeze %dma_wait3A_170 : memref<1x8x128xf32, #tpu.memory_space<vmem>> -> memref<8x128xf32, #tpu.memory_space<vmem>>
    %dma_wait3A_172 = arith.constant 0 : i32
    %dma_wait3A_173 = arith.constant 0 : i32
    %dma_wait3A_174 = tpu.memref_slice %arg4[%dma_wait3A_164, %dma_wait3A_165, %dma_wait3A_166, %dma_wait3A_172, %dma_wait3A_173] : memref<200x8x32x8x128xf32, #tpu.memory_space<hbm>> -> memref<1x1x1x8x128xf32, #tpu.memory_space<hbm>>
    %dma_wait3A_175 = tpu.memref_squeeze %dma_wait3A_174 : memref<1x1x1x8x128xf32, #tpu.memory_space<hbm>> -> memref<8x128xf32, #tpu.memory_space<hbm>>
    %dma_wait3A_176 = tpu.memref_slice %arg9[%dma_wait3A_167] : memref<4x!tpu.dma_semaphore, #tpu.memory_space<semaphore_mem>> -> memref<1x!tpu.dma_semaphore, #tpu.memory_space<semaphore_mem>>
    %dma_wait3A_177 = tpu.memref_squeeze %dma_wait3A_176 : memref<1x!tpu.dma_semaphore, #tpu.memory_space<semaphore_mem>> -> memref<!tpu.dma_semaphore, #tpu.memory_space<semaphore_mem>>
    %dma_wait3A_178 = arith.constant 0 : i32
    %dma_wait3A_179 = arith.constant 0 : i32
    %dma_wait3A_180 = tpu.memref_slice %arg4[%dma_wait3A_164, %dma_wait3A_165, %dma_wait3A_166, %dma_wait3A_178, %dma_wait3A_179] : memref<200x8x32x8x128xf32, #tpu.memory_space<hbm>> -> memref<1x1x1x8x128xf32, #tpu.memory_space<hbm>>
    %dma_wait3A_181 = tpu.memref_squeeze %dma_wait3A_180 : memref<1x1x1x8x128xf32, #tpu.memory_space<hbm>> -> memref<8x128xf32, #tpu.memory_space<hbm>>
    %dma_wait3A_182 = arith.constant 0 : i32
    %dma_wait3A_183 = arith.constant 0 : i32
    %dma_wait3A_184 = tpu.memref_slice %arg7[%dma_wait3A_163, %dma_wait3A_182, %dma_wait3A_183] : memref<4x64x129xf32, #tpu.memory_space<vmem>> -> memref<1x8x128xf32, #tpu.memory_space<vmem>>
    %dma_wait3A_185 = tpu.memref_squeeze %dma_wait3A_184 : memref<1x8x128xf32, #tpu.memory_space<vmem>> -> memref<8x128xf32, #tpu.memory_space<vmem>>
    tpu.wait_dma2 semaphore(%dma_wait3A_177 : memref<!tpu.dma_semaphore, #tpu.memory_space<semaphore_mem>>) src(%dma_wait3A_185 : memref<8x128xf32, #tpu.memory_space<vmem>>) dst(%dma_wait3A_181 : memref<8x128xf32, #tpu.memory_space<hbm>>)
    %dma_wait3A_186 = arith.constant 0 : i32
    %dma_wait3A_187 = arith.constant 0 : i32
    %dma_wait3A_188 = arith.constant 0 : i32
    %dma_wait3A_189 = arith.constant 0 : i32
    %dma_wait3A_190 = arith.constant 0 : i32
    %dma_wait3A_191 = arith.constant 0 : i32
    %dma_wait3A_192 = arith.constant 0 : i32
    %dma_wait3A_193 = tpu.memref_slice %arg7[%dma_wait3A_186, %dma_wait3A_191, %dma_wait3A_192] : memref<4x64x129xf32, #tpu.memory_space<vmem>> -> memref<1x8x128xf32, #tpu.memory_space<vmem>>
    %dma_wait3A_194 = tpu.memref_squeeze %dma_wait3A_193 : memref<1x8x128xf32, #tpu.memory_space<vmem>> -> memref<8x128xf32, #tpu.memory_space<vmem>>
    %dma_wait3A_195 = arith.constant 0 : i32
    %dma_wait3A_196 = arith.constant 0 : i32
    %dma_wait3A_197 = tpu.memref_slice %arg4[%dma_wait3A_187, %dma_wait3A_188, %dma_wait3A_189, %dma_wait3A_195, %dma_wait3A_196] : memref<200x8x32x8x128xf32, #tpu.memory_space<hbm>> -> memref<1x1x1x8x128xf32, #tpu.memory_space<hbm>>
    %dma_wait3A_198 = tpu.memref_squeeze %dma_wait3A_197 : memref<1x1x1x8x128xf32, #tpu.memory_space<hbm>> -> memref<8x128xf32, #tpu.memory_space<hbm>>
    %dma_wait3A_199 = tpu.memref_slice %arg9[%dma_wait3A_190] : memref<4x!tpu.dma_semaphore, #tpu.memory_space<semaphore_mem>> -> memref<1x!tpu.dma_semaphore, #tpu.memory_space<semaphore_mem>>
    %dma_wait3A_200 = tpu.memref_squeeze %dma_wait3A_199 : memref<1x!tpu.dma_semaphore, #tpu.memory_space<semaphore_mem>> -> memref<!tpu.dma_semaphore, #tpu.memory_space<semaphore_mem>>
    %dma_wait3A_201 = arith.constant 0 : i32
    %dma_wait3A_202 = arith.constant 0 : i32
    %dma_wait3A_203 = tpu.memref_slice %arg4[%dma_wait3A_187, %dma_wait3A_188, %dma_wait3A_189, %dma_wait3A_201, %dma_wait3A_202] : memref<200x8x32x8x128xf32, #tpu.memory_space<hbm>> -> memref<1x1x1x8x128xf32, #tpu.memory_space<hbm>>
    %dma_wait3A_204 = tpu.memref_squeeze %dma_wait3A_203 : memref<1x1x1x8x128xf32, #tpu.memory_space<hbm>> -> memref<8x128xf32, #tpu.memory_space<hbm>>
    %dma_wait3A_205 = arith.constant 0 : i32
    %dma_wait3A_206 = arith.constant 0 : i32
    %dma_wait3A_207 = tpu.memref_slice %arg7[%dma_wait3A_186, %dma_wait3A_205, %dma_wait3A_206] : memref<4x64x129xf32, #tpu.memory_space<vmem>> -> memref<1x8x128xf32, #tpu.memory_space<vmem>>
    %dma_wait3A_208 = tpu.memref_squeeze %dma_wait3A_207 : memref<1x8x128xf32, #tpu.memory_space<vmem>> -> memref<8x128xf32, #tpu.memory_space<vmem>>
    tpu.wait_dma2 semaphore(%dma_wait3A_200 : memref<!tpu.dma_semaphore, #tpu.memory_space<semaphore_mem>>) src(%dma_wait3A_208 : memref<8x128xf32, #tpu.memory_space<vmem>>) dst(%dma_wait3A_204 : memref<8x128xf32, #tpu.memory_space<hbm>>)
    %dma_wait3A_209 = arith.constant 0 : i32
    %dma_wait3A_210 = arith.constant 0 : i32
    %dma_wait3A_211 = arith.constant 0 : i32
    %dma_wait3A_212 = arith.constant 0 : i32
    %dma_wait3A_213 = arith.constant 0 : i32
    %dma_wait3A_214 = arith.constant 0 : i32
    %dma_wait3A_215 = arith.constant 0 : i32
    %dma_wait3A_216 = tpu.memref_slice %arg7[%dma_wait3A_209, %dma_wait3A_214, %dma_wait3A_215] : memref<4x64x129xf32, #tpu.memory_space<vmem>> -> memref<1x8x128xf32, #tpu.memory_space<vmem>>
    %dma_wait3A_217 = tpu.memref_squeeze %dma_wait3A_216 : memref<1x8x128xf32, #tpu.memory_space<vmem>> -> memref<8x128xf32, #tpu.memory_space<vmem>>
    %dma_wait3A_218 = arith.constant 0 : i32
    %dma_wait3A_219 = arith.constant 0 : i32
    %dma_wait3A_220 = tpu.memref_slice %arg4[%dma_wait3A_210, %dma_wait3A_211, %dma_wait3A_212, %dma_wait3A_218, %dma_wait3A_219] : memref<200x8x32x8x128xf32, #tpu.memory_space<hbm>> -> memref<1x1x1x8x128xf32, #tpu.memory_space<hbm>>
    %dma_wait3A_221 = tpu.memref_squeeze %dma_wait3A_220 : memref<1x1x1x8x128xf32, #tpu.memory_space<hbm>> -> memref<8x128xf32, #tpu.memory_space<hbm>>
    %dma_wait3A_222 = tpu.memref_slice %arg9[%dma_wait3A_213] : memref<4x!tpu.dma_semaphore, #tpu.memory_space<semaphore_mem>> -> memref<1x!tpu.dma_semaphore, #tpu.memory_space<semaphore_mem>>
    %dma_wait3A_223 = tpu.memref_squeeze %dma_wait3A_222 : memref<1x!tpu.dma_semaphore, #tpu.memory_space<semaphore_mem>> -> memref<!tpu.dma_semaphore, #tpu.memory_space<semaphore_mem>>
    %dma_wait3A_224 = arith.constant 0 : i32
    %dma_wait3A_225 = arith.constant 0 : i32
    %dma_wait3A_226 = tpu.memref_slice %arg4[%dma_wait3A_210, %dma_wait3A_211, %dma_wait3A_212, %dma_wait3A_224, %dma_wait3A_225] : memref<200x8x32x8x128xf32, #tpu.memory_space<hbm>> -> memref<1x1x1x8x128xf32, #tpu.memory_space<hbm>>
    %dma_wait3A_227 = tpu.memref_squeeze %dma_wait3A_226 : memref<1x1x1x8x128xf32, #tpu.memory_space<hbm>> -> memref<8x128xf32, #tpu.memory_space<hbm>>
    %dma_wait3A_228 = arith.constant 0 : i32
    %dma_wait3A_229 = arith.constant 0 : i32
    %dma_wait3A_230 = tpu.memref_slice %arg7[%dma_wait3A_209, %dma_wait3A_228, %dma_wait3A_229] : memref<4x64x129xf32, #tpu.memory_space<vmem>> -> memref<1x8x128xf32, #tpu.memory_space<vmem>>
    %dma_wait3A_231 = tpu.memref_squeeze %dma_wait3A_230 : memref<1x8x128xf32, #tpu.memory_space<vmem>> -> memref<8x128xf32, #tpu.memory_space<vmem>>
    tpu.wait_dma2 semaphore(%dma_wait3A_223 : memref<!tpu.dma_semaphore, #tpu.memory_space<semaphore_mem>>) src(%dma_wait3A_231 : memref<8x128xf32, #tpu.memory_space<vmem>>) dst(%dma_wait3A_227 : memref<8x128xf32, #tpu.memory_space<hbm>>)
    %dma_wait3A_232 = arith.constant 0 : i32
    %dma_wait3A_233 = arith.constant 0 : i32
    %dma_wait3A_234 = arith.constant 0 : i32
    %dma_wait3A_235 = arith.constant 0 : i32
    %dma_wait3A_236 = arith.constant 0 : i32
    %dma_wait3A_237 = arith.constant 0 : i32
    %dma_wait3A_238 = arith.constant 0 : i32
    %dma_wait3A_239 = tpu.memref_slice %arg7[%dma_wait3A_232, %dma_wait3A_237, %dma_wait3A_238] : memref<4x64x129xf32, #tpu.memory_space<vmem>> -> memref<1x8x128xf32, #tpu.memory_space<vmem>>
    %dma_wait3A_240 = tpu.memref_squeeze %dma_wait3A_239 : memref<1x8x128xf32, #tpu.memory_space<vmem>> -> memref<8x128xf32, #tpu.memory_space<vmem>>
    %dma_wait3A_241 = arith.constant 0 : i32
    %dma_wait3A_242 = arith.constant 0 : i32
    %dma_wait3A_243 = tpu.memref_slice %arg4[%dma_wait3A_233, %dma_wait3A_234, %dma_wait3A_235, %dma_wait3A_241, %dma_wait3A_242] : memref<200x8x32x8x128xf32, #tpu.memory_space<hbm>> -> memref<1x1x1x8x128xf32, #tpu.memory_space<hbm>>
    %dma_wait3A_244 = tpu.memref_squeeze %dma_wait3A_243 : memref<1x1x1x8x128xf32, #tpu.memory_space<hbm>> -> memref<8x128xf32, #tpu.memory_space<hbm>>
    %dma_wait3A_245 = tpu.memref_slice %arg9[%dma_wait3A_236] : memref<4x!tpu.dma_semaphore, #tpu.memory_space<semaphore_mem>> -> memref<1x!tpu.dma_semaphore, #tpu.memory_space<semaphore_mem>>
    %dma_wait3A_246 = tpu.memref_squeeze %dma_wait3A_245 : memref<1x!tpu.dma_semaphore, #tpu.memory_space<semaphore_mem>> -> memref<!tpu.dma_semaphore, #tpu.memory_space<semaphore_mem>>
    %dma_wait3A_247 = arith.constant 0 : i32
    %dma_wait3A_248 = arith.constant 0 : i32
    %dma_wait3A_249 = tpu.memref_slice %arg4[%dma_wait3A_233, %dma_wait3A_234, %dma_wait3A_235, %dma_wait3A_247, %dma_wait3A_248] : memref<200x8x32x8x128xf32, #tpu.memory_space<hbm>> -> memref<1x1x1x8x128xf32, #tpu.memory_space<hbm>>
    %dma_wait3A_250 = tpu.memref_squeeze %dma_wait3A_249 : memref<1x1x1x8x128xf32, #tpu.memory_space<hbm>> -> memref<8x128xf32, #tpu.memory_space<hbm>>
    %dma_wait3A_251 = arith.constant 0 : i32
    %dma_wait3A_252 = arith.constant 0 : i32
    %dma_wait3A_253 = tpu.memref_slice %arg7[%dma_wait3A_232, %dma_wait3A_251, %dma_wait3A_252] : memref<4x64x129xf32, #tpu.memory_space<vmem>> -> memref<1x8x128xf32, #tpu.memory_space<vmem>>
    %dma_wait3A_254 = tpu.memref_squeeze %dma_wait3A_253 : memref<1x8x128xf32, #tpu.memory_space<vmem>> -> memref<8x128xf32, #tpu.memory_space<vmem>>
    tpu.wait_dma2 semaphore(%dma_wait3A_246 : memref<!tpu.dma_semaphore, #tpu.memory_space<semaphore_mem>>) src(%dma_wait3A_254 : memref<8x128xf32, #tpu.memory_space<vmem>>) dst(%dma_wait3A_250 : memref<8x128xf32, #tpu.memory_space<hbm>>)
    %dma_wait3A_255 = arith.constant 1 : i32
    %dma_wait3A_256 = arith.constant 0 : i32
    %dma_wait3A_257 = arith.constant 0 : i32
    %dma_wait3A_258 = arith.constant 0 : i32
    %dma_wait3A_259 = arith.constant 1 : i32
    %dma_wait3A_260 = arith.constant 0 : i32
    %dma_wait3A_261 = arith.constant 0 : i32
    %dma_wait3A_262 = tpu.memref_slice %arg7[%dma_wait3A_255, %dma_wait3A_260, %dma_wait3A_261] : memref<4x64x129xf32, #tpu.memory_space<vmem>> -> memref<1x8x128xf32, #tpu.memory_space<vmem>>
    %dma_wait3A_263 = tpu.memref_squeeze %dma_wait3A_262 : memref<1x8x128xf32, #tpu.memory_space<vmem>> -> memref<8x128xf32, #tpu.memory_space<vmem>>
    %dma_wait3A_264 = arith.constant 0 : i32
    %dma_wait3A_265 = arith.constant 0 : i32
    %dma_wait3A_266 = tpu.memref_slice %arg4[%dma_wait3A_256, %dma_wait3A_257, %dma_wait3A_258, %dma_wait3A_264, %dma_wait3A_265] : memref<200x8x32x8x128xf32, #tpu.memory_space<hbm>> -> memref<1x1x1x8x128xf32, #tpu.memory_space<hbm>>
    %dma_wait3A_267 = tpu.memref_squeeze %dma_wait3A_266 : memref<1x1x1x8x128xf32, #tpu.memory_space<hbm>> -> memref<8x128xf32, #tpu.memory_space<hbm>>
    %dma_wait3A_268 = tpu.memref_slice %arg9[%dma_wait3A_259] : memref<4x!tpu.dma_semaphore, #tpu.memory_space<semaphore_mem>> -> memref<1x!tpu.dma_semaphore, #tpu.memory_space<semaphore_mem>>
    %dma_wait3A_269 = tpu.memref_squeeze %dma_wait3A_268 : memref<1x!tpu.dma_semaphore, #tpu.memory_space<semaphore_mem>> -> memref<!tpu.dma_semaphore, #tpu.memory_space<semaphore_mem>>
    %dma_wait3A_270 = arith.constant 0 : i32
    %dma_wait3A_271 = arith.constant 0 : i32
    %dma_wait3A_272 = tpu.memref_slice %arg4[%dma_wait3A_256, %dma_wait3A_257, %dma_wait3A_258, %dma_wait3A_270, %dma_wait3A_271] : memref<200x8x32x8x128xf32, #tpu.memory_space<hbm>> -> memref<1x1x1x8x128xf32, #tpu.memory_space<hbm>>
    %dma_wait3A_273 = tpu.memref_squeeze %dma_wait3A_272 : memref<1x1x1x8x128xf32, #tpu.memory_space<hbm>> -> memref<8x128xf32, #tpu.memory_space<hbm>>
    %dma_wait3A_274 = arith.constant 0 : i32
    %dma_wait3A_275 = arith.constant 0 : i32
    %dma_wait3A_276 = tpu.memref_slice %arg7[%dma_wait3A_255, %dma_wait3A_274, %dma_wait3A_275] : memref<4x64x129xf32, #tpu.memory_space<vmem>> -> memref<1x8x128xf32, #tpu.memory_space<vmem>>
    %dma_wait3A_277 = tpu.memref_squeeze %dma_wait3A_276 : memref<1x8x128xf32, #tpu.memory_space<vmem>> -> memref<8x128xf32, #tpu.memory_space<vmem>>
    tpu.wait_dma2 semaphore(%dma_wait3A_269 : memref<!tpu.dma_semaphore, #tpu.memory_space<semaphore_mem>>) src(%dma_wait3A_277 : memref<8x128xf32, #tpu.memory_space<vmem>>) dst(%dma_wait3A_273 : memref<8x128xf32, #tpu.memory_space<hbm>>)
    %dma_wait3A_278 = arith.constant 1 : i32
    %dma_wait3A_279 = arith.constant 0 : i32
    %dma_wait3A_280 = arith.constant 0 : i32
    %dma_wait3A_281 = arith.constant 0 : i32
    %dma_wait3A_282 = arith.constant 1 : i32
    %dma_wait3A_283 = arith.constant 0 : i32
    %dma_wait3A_284 = arith.constant 0 : i32
    %dma_wait3A_285 = tpu.memref_slice %arg7[%dma_wait3A_278, %dma_wait3A_283, %dma_wait3A_284] : memref<4x64x129xf32, #tpu.memory_space<vmem>> -> memref<1x8x128xf32, #tpu.memory_space<vmem>>
    %dma_wait3A_286 = tpu.memref_squeeze %dma_wait3A_285 : memref<1x8x128xf32, #tpu.memory_space<vmem>> -> memref<8x128xf32, #tpu.memory_space<vmem>>
    %dma_wait3A_287 = arith.constant 0 : i32
    %dma_wait3A_288 = arith.constant 0 : i32
    %dma_wait3A_289 = tpu.memref_slice %arg4[%dma_wait3A_279, %dma_wait3A_280, %dma_wait3A_281, %dma_wait3A_287, %dma_wait3A_288] : memref<200x8x32x8x128xf32, #tpu.memory_space<hbm>> -> memref<1x1x1x8x128xf32, #tpu.memory_space<hbm>>
    %dma_wait3A_290 = tpu.memref_squeeze %dma_wait3A_289 : memref<1x1x1x8x128xf32, #tpu.memory_space<hbm>> -> memref<8x128xf32, #tpu.memory_space<hbm>>
    %dma_wait3A_291 = tpu.memref_slice %arg9[%dma_wait3A_282] : memref<4x!tpu.dma_semaphore, #tpu.memory_space<semaphore_mem>> -> memref<1x!tpu.dma_semaphore, #tpu.memory_space<semaphore_mem>>
    %dma_wait3A_292 = tpu.memref_squeeze %dma_wait3A_291 : memref<1x!tpu.dma_semaphore, #tpu.memory_space<semaphore_mem>> -> memref<!tpu.dma_semaphore, #tpu.memory_space<semaphore_mem>>
    %dma_wait3A_293 = arith.constant 0 : i32
    %dma_wait3A_294 = arith.constant 0 : i32
    %dma_wait3A_295 = tpu.memref_slice %arg4[%dma_wait3A_279, %dma_wait3A_280, %dma_wait3A_281, %dma_wait3A_293, %dma_wait3A_294] : memref<200x8x32x8x128xf32, #tpu.memory_space<hbm>> -> memref<1x1x1x8x128xf32, #tpu.memory_space<hbm>>
    %dma_wait3A_296 = tpu.memref_squeeze %dma_wait3A_295 : memref<1x1x1x8x128xf32, #tpu.memory_space<hbm>> -> memref<8x128xf32, #tpu.memory_space<hbm>>
    %dma_wait3A_297 = arith.constant 0 : i32
    %dma_wait3A_298 = arith.constant 0 : i32
    %dma_wait3A_299 = tpu.memref_slice %arg7[%dma_wait3A_278, %dma_wait3A_297, %dma_wait3A_298] : memref<4x64x129xf32, #tpu.memory_space<vmem>> -> memref<1x8x128xf32, #tpu.memory_space<vmem>>
    %dma_wait3A_300 = tpu.memref_squeeze %dma_wait3A_299 : memref<1x8x128xf32, #tpu.memory_space<vmem>> -> memref<8x128xf32, #tpu.memory_space<vmem>>
    tpu.wait_dma2 semaphore(%dma_wait3A_292 : memref<!tpu.dma_semaphore, #tpu.memory_space<semaphore_mem>>) src(%dma_wait3A_300 : memref<8x128xf32, #tpu.memory_space<vmem>>) dst(%dma_wait3A_296 : memref<8x128xf32, #tpu.memory_space<hbm>>)
    %dma_wait3A_301 = arith.constant 1 : i32
    %dma_wait3A_302 = arith.constant 0 : i32
    %dma_wait3A_303 = arith.constant 0 : i32
    %dma_wait3A_304 = arith.constant 0 : i32
    %dma_wait3A_305 = arith.constant 1 : i32
    %dma_wait3A_306 = arith.constant 0 : i32
    %dma_wait3A_307 = arith.constant 0 : i32
    %dma_wait3A_308 = tpu.memref_slice %arg7[%dma_wait3A_301, %dma_wait3A_306, %dma_wait3A_307] : memref<4x64x129xf32, #tpu.memory_space<vmem>> -> memref<1x8x128xf32, #tpu.memory_space<vmem>>
    %dma_wait3A_309 = tpu.memref_squeeze %dma_wait3A_308 : memref<1x8x128xf32, #tpu.memory_space<vmem>> -> memref<8x128xf32, #tpu.memory_space<vmem>>
    %dma_wait3A_310 = arith.constant 0 : i32
    %dma_wait3A_311 = arith.constant 0 : i32
    %dma_wait3A_312 = tpu.memref_slice %arg4[%dma_wait3A_302, %dma_wait3A_303, %dma_wait3A_304, %dma_wait3A_310, %dma_wait3A_311] : memref<200x8x32x8x128xf32, #tpu.memory_space<hbm>> -> memref<1x1x1x8x128xf32, #tpu.memory_space<hbm>>
    %dma_wait3A_313 = tpu.memref_squeeze %dma_wait3A_312 : memref<1x1x1x8x128xf32, #tpu.memory_space<hbm>> -> memref<8x128xf32, #tpu.memory_space<hbm>>
    %dma_wait3A_314 = tpu.memref_slice %arg9[%dma_wait3A_305] : memref<4x!tpu.dma_semaphore, #tpu.memory_space<semaphore_mem>> -> memref<1x!tpu.dma_semaphore, #tpu.memory_space<semaphore_mem>>
    %dma_wait3A_315 = tpu.memref_squeeze %dma_wait3A_314 : memref<1x!tpu.dma_semaphore, #tpu.memory_space<semaphore_mem>> -> memref<!tpu.dma_semaphore, #tpu.memory_space<semaphore_mem>>
    %dma_wait3A_316 = arith.constant 0 : i32
    %dma_wait3A_317 = arith.constant 0 : i32
    %dma_wait3A_318 = tpu.memref_slice %arg4[%dma_wait3A_302, %dma_wait3A_303, %dma_wait3A_304, %dma_wait3A_316, %dma_wait3A_317] : memref<200x8x32x8x128xf32, #tpu.memory_space<hbm>> -> memref<1x1x1x8x128xf32, #tpu.memory_space<hbm>>
    %dma_wait3A_319 = tpu.memref_squeeze %dma_wait3A_318 : memref<1x1x1x8x128xf32, #tpu.memory_space<hbm>> -> memref<8x128xf32, #tpu.memory_space<hbm>>
    %dma_wait3A_320 = arith.constant 0 : i32
    %dma_wait3A_321 = arith.constant 0 : i32
    %dma_wait3A_322 = tpu.memref_slice %arg7[%dma_wait3A_301, %dma_wait3A_320, %dma_wait3A_321] : memref<4x64x129xf32, #tpu.memory_space<vmem>> -> memref<1x8x128xf32, #tpu.memory_space<vmem>>
    %dma_wait3A_323 = tpu.memref_squeeze %dma_wait3A_322 : memref<1x8x128xf32, #tpu.memory_space<vmem>> -> memref<8x128xf32, #tpu.memory_space<vmem>>
    tpu.wait_dma2 semaphore(%dma_wait3A_315 : memref<!tpu.dma_semaphore, #tpu.memory_space<semaphore_mem>>) src(%dma_wait3A_323 : memref<8x128xf32, #tpu.memory_space<vmem>>) dst(%dma_wait3A_319 : memref<8x128xf32, #tpu.memory_space<hbm>>)
    %dma_wait3A_324 = arith.constant 1 : i32
    %dma_wait3A_325 = arith.constant 0 : i32
    %dma_wait3A_326 = arith.constant 0 : i32
    %dma_wait3A_327 = arith.constant 0 : i32
    %dma_wait3A_328 = arith.constant 1 : i32
    %dma_wait3A_329 = arith.constant 0 : i32
    %dma_wait3A_330 = arith.constant 0 : i32
    %dma_wait3A_331 = tpu.memref_slice %arg7[%dma_wait3A_324, %dma_wait3A_329, %dma_wait3A_330] : memref<4x64x129xf32, #tpu.memory_space<vmem>> -> memref<1x8x128xf32, #tpu.memory_space<vmem>>
    %dma_wait3A_332 = tpu.memref_squeeze %dma_wait3A_331 : memref<1x8x128xf32, #tpu.memory_space<vmem>> -> memref<8x128xf32, #tpu.memory_space<vmem>>
    %dma_wait3A_333 = arith.constant 0 : i32
    %dma_wait3A_334 = arith.constant 0 : i32
    %dma_wait3A_335 = tpu.memref_slice %arg4[%dma_wait3A_325, %dma_wait3A_326, %dma_wait3A_327, %dma_wait3A_333, %dma_wait3A_334] : memref<200x8x32x8x128xf32, #tpu.memory_space<hbm>> -> memref<1x1x1x8x128xf32, #tpu.memory_space<hbm>>
    %dma_wait3A_336 = tpu.memref_squeeze %dma_wait3A_335 : memref<1x1x1x8x128xf32, #tpu.memory_space<hbm>> -> memref<8x128xf32, #tpu.memory_space<hbm>>
    %dma_wait3A_337 = tpu.memref_slice %arg9[%dma_wait3A_328] : memref<4x!tpu.dma_semaphore, #tpu.memory_space<semaphore_mem>> -> memref<1x!tpu.dma_semaphore, #tpu.memory_space<semaphore_mem>>
    %dma_wait3A_338 = tpu.memref_squeeze %dma_wait3A_337 : memref<1x!tpu.dma_semaphore, #tpu.memory_space<semaphore_mem>> -> memref<!tpu.dma_semaphore, #tpu.memory_space<semaphore_mem>>
    %dma_wait3A_339 = arith.constant 0 : i32
    %dma_wait3A_340 = arith.constant 0 : i32
    %dma_wait3A_341 = tpu.memref_slice %arg4[%dma_wait3A_325, %dma_wait3A_326, %dma_wait3A_327, %dma_wait3A_339, %dma_wait3A_340] : memref<200x8x32x8x128xf32, #tpu.memory_space<hbm>> -> memref<1x1x1x8x128xf32, #tpu.memory_space<hbm>>
    %dma_wait3A_342 = tpu.memref_squeeze %dma_wait3A_341 : memref<1x1x1x8x128xf32, #tpu.memory_space<hbm>> -> memref<8x128xf32, #tpu.memory_space<hbm>>
    %dma_wait3A_343 = arith.constant 0 : i32
    %dma_wait3A_344 = arith.constant 0 : i32
    %dma_wait3A_345 = tpu.memref_slice %arg7[%dma_wait3A_324, %dma_wait3A_343, %dma_wait3A_344] : memref<4x64x129xf32, #tpu.memory_space<vmem>> -> memref<1x8x128xf32, #tpu.memory_space<vmem>>
    %dma_wait3A_346 = tpu.memref_squeeze %dma_wait3A_345 : memref<1x8x128xf32, #tpu.memory_space<vmem>> -> memref<8x128xf32, #tpu.memory_space<vmem>>
    tpu.wait_dma2 semaphore(%dma_wait3A_338 : memref<!tpu.dma_semaphore, #tpu.memory_space<semaphore_mem>>) src(%dma_wait3A_346 : memref<8x128xf32, #tpu.memory_space<vmem>>) dst(%dma_wait3A_342 : memref<8x128xf32, #tpu.memory_space<hbm>>)
    %dma_wait3A_347 = arith.constant 1 : i32
    %dma_wait3A_348 = arith.constant 0 : i32
    %dma_wait3A_349 = arith.constant 0 : i32
    %dma_wait3A_350 = arith.constant 0 : i32
    %dma_wait3A_351 = arith.constant 1 : i32
    %dma_wait3A_352 = arith.constant 0 : i32
    %dma_wait3A_353 = arith.constant 0 : i32
    %dma_wait3A_354 = tpu.memref_slice %arg7[%dma_wait3A_347, %dma_wait3A_352, %dma_wait3A_353] : memref<4x64x129xf32, #tpu.memory_space<vmem>> -> memref<1x8x128xf32, #tpu.memory_space<vmem>>
    %dma_wait3A_355 = tpu.memref_squeeze %dma_wait3A_354 : memref<1x8x128xf32, #tpu.memory_space<vmem>> -> memref<8x128xf32, #tpu.memory_space<vmem>>
    %dma_wait3A_356 = arith.constant 0 : i32
    %dma_wait3A_357 = arith.constant 0 : i32
    %dma_wait3A_358 = tpu.memref_slice %arg4[%dma_wait3A_348, %dma_wait3A_349, %dma_wait3A_350, %dma_wait3A_356, %dma_wait3A_357] : memref<200x8x32x8x128xf32, #tpu.memory_space<hbm>> -> memref<1x1x1x8x128xf32, #tpu.memory_space<hbm>>
    %dma_wait3A_359 = tpu.memref_squeeze %dma_wait3A_358 : memref<1x1x1x8x128xf32, #tpu.memory_space<hbm>> -> memref<8x128xf32, #tpu.memory_space<hbm>>
    %dma_wait3A_360 = tpu.memref_slice %arg9[%dma_wait3A_351] : memref<4x!tpu.dma_semaphore, #tpu.memory_space<semaphore_mem>> -> memref<1x!tpu.dma_semaphore, #tpu.memory_space<semaphore_mem>>
    %dma_wait3A_361 = tpu.memref_squeeze %dma_wait3A_360 : memref<1x!tpu.dma_semaphore, #tpu.memory_space<semaphore_mem>> -> memref<!tpu.dma_semaphore, #tpu.memory_space<semaphore_mem>>
    %dma_wait3A_362 = arith.constant 0 : i32
    %dma_wait3A_363 = arith.constant 0 : i32
    %dma_wait3A_364 = tpu.memref_slice %arg4[%dma_wait3A_348, %dma_wait3A_349, %dma_wait3A_350, %dma_wait3A_362, %dma_wait3A_363] : memref<200x8x32x8x128xf32, #tpu.memory_space<hbm>> -> memref<1x1x1x8x128xf32, #tpu.memory_space<hbm>>
    %dma_wait3A_365 = tpu.memref_squeeze %dma_wait3A_364 : memref<1x1x1x8x128xf32, #tpu.memory_space<hbm>> -> memref<8x128xf32, #tpu.memory_space<hbm>>
    %dma_wait3A_366 = arith.constant 0 : i32
    %dma_wait3A_367 = arith.constant 0 : i32
    %dma_wait3A_368 = tpu.memref_slice %arg7[%dma_wait3A_347, %dma_wait3A_366, %dma_wait3A_367] : memref<4x64x129xf32, #tpu.memory_space<vmem>> -> memref<1x8x128xf32, #tpu.memory_space<vmem>>
    %dma_wait3A_369 = tpu.memref_squeeze %dma_wait3A_368 : memref<1x8x128xf32, #tpu.memory_space<vmem>> -> memref<8x128xf32, #tpu.memory_space<vmem>>
    tpu.wait_dma2 semaphore(%dma_wait3A_361 : memref<!tpu.dma_semaphore, #tpu.memory_space<semaphore_mem>>) src(%dma_wait3A_369 : memref<8x128xf32, #tpu.memory_space<vmem>>) dst(%dma_wait3A_365 : memref<8x128xf32, #tpu.memory_space<hbm>>)
    %dma_wait3A_370 = arith.constant 1 : i32
    %dma_wait3A_371 = arith.constant 0 : i32
    %dma_wait3A_372 = arith.constant 0 : i32
    %dma_wait3A_373 = arith.constant 0 : i32
    %dma_wait3A_374 = arith.constant 1 : i32
    %dma_wait3A_375 = arith.constant 0 : i32
    %dma_wait3A_376 = arith.constant 0 : i32
    %dma_wait3A_377 = tpu.memref_slice %arg7[%dma_wait3A_370, %dma_wait3A_375, %dma_wait3A_376] : memref<4x64x129xf32, #tpu.memory_space<vmem>> -> memref<1x8x128xf32, #tpu.memory_space<vmem>>
    %dma_wait3A_378 = tpu.memref_squeeze %dma_wait3A_377 : memref<1x8x128xf32, #tpu.memory_space<vmem>> -> memref<8x128xf32, #tpu.memory_space<vmem>>
    %dma_wait3A_379 = arith.constant 0 : i32
    %dma_wait3A_380 = arith.constant 0 : i32
    %dma_wait3A_381 = tpu.memref_slice %arg4[%dma_wait3A_371, %dma_wait3A_372, %dma_wait3A_373, %dma_wait3A_379, %dma_wait3A_380] : memref<200x8x32x8x128xf32, #tpu.memory_space<hbm>> -> memref<1x1x1x8x128xf32, #tpu.memory_space<hbm>>
    %dma_wait3A_382 = tpu.memref_squeeze %dma_wait3A_381 : memref<1x1x1x8x128xf32, #tpu.memory_space<hbm>> -> memref<8x128xf32, #tpu.memory_space<hbm>>
    %dma_wait3A_383 = tpu.memref_slice %arg9[%dma_wait3A_374] : memref<4x!tpu.dma_semaphore, #tpu.memory_space<semaphore_mem>> -> memref<1x!tpu.dma_semaphore, #tpu.memory_space<semaphore_mem>>
    %dma_wait3A_384 = tpu.memref_squeeze %dma_wait3A_383 : memref<1x!tpu.dma_semaphore, #tpu.memory_space<semaphore_mem>> -> memref<!tpu.dma_semaphore, #tpu.memory_space<semaphore_mem>>
    %dma_wait3A_385 = arith.constant 0 : i32
    %dma_wait3A_386 = arith.constant 0 : i32
    %dma_wait3A_387 = tpu.memref_slice %arg4[%dma_wait3A_371, %dma_wait3A_372, %dma_wait3A_373, %dma_wait3A_385, %dma_wait3A_386] : memref<200x8x32x8x128xf32, #tpu.memory_space<hbm>> -> memref<1x1x1x8x128xf32, #tpu.memory_space<hbm>>
    %dma_wait3A_388 = tpu.memref_squeeze %dma_wait3A_387 : memref<1x1x1x8x128xf32, #tpu.memory_space<hbm>> -> memref<8x128xf32, #tpu.memory_space<hbm>>
    %dma_wait3A_389 = arith.constant 0 : i32
    %dma_wait3A_390 = arith.constant 0 : i32
    %dma_wait3A_391 = tpu.memref_slice %arg7[%dma_wait3A_370, %dma_wait3A_389, %dma_wait3A_390] : memref<4x64x129xf32, #tpu.memory_space<vmem>> -> memref<1x8x128xf32, #tpu.memory_space<vmem>>
    %dma_wait3A_392 = tpu.memref_squeeze %dma_wait3A_391 : memref<1x8x128xf32, #tpu.memory_space<vmem>> -> memref<8x128xf32, #tpu.memory_space<vmem>>
    tpu.wait_dma2 semaphore(%dma_wait3A_384 : memref<!tpu.dma_semaphore, #tpu.memory_space<semaphore_mem>>) src(%dma_wait3A_392 : memref<8x128xf32, #tpu.memory_space<vmem>>) dst(%dma_wait3A_388 : memref<8x128xf32, #tpu.memory_space<hbm>>)
    %dma_wait3A_393 = arith.constant 1 : i32
    %dma_wait3A_394 = arith.constant 0 : i32
    %dma_wait3A_395 = arith.constant 0 : i32
    %dma_wait3A_396 = arith.constant 0 : i32
    %dma_wait3A_397 = arith.constant 1 : i32
    %dma_wait3A_398 = arith.constant 0 : i32
    %dma_wait3A_399 = arith.constant 0 : i32
    %dma_wait3A_400 = tpu.memref_slice %arg7[%dma_wait3A_393, %dma_wait3A_398, %dma_wait3A_399] : memref<4x64x129xf32, #tpu.memory_space<vmem>> -> memref<1x8x128xf32, #tpu.memory_space<vmem>>
    %dma_wait3A_401 = tpu.memref_squeeze %dma_wait3A_400 : memref<1x8x128xf32, #tpu.memory_space<vmem>> -> memref<8x128xf32, #tpu.memory_space<vmem>>
    %dma_wait3A_402 = arith.constant 0 : i32
    %dma_wait3A_403 = arith.constant 0 : i32
    %dma_wait3A_404 = tpu.memref_slice %arg4[%dma_wait3A_394, %dma_wait3A_395, %dma_wait3A_396, %dma_wait3A_402, %dma_wait3A_403] : memref<200x8x32x8x128xf32, #tpu.memory_space<hbm>> -> memref<1x1x1x8x128xf32, #tpu.memory_space<hbm>>
    %dma_wait3A_405 = tpu.memref_squeeze %dma_wait3A_404 : memref<1x1x1x8x128xf32, #tpu.memory_space<hbm>> -> memref<8x128xf32, #tpu.memory_space<hbm>>
    %dma_wait3A_406 = tpu.memref_slice %arg9[%dma_wait3A_397] : memref<4x!tpu.dma_semaphore, #tpu.memory_space<semaphore_mem>> -> memref<1x!tpu.dma_semaphore, #tpu.memory_space<semaphore_mem>>
    %dma_wait3A_407 = tpu.memref_squeeze %dma_wait3A_406 : memref<1x!tpu.dma_semaphore, #tpu.memory_space<semaphore_mem>> -> memref<!tpu.dma_semaphore, #tpu.memory_space<semaphore_mem>>
    %dma_wait3A_408 = arith.constant 0 : i32
    %dma_wait3A_409 = arith.constant 0 : i32
    %dma_wait3A_410 = tpu.memref_slice %arg4[%dma_wait3A_394, %dma_wait3A_395, %dma_wait3A_396, %dma_wait3A_408, %dma_wait3A_409] : memref<200x8x32x8x128xf32, #tpu.memory_space<hbm>> -> memref<1x1x1x8x128xf32, #tpu.memory_space<hbm>>
    %dma_wait3A_411 = tpu.memref_squeeze %dma_wait3A_410 : memref<1x1x1x8x128xf32, #tpu.memory_space<hbm>> -> memref<8x128xf32, #tpu.memory_space<hbm>>
    %dma_wait3A_412 = arith.constant 0 : i32
    %dma_wait3A_413 = arith.constant 0 : i32
    %dma_wait3A_414 = tpu.memref_slice %arg7[%dma_wait3A_393, %dma_wait3A_412, %dma_wait3A_413] : memref<4x64x129xf32, #tpu.memory_space<vmem>> -> memref<1x8x128xf32, #tpu.memory_space<vmem>>
    %dma_wait3A_415 = tpu.memref_squeeze %dma_wait3A_414 : memref<1x8x128xf32, #tpu.memory_space<vmem>> -> memref<8x128xf32, #tpu.memory_space<vmem>>
    tpu.wait_dma2 semaphore(%dma_wait3A_407 : memref<!tpu.dma_semaphore, #tpu.memory_space<semaphore_mem>>) src(%dma_wait3A_415 : memref<8x128xf32, #tpu.memory_space<vmem>>) dst(%dma_wait3A_411 : memref<8x128xf32, #tpu.memory_space<hbm>>)
    %dma_wait3A_416 = arith.constant 1 : i32
    %dma_wait3A_417 = arith.constant 0 : i32
    %dma_wait3A_418 = arith.constant 0 : i32
    %dma_wait3A_419 = arith.constant 0 : i32
    %dma_wait3A_420 = arith.constant 1 : i32
    %dma_wait3A_421 = arith.constant 0 : i32
    %dma_wait3A_422 = arith.constant 0 : i32
    %dma_wait3A_423 = tpu.memref_slice %arg7[%dma_wait3A_416, %dma_wait3A_421, %dma_wait3A_422] : memref<4x64x129xf32, #tpu.memory_space<vmem>> -> memref<1x8x128xf32, #tpu.memory_space<vmem>>
    %dma_wait3A_424 = tpu.memref_squeeze %dma_wait3A_423 : memref<1x8x128xf32, #tpu.memory_space<vmem>> -> memref<8x128xf32, #tpu.memory_space<vmem>>
    %dma_wait3A_425 = arith.constant 0 : i32
    %dma_wait3A_426 = arith.constant 0 : i32
    %dma_wait3A_427 = tpu.memref_slice %arg4[%dma_wait3A_417, %dma_wait3A_418, %dma_wait3A_419, %dma_wait3A_425, %dma_wait3A_426] : memref<200x8x32x8x128xf32, #tpu.memory_space<hbm>> -> memref<1x1x1x8x128xf32, #tpu.memory_space<hbm>>
    %dma_wait3A_428 = tpu.memref_squeeze %dma_wait3A_427 : memref<1x1x1x8x128xf32, #tpu.memory_space<hbm>> -> memref<8x128xf32, #tpu.memory_space<hbm>>
    %dma_wait3A_429 = tpu.memref_slice %arg9[%dma_wait3A_420] : memref<4x!tpu.dma_semaphore, #tpu.memory_space<semaphore_mem>> -> memref<1x!tpu.dma_semaphore, #tpu.memory_space<semaphore_mem>>
    %dma_wait3A_430 = tpu.memref_squeeze %dma_wait3A_429 : memref<1x!tpu.dma_semaphore, #tpu.memory_space<semaphore_mem>> -> memref<!tpu.dma_semaphore, #tpu.memory_space<semaphore_mem>>
    %dma_wait3A_431 = arith.constant 0 : i32
    %dma_wait3A_432 = arith.constant 0 : i32
    %dma_wait3A_433 = tpu.memref_slice %arg4[%dma_wait3A_417, %dma_wait3A_418, %dma_wait3A_419, %dma_wait3A_431, %dma_wait3A_432] : memref<200x8x32x8x128xf32, #tpu.memory_space<hbm>> -> memref<1x1x1x8x128xf32, #tpu.memory_space<hbm>>
    %dma_wait3A_434 = tpu.memref_squeeze %dma_wait3A_433 : memref<1x1x1x8x128xf32, #tpu.memory_space<hbm>> -> memref<8x128xf32, #tpu.memory_space<hbm>>
    %dma_wait3A_435 = arith.constant 0 : i32
    %dma_wait3A_436 = arith.constant 0 : i32
    %dma_wait3A_437 = tpu.memref_slice %arg7[%dma_wait3A_416, %dma_wait3A_435, %dma_wait3A_436] : memref<4x64x129xf32, #tpu.memory_space<vmem>> -> memref<1x8x128xf32, #tpu.memory_space<vmem>>
    %dma_wait3A_438 = tpu.memref_squeeze %dma_wait3A_437 : memref<1x8x128xf32, #tpu.memory_space<vmem>> -> memref<8x128xf32, #tpu.memory_space<vmem>>
    tpu.wait_dma2 semaphore(%dma_wait3A_430 : memref<!tpu.dma_semaphore, #tpu.memory_space<semaphore_mem>>) src(%dma_wait3A_438 : memref<8x128xf32, #tpu.memory_space<vmem>>) dst(%dma_wait3A_434 : memref<8x128xf32, #tpu.memory_space<hbm>>)
    %dma_wait3A_439 = arith.constant 2 : i32
    %dma_wait3A_440 = arith.constant 0 : i32
    %dma_wait3A_441 = arith.constant 0 : i32
    %dma_wait3A_442 = arith.constant 0 : i32
    %dma_wait3A_443 = arith.constant 2 : i32
    %dma_wait3A_444 = arith.constant 0 : i32
    %dma_wait3A_445 = arith.constant 0 : i32
    %dma_wait3A_446 = tpu.memref_slice %arg7[%dma_wait3A_439, %dma_wait3A_444, %dma_wait3A_445] : memref<4x64x129xf32, #tpu.memory_space<vmem>> -> memref<1x8x128xf32, #tpu.memory_space<vmem>>
    %dma_wait3A_447 = tpu.memref_squeeze %dma_wait3A_446 : memref<1x8x128xf32, #tpu.memory_space<vmem>> -> memref<8x128xf32, #tpu.memory_space<vmem>>
    %dma_wait3A_448 = arith.constant 0 : i32
    %dma_wait3A_449 = arith.constant 0 : i32
    %dma_wait3A_450 = tpu.memref_slice %arg4[%dma_wait3A_440, %dma_wait3A_441, %dma_wait3A_442, %dma_wait3A_448, %dma_wait3A_449] : memref<200x8x32x8x128xf32, #tpu.memory_space<hbm>> -> memref<1x1x1x8x128xf32, #tpu.memory_space<hbm>>
    %dma_wait3A_451 = tpu.memref_squeeze %dma_wait3A_450 : memref<1x1x1x8x128xf32, #tpu.memory_space<hbm>> -> memref<8x128xf32, #tpu.memory_space<hbm>>
    %dma_wait3A_452 = tpu.memref_slice %arg9[%dma_wait3A_443] : memref<4x!tpu.dma_semaphore, #tpu.memory_space<semaphore_mem>> -> memref<1x!tpu.dma_semaphore, #tpu.memory_space<semaphore_mem>>
    %dma_wait3A_453 = tpu.memref_squeeze %dma_wait3A_452 : memref<1x!tpu.dma_semaphore, #tpu.memory_space<semaphore_mem>> -> memref<!tpu.dma_semaphore, #tpu.memory_space<semaphore_mem>>
    %dma_wait3A_454 = arith.constant 0 : i32
    %dma_wait3A_455 = arith.constant 0 : i32
    %dma_wait3A_456 = tpu.memref_slice %arg4[%dma_wait3A_440, %dma_wait3A_441, %dma_wait3A_442, %dma_wait3A_454, %dma_wait3A_455] : memref<200x8x32x8x128xf32, #tpu.memory_space<hbm>> -> memref<1x1x1x8x128xf32, #tpu.memory_space<hbm>>
    %dma_wait3A_457 = tpu.memref_squeeze %dma_wait3A_456 : memref<1x1x1x8x128xf32, #tpu.memory_space<hbm>> -> memref<8x128xf32, #tpu.memory_space<hbm>>
    %dma_wait3A_458 = arith.constant 0 : i32
    %dma_wait3A_459 = arith.constant 0 : i32
    %dma_wait3A_460 = tpu.memref_slice %arg7[%dma_wait3A_439, %dma_wait3A_458, %dma_wait3A_459] : memref<4x64x129xf32, #tpu.memory_space<vmem>> -> memref<1x8x128xf32, #tpu.memory_space<vmem>>
    %dma_wait3A_461 = tpu.memref_squeeze %dma_wait3A_460 : memref<1x8x128xf32, #tpu.memory_space<vmem>> -> memref<8x128xf32, #tpu.memory_space<vmem>>
    tpu.wait_dma2 semaphore(%dma_wait3A_453 : memref<!tpu.dma_semaphore, #tpu.memory_space<semaphore_mem>>) src(%dma_wait3A_461 : memref<8x128xf32, #tpu.memory_space<vmem>>) dst(%dma_wait3A_457 : memref<8x128xf32, #tpu.memory_space<hbm>>)
    %dma_wait3A_462 = arith.constant 2 : i32
    %dma_wait3A_463 = arith.constant 0 : i32
    %dma_wait3A_464 = arith.constant 0 : i32
    %dma_wait3A_465 = arith.constant 0 : i32
    %dma_wait3A_466 = arith.constant 2 : i32
    %dma_wait3A_467 = arith.constant 0 : i32
    %dma_wait3A_468 = arith.constant 0 : i32
    %dma_wait3A_469 = tpu.memref_slice %arg7[%dma_wait3A_462, %dma_wait3A_467, %dma_wait3A_468] : memref<4x64x129xf32, #tpu.memory_space<vmem>> -> memref<1x8x128xf32, #tpu.memory_space<vmem>>
    %dma_wait3A_470 = tpu.memref_squeeze %dma_wait3A_469 : memref<1x8x128xf32, #tpu.memory_space<vmem>> -> memref<8x128xf32, #tpu.memory_space<vmem>>
    %dma_wait3A_471 = arith.constant 0 : i32
    %dma_wait3A_472 = arith.constant 0 : i32
    %dma_wait3A_473 = tpu.memref_slice %arg4[%dma_wait3A_463, %dma_wait3A_464, %dma_wait3A_465, %dma_wait3A_471, %dma_wait3A_472] : memref<200x8x32x8x128xf32, #tpu.memory_space<hbm>> -> memref<1x1x1x8x128xf32, #tpu.memory_space<hbm>>
    %dma_wait3A_474 = tpu.memref_squeeze %dma_wait3A_473 : memref<1x1x1x8x128xf32, #tpu.memory_space<hbm>> -> memref<8x128xf32, #tpu.memory_space<hbm>>
    %dma_wait3A_475 = tpu.memref_slice %arg9[%dma_wait3A_466] : memref<4x!tpu.dma_semaphore, #tpu.memory_space<semaphore_mem>> -> memref<1x!tpu.dma_semaphore, #tpu.memory_space<semaphore_mem>>
    %dma_wait3A_476 = tpu.memref_squeeze %dma_wait3A_475 : memref<1x!tpu.dma_semaphore, #tpu.memory_space<semaphore_mem>> -> memref<!tpu.dma_semaphore, #tpu.memory_space<semaphore_mem>>
    %dma_wait3A_477 = arith.constant 0 : i32
    %dma_wait3A_478 = arith.constant 0 : i32
    %dma_wait3A_479 = tpu.memref_slice %arg4[%dma_wait3A_463, %dma_wait3A_464, %dma_wait3A_465, %dma_wait3A_477, %dma_wait3A_478] : memref<200x8x32x8x128xf32, #tpu.memory_space<hbm>> -> memref<1x1x1x8x128xf32, #tpu.memory_space<hbm>>
    %dma_wait3A_480 = tpu.memref_squeeze %dma_wait3A_479 : memref<1x1x1x8x128xf32, #tpu.memory_space<hbm>> -> memref<8x128xf32, #tpu.memory_space<hbm>>
    %dma_wait3A_481 = arith.constant 0 : i32
    %dma_wait3A_482 = arith.constant 0 : i32
    %dma_wait3A_483 = tpu.memref_slice %arg7[%dma_wait3A_462, %dma_wait3A_481, %dma_wait3A_482] : memref<4x64x129xf32, #tpu.memory_space<vmem>> -> memref<1x8x128xf32, #tpu.memory_space<vmem>>
    %dma_wait3A_484 = tpu.memref_squeeze %dma_wait3A_483 : memref<1x8x128xf32, #tpu.memory_space<vmem>> -> memref<8x128xf32, #tpu.memory_space<vmem>>
    tpu.wait_dma2 semaphore(%dma_wait3A_476 : memref<!tpu.dma_semaphore, #tpu.memory_space<semaphore_mem>>) src(%dma_wait3A_484 : memref<8x128xf32, #tpu.memory_space<vmem>>) dst(%dma_wait3A_480 : memref<8x128xf32, #tpu.memory_space<hbm>>)
    %dma_wait3A_485 = arith.constant 2 : i32
    %dma_wait3A_486 = arith.constant 0 : i32
    %dma_wait3A_487 = arith.constant 0 : i32
    %dma_wait3A_488 = arith.constant 0 : i32
    %dma_wait3A_489 = arith.constant 2 : i32
    %dma_wait3A_490 = arith.constant 0 : i32
    %dma_wait3A_491 = arith.constant 0 : i32
    %dma_wait3A_492 = tpu.memref_slice %arg7[%dma_wait3A_485, %dma_wait3A_490, %dma_wait3A_491] : memref<4x64x129xf32, #tpu.memory_space<vmem>> -> memref<1x8x128xf32, #tpu.memory_space<vmem>>
    %dma_wait3A_493 = tpu.memref_squeeze %dma_wait3A_492 : memref<1x8x128xf32, #tpu.memory_space<vmem>> -> memref<8x128xf32, #tpu.memory_space<vmem>>
    %dma_wait3A_494 = arith.constant 0 : i32
    %dma_wait3A_495 = arith.constant 0 : i32
    %dma_wait3A_496 = tpu.memref_slice %arg4[%dma_wait3A_486, %dma_wait3A_487, %dma_wait3A_488, %dma_wait3A_494, %dma_wait3A_495] : memref<200x8x32x8x128xf32, #tpu.memory_space<hbm>> -> memref<1x1x1x8x128xf32, #tpu.memory_space<hbm>>
    %dma_wait3A_497 = tpu.memref_squeeze %dma_wait3A_496 : memref<1x1x1x8x128xf32, #tpu.memory_space<hbm>> -> memref<8x128xf32, #tpu.memory_space<hbm>>
    %dma_wait3A_498 = tpu.memref_slice %arg9[%dma_wait3A_489] : memref<4x!tpu.dma_semaphore, #tpu.memory_space<semaphore_mem>> -> memref<1x!tpu.dma_semaphore, #tpu.memory_space<semaphore_mem>>
    %dma_wait3A_499 = tpu.memref_squeeze %dma_wait3A_498 : memref<1x!tpu.dma_semaphore, #tpu.memory_space<semaphore_mem>> -> memref<!tpu.dma_semaphore, #tpu.memory_space<semaphore_mem>>
    %dma_wait3A_500 = arith.constant 0 : i32
    %dma_wait3A_501 = arith.constant 0 : i32
    %dma_wait3A_502 = tpu.memref_slice %arg4[%dma_wait3A_486, %dma_wait3A_487, %dma_wait3A_488, %dma_wait3A_500, %dma_wait3A_501] : memref<200x8x32x8x128xf32, #tpu.memory_space<hbm>> -> memref<1x1x1x8x128xf32, #tpu.memory_space<hbm>>
    %dma_wait3A_503 = tpu.memref_squeeze %dma_wait3A_502 : memref<1x1x1x8x128xf32, #tpu.memory_space<hbm>> -> memref<8x128xf32, #tpu.memory_space<hbm>>
    %dma_wait3A_504 = arith.constant 0 : i32
    %dma_wait3A_505 = arith.constant 0 : i32
    %dma_wait3A_506 = tpu.memref_slice %arg7[%dma_wait3A_485, %dma_wait3A_504, %dma_wait3A_505] : memref<4x64x129xf32, #tpu.memory_space<vmem>> -> memref<1x8x128xf32, #tpu.memory_space<vmem>>
    %dma_wait3A_507 = tpu.memref_squeeze %dma_wait3A_506 : memref<1x8x128xf32, #tpu.memory_space<vmem>> -> memref<8x128xf32, #tpu.memory_space<vmem>>
    tpu.wait_dma2 semaphore(%dma_wait3A_499 : memref<!tpu.dma_semaphore, #tpu.memory_space<semaphore_mem>>) src(%dma_wait3A_507 : memref<8x128xf32, #tpu.memory_space<vmem>>) dst(%dma_wait3A_503 : memref<8x128xf32, #tpu.memory_space<hbm>>)
    %dma_wait3A_508 = arith.constant 2 : i32
    %dma_wait3A_509 = arith.constant 0 : i32
    %dma_wait3A_510 = arith.constant 0 : i32
    %dma_wait3A_511 = arith.constant 0 : i32
    %dma_wait3A_512 = arith.constant 2 : i32
    %dma_wait3A_513 = arith.constant 0 : i32
    %dma_wait3A_514 = arith.constant 0 : i32
    %dma_wait3A_515 = tpu.memref_slice %arg7[%dma_wait3A_508, %dma_wait3A_513, %dma_wait3A_514] : memref<4x64x129xf32, #tpu.memory_space<vmem>> -> memref<1x8x128xf32, #tpu.memory_space<vmem>>
    %dma_wait3A_516 = tpu.memref_squeeze %dma_wait3A_515 : memref<1x8x128xf32, #tpu.memory_space<vmem>> -> memref<8x128xf32, #tpu.memory_space<vmem>>
    %dma_wait3A_517 = arith.constant 0 : i32
    %dma_wait3A_518 = arith.constant 0 : i32
    %dma_wait3A_519 = tpu.memref_slice %arg4[%dma_wait3A_509, %dma_wait3A_510, %dma_wait3A_511, %dma_wait3A_517, %dma_wait3A_518] : memref<200x8x32x8x128xf32, #tpu.memory_space<hbm>> -> memref<1x1x1x8x128xf32, #tpu.memory_space<hbm>>
    %dma_wait3A_520 = tpu.memref_squeeze %dma_wait3A_519 : memref<1x1x1x8x128xf32, #tpu.memory_space<hbm>> -> memref<8x128xf32, #tpu.memory_space<hbm>>
    %dma_wait3A_521 = tpu.memref_slice %arg9[%dma_wait3A_512] : memref<4x!tpu.dma_semaphore, #tpu.memory_space<semaphore_mem>> -> memref<1x!tpu.dma_semaphore, #tpu.memory_space<semaphore_mem>>
    %dma_wait3A_522 = tpu.memref_squeeze %dma_wait3A_521 : memref<1x!tpu.dma_semaphore, #tpu.memory_space<semaphore_mem>> -> memref<!tpu.dma_semaphore, #tpu.memory_space<semaphore_mem>>
    %dma_wait3A_523 = arith.constant 0 : i32
    %dma_wait3A_524 = arith.constant 0 : i32
    %dma_wait3A_525 = tpu.memref_slice %arg4[%dma_wait3A_509, %dma_wait3A_510, %dma_wait3A_511, %dma_wait3A_523, %dma_wait3A_524] : memref<200x8x32x8x128xf32, #tpu.memory_space<hbm>> -> memref<1x1x1x8x128xf32, #tpu.memory_space<hbm>>
    %dma_wait3A_526 = tpu.memref_squeeze %dma_wait3A_525 : memref<1x1x1x8x128xf32, #tpu.memory_space<hbm>> -> memref<8x128xf32, #tpu.memory_space<hbm>>
    %dma_wait3A_527 = arith.constant 0 : i32
    %dma_wait3A_528 = arith.constant 0 : i32
    %dma_wait3A_529 = tpu.memref_slice %arg7[%dma_wait3A_508, %dma_wait3A_527, %dma_wait3A_528] : memref<4x64x129xf32, #tpu.memory_space<vmem>> -> memref<1x8x128xf32, #tpu.memory_space<vmem>>
    %dma_wait3A_530 = tpu.memref_squeeze %dma_wait3A_529 : memref<1x8x128xf32, #tpu.memory_space<vmem>> -> memref<8x128xf32, #tpu.memory_space<vmem>>
    tpu.wait_dma2 semaphore(%dma_wait3A_522 : memref<!tpu.dma_semaphore, #tpu.memory_space<semaphore_mem>>) src(%dma_wait3A_530 : memref<8x128xf32, #tpu.memory_space<vmem>>) dst(%dma_wait3A_526 : memref<8x128xf32, #tpu.memory_space<hbm>>)
    %dma_wait3A_531 = arith.constant 2 : i32
    %dma_wait3A_532 = arith.constant 0 : i32
    %dma_wait3A_533 = arith.constant 0 : i32
    %dma_wait3A_534 = arith.constant 0 : i32
    %dma_wait3A_535 = arith.constant 2 : i32
    %dma_wait3A_536 = arith.constant 0 : i32
    %dma_wait3A_537 = arith.constant 0 : i32
    %dma_wait3A_538 = tpu.memref_slice %arg7[%dma_wait3A_531, %dma_wait3A_536, %dma_wait3A_537] : memref<4x64x129xf32, #tpu.memory_space<vmem>> -> memref<1x8x128xf32, #tpu.memory_space<vmem>>
    %dma_wait3A_539 = tpu.memref_squeeze %dma_wait3A_538 : memref<1x8x128xf32, #tpu.memory_space<vmem>> -> memref<8x128xf32, #tpu.memory_space<vmem>>
    %dma_wait3A_540 = arith.constant 0 : i32
    %dma_wait3A_541 = arith.constant 0 : i32
    %dma_wait3A_542 = tpu.memref_slice %arg4[%dma_wait3A_532, %dma_wait3A_533, %dma_wait3A_534, %dma_wait3A_540, %dma_wait3A_541] : memref<200x8x32x8x128xf32, #tpu.memory_space<hbm>> -> memref<1x1x1x8x128xf32, #tpu.memory_space<hbm>>
    %dma_wait3A_543 = tpu.memref_squeeze %dma_wait3A_542 : memref<1x1x1x8x128xf32, #tpu.memory_space<hbm>> -> memref<8x128xf32, #tpu.memory_space<hbm>>
    %dma_wait3A_544 = tpu.memref_slice %arg9[%dma_wait3A_535] : memref<4x!tpu.dma_semaphore, #tpu.memory_space<semaphore_mem>> -> memref<1x!tpu.dma_semaphore, #tpu.memory_space<semaphore_mem>>
    %dma_wait3A_545 = tpu.memref_squeeze %dma_wait3A_544 : memref<1x!tpu.dma_semaphore, #tpu.memory_space<semaphore_mem>> -> memref<!tpu.dma_semaphore, #tpu.memory_space<semaphore_mem>>
    %dma_wait3A_546 = arith.constant 0 : i32
    %dma_wait3A_547 = arith.constant 0 : i32
    %dma_wait3A_548 = tpu.memref_slice %arg4[%dma_wait3A_532, %dma_wait3A_533, %dma_wait3A_534, %dma_wait3A_546, %dma_wait3A_547] : memref<200x8x32x8x128xf32, #tpu.memory_space<hbm>> -> memref<1x1x1x8x128xf32, #tpu.memory_space<hbm>>
    %dma_wait3A_549 = tpu.memref_squeeze %dma_wait3A_548 : memref<1x1x1x8x128xf32, #tpu.memory_space<hbm>> -> memref<8x128xf32, #tpu.memory_space<hbm>>
    %dma_wait3A_550 = arith.constant 0 : i32
    %dma_wait3A_551 = arith.constant 0 : i32
    %dma_wait3A_552 = tpu.memref_slice %arg7[%dma_wait3A_531, %dma_wait3A_550, %dma_wait3A_551] : memref<4x64x129xf32, #tpu.memory_space<vmem>> -> memref<1x8x128xf32, #tpu.memory_space<vmem>>
    %dma_wait3A_553 = tpu.memref_squeeze %dma_wait3A_552 : memref<1x8x128xf32, #tpu.memory_space<vmem>> -> memref<8x128xf32, #tpu.memory_space<vmem>>
    tpu.wait_dma2 semaphore(%dma_wait3A_545 : memref<!tpu.dma_semaphore, #tpu.memory_space<semaphore_mem>>) src(%dma_wait3A_553 : memref<8x128xf32, #tpu.memory_space<vmem>>) dst(%dma_wait3A_549 : memref<8x128xf32, #tpu.memory_space<hbm>>)
    %dma_wait3A_554 = arith.constant 2 : i32
    %dma_wait3A_555 = arith.constant 0 : i32
    %dma_wait3A_556 = arith.constant 0 : i32
    %dma_wait3A_557 = arith.constant 0 : i32
    %dma_wait3A_558 = arith.constant 2 : i32
    %dma_wait3A_559 = arith.constant 0 : i32
    %dma_wait3A_560 = arith.constant 0 : i32
    %dma_wait3A_561 = tpu.memref_slice %arg7[%dma_wait3A_554, %dma_wait3A_559, %dma_wait3A_560] : memref<4x64x129xf32, #tpu.memory_space<vmem>> -> memref<1x8x128xf32, #tpu.memory_space<vmem>>
    %dma_wait3A_562 = tpu.memref_squeeze %dma_wait3A_561 : memref<1x8x128xf32, #tpu.memory_space<vmem>> -> memref<8x128xf32, #tpu.memory_space<vmem>>
    %dma_wait3A_563 = arith.constant 0 : i32
    %dma_wait3A_564 = arith.constant 0 : i32
    %dma_wait3A_565 = tpu.memref_slice %arg4[%dma_wait3A_555, %dma_wait3A_556, %dma_wait3A_557, %dma_wait3A_563, %dma_wait3A_564] : memref<200x8x32x8x128xf32, #tpu.memory_space<hbm>> -> memref<1x1x1x8x128xf32, #tpu.memory_space<hbm>>
    %dma_wait3A_566 = tpu.memref_squeeze %dma_wait3A_565 : memref<1x1x1x8x128xf32, #tpu.memory_space<hbm>> -> memref<8x128xf32, #tpu.memory_space<hbm>>
    %dma_wait3A_567 = tpu.memref_slice %arg9[%dma_wait3A_558] : memref<4x!tpu.dma_semaphore, #tpu.memory_space<semaphore_mem>> -> memref<1x!tpu.dma_semaphore, #tpu.memory_space<semaphore_mem>>
    %dma_wait3A_568 = tpu.memref_squeeze %dma_wait3A_567 : memref<1x!tpu.dma_semaphore, #tpu.memory_space<semaphore_mem>> -> memref<!tpu.dma_semaphore, #tpu.memory_space<semaphore_mem>>
    %dma_wait3A_569 = arith.constant 0 : i32
    %dma_wait3A_570 = arith.constant 0 : i32
    %dma_wait3A_571 = tpu.memref_slice %arg4[%dma_wait3A_555, %dma_wait3A_556, %dma_wait3A_557, %dma_wait3A_569, %dma_wait3A_570] : memref<200x8x32x8x128xf32, #tpu.memory_space<hbm>> -> memref<1x1x1x8x128xf32, #tpu.memory_space<hbm>>
    %dma_wait3A_572 = tpu.memref_squeeze %dma_wait3A_571 : memref<1x1x1x8x128xf32, #tpu.memory_space<hbm>> -> memref<8x128xf32, #tpu.memory_space<hbm>>
    %dma_wait3A_573 = arith.constant 0 : i32
    %dma_wait3A_574 = arith.constant 0 : i32
    %dma_wait3A_575 = tpu.memref_slice %arg7[%dma_wait3A_554, %dma_wait3A_573, %dma_wait3A_574] : memref<4x64x129xf32, #tpu.memory_space<vmem>> -> memref<1x8x128xf32, #tpu.memory_space<vmem>>
    %dma_wait3A_576 = tpu.memref_squeeze %dma_wait3A_575 : memref<1x8x128xf32, #tpu.memory_space<vmem>> -> memref<8x128xf32, #tpu.memory_space<vmem>>
    tpu.wait_dma2 semaphore(%dma_wait3A_568 : memref<!tpu.dma_semaphore, #tpu.memory_space<semaphore_mem>>) src(%dma_wait3A_576 : memref<8x128xf32, #tpu.memory_space<vmem>>) dst(%dma_wait3A_572 : memref<8x128xf32, #tpu.memory_space<hbm>>)
    %dma_wait3A_577 = arith.constant 2 : i32
    %dma_wait3A_578 = arith.constant 0 : i32
    %dma_wait3A_579 = arith.constant 0 : i32
    %dma_wait3A_580 = arith.constant 0 : i32
    %dma_wait3A_581 = arith.constant 2 : i32
    %dma_wait3A_582 = arith.constant 0 : i32
    %dma_wait3A_583 = arith.constant 0 : i32
    %dma_wait3A_584 = tpu.memref_slice %arg7[%dma_wait3A_577, %dma_wait3A_582, %dma_wait3A_583] : memref<4x64x129xf32, #tpu.memory_space<vmem>> -> memref<1x8x128xf32, #tpu.memory_space<vmem>>
    %dma_wait3A_585 = tpu.memref_squeeze %dma_wait3A_584 : memref<1x8x128xf32, #tpu.memory_space<vmem>> -> memref<8x128xf32, #tpu.memory_space<vmem>>
    %dma_wait3A_586 = arith.constant 0 : i32
    %dma_wait3A_587 = arith.constant 0 : i32
    %dma_wait3A_588 = tpu.memref_slice %arg4[%dma_wait3A_578, %dma_wait3A_579, %dma_wait3A_580, %dma_wait3A_586, %dma_wait3A_587] : memref<200x8x32x8x128xf32, #tpu.memory_space<hbm>> -> memref<1x1x1x8x128xf32, #tpu.memory_space<hbm>>
    %dma_wait3A_589 = tpu.memref_squeeze %dma_wait3A_588 : memref<1x1x1x8x128xf32, #tpu.memory_space<hbm>> -> memref<8x128xf32, #tpu.memory_space<hbm>>
    %dma_wait3A_590 = tpu.memref_slice %arg9[%dma_wait3A_581] : memref<4x!tpu.dma_semaphore, #tpu.memory_space<semaphore_mem>> -> memref<1x!tpu.dma_semaphore, #tpu.memory_space<semaphore_mem>>
    %dma_wait3A_591 = tpu.memref_squeeze %dma_wait3A_590 : memref<1x!tpu.dma_semaphore, #tpu.memory_space<semaphore_mem>> -> memref<!tpu.dma_semaphore, #tpu.memory_space<semaphore_mem>>
    %dma_wait3A_592 = arith.constant 0 : i32
    %dma_wait3A_593 = arith.constant 0 : i32
    %dma_wait3A_594 = tpu.memref_slice %arg4[%dma_wait3A_578, %dma_wait3A_579, %dma_wait3A_580, %dma_wait3A_592, %dma_wait3A_593] : memref<200x8x32x8x128xf32, #tpu.memory_space<hbm>> -> memref<1x1x1x8x128xf32, #tpu.memory_space<hbm>>
    %dma_wait3A_595 = tpu.memref_squeeze %dma_wait3A_594 : memref<1x1x1x8x128xf32, #tpu.memory_space<hbm>> -> memref<8x128xf32, #tpu.memory_space<hbm>>
    %dma_wait3A_596 = arith.constant 0 : i32
    %dma_wait3A_597 = arith.constant 0 : i32
    %dma_wait3A_598 = tpu.memref_slice %arg7[%dma_wait3A_577, %dma_wait3A_596, %dma_wait3A_597] : memref<4x64x129xf32, #tpu.memory_space<vmem>> -> memref<1x8x128xf32, #tpu.memory_space<vmem>>
    %dma_wait3A_599 = tpu.memref_squeeze %dma_wait3A_598 : memref<1x8x128xf32, #tpu.memory_space<vmem>> -> memref<8x128xf32, #tpu.memory_space<vmem>>
    tpu.wait_dma2 semaphore(%dma_wait3A_591 : memref<!tpu.dma_semaphore, #tpu.memory_space<semaphore_mem>>) src(%dma_wait3A_599 : memref<8x128xf32, #tpu.memory_space<vmem>>) dst(%dma_wait3A_595 : memref<8x128xf32, #tpu.memory_space<hbm>>)
    %dma_wait3A_600 = arith.constant 2 : i32
    %dma_wait3A_601 = arith.constant 0 : i32
    %dma_wait3A_602 = arith.constant 0 : i32
    %dma_wait3A_603 = arith.constant 0 : i32
    %dma_wait3A_604 = arith.constant 2 : i32
    %dma_wait3A_605 = arith.constant 0 : i32
    %dma_wait3A_606 = arith.constant 0 : i32
    %dma_wait3A_607 = tpu.memref_slice %arg7[%dma_wait3A_600, %dma_wait3A_605, %dma_wait3A_606] : memref<4x64x129xf32, #tpu.memory_space<vmem>> -> memref<1x8x128xf32, #tpu.memory_space<vmem>>
    %dma_wait3A_608 = tpu.memref_squeeze %dma_wait3A_607 : memref<1x8x128xf32, #tpu.memory_space<vmem>> -> memref<8x128xf32, #tpu.memory_space<vmem>>
    %dma_wait3A_609 = arith.constant 0 : i32
    %dma_wait3A_610 = arith.constant 0 : i32
    %dma_wait3A_611 = tpu.memref_slice %arg4[%dma_wait3A_601, %dma_wait3A_602, %dma_wait3A_603, %dma_wait3A_609, %dma_wait3A_610] : memref<200x8x32x8x128xf32, #tpu.memory_space<hbm>> -> memref<1x1x1x8x128xf32, #tpu.memory_space<hbm>>
    %dma_wait3A_612 = tpu.memref_squeeze %dma_wait3A_611 : memref<1x1x1x8x128xf32, #tpu.memory_space<hbm>> -> memref<8x128xf32, #tpu.memory_space<hbm>>
    %dma_wait3A_613 = tpu.memref_slice %arg9[%dma_wait3A_604] : memref<4x!tpu.dma_semaphore, #tpu.memory_space<semaphore_mem>> -> memref<1x!tpu.dma_semaphore, #tpu.memory_space<semaphore_mem>>
    %dma_wait3A_614 = tpu.memref_squeeze %dma_wait3A_613 : memref<1x!tpu.dma_semaphore, #tpu.memory_space<semaphore_mem>> -> memref<!tpu.dma_semaphore, #tpu.memory_space<semaphore_mem>>
    %dma_wait3A_615 = arith.constant 0 : i32
    %dma_wait3A_616 = arith.constant 0 : i32
    %dma_wait3A_617 = tpu.memref_slice %arg4[%dma_wait3A_601, %dma_wait3A_602, %dma_wait3A_603, %dma_wait3A_615, %dma_wait3A_616] : memref<200x8x32x8x128xf32, #tpu.memory_space<hbm>> -> memref<1x1x1x8x128xf32, #tpu.memory_space<hbm>>
    %dma_wait3A_618 = tpu.memref_squeeze %dma_wait3A_617 : memref<1x1x1x8x128xf32, #tpu.memory_space<hbm>> -> memref<8x128xf32, #tpu.memory_space<hbm>>
    %dma_wait3A_619 = arith.constant 0 : i32
    %dma_wait3A_620 = arith.constant 0 : i32
    %dma_wait3A_621 = tpu.memref_slice %arg7[%dma_wait3A_600, %dma_wait3A_619, %dma_wait3A_620] : memref<4x64x129xf32, #tpu.memory_space<vmem>> -> memref<1x8x128xf32, #tpu.memory_space<vmem>>
    %dma_wait3A_622 = tpu.memref_squeeze %dma_wait3A_621 : memref<1x8x128xf32, #tpu.memory_space<vmem>> -> memref<8x128xf32, #tpu.memory_space<vmem>>
    tpu.wait_dma2 semaphore(%dma_wait3A_614 : memref<!tpu.dma_semaphore, #tpu.memory_space<semaphore_mem>>) src(%dma_wait3A_622 : memref<8x128xf32, #tpu.memory_space<vmem>>) dst(%dma_wait3A_618 : memref<8x128xf32, #tpu.memory_space<hbm>>)
    %dma_wait3A_623 = arith.constant 3 : i32
    %dma_wait3A_624 = arith.constant 0 : i32
    %dma_wait3A_625 = arith.constant 0 : i32
    %dma_wait3A_626 = arith.constant 0 : i32
    %dma_wait3A_627 = arith.constant 3 : i32
    %dma_wait3A_628 = arith.constant 0 : i32
    %dma_wait3A_629 = arith.constant 0 : i32
    %dma_wait3A_630 = tpu.memref_slice %arg7[%dma_wait3A_623, %dma_wait3A_628, %dma_wait3A_629] : memref<4x64x129xf32, #tpu.memory_space<vmem>> -> memref<1x8x128xf32, #tpu.memory_space<vmem>>
    %dma_wait3A_631 = tpu.memref_squeeze %dma_wait3A_630 : memref<1x8x128xf32, #tpu.memory_space<vmem>> -> memref<8x128xf32, #tpu.memory_space<vmem>>
    %dma_wait3A_632 = arith.constant 0 : i32
    %dma_wait3A_633 = arith.constant 0 : i32
    %dma_wait3A_634 = tpu.memref_slice %arg4[%dma_wait3A_624, %dma_wait3A_625, %dma_wait3A_626, %dma_wait3A_632, %dma_wait3A_633] : memref<200x8x32x8x128xf32, #tpu.memory_space<hbm>> -> memref<1x1x1x8x128xf32, #tpu.memory_space<hbm>>
    %dma_wait3A_635 = tpu.memref_squeeze %dma_wait3A_634 : memref<1x1x1x8x128xf32, #tpu.memory_space<hbm>> -> memref<8x128xf32, #tpu.memory_space<hbm>>
    %dma_wait3A_636 = tpu.memref_slice %arg9[%dma_wait3A_627] : memref<4x!tpu.dma_semaphore, #tpu.memory_space<semaphore_mem>> -> memref<1x!tpu.dma_semaphore, #tpu.memory_space<semaphore_mem>>
    %dma_wait3A_637 = tpu.memref_squeeze %dma_wait3A_636 : memref<1x!tpu.dma_semaphore, #tpu.memory_space<semaphore_mem>> -> memref<!tpu.dma_semaphore, #tpu.memory_space<semaphore_mem>>
    %dma_wait3A_638 = arith.constant 0 : i32
    %dma_wait3A_639 = arith.constant 0 : i32
    %dma_wait3A_640 = tpu.memref_slice %arg4[%dma_wait3A_624, %dma_wait3A_625, %dma_wait3A_626, %dma_wait3A_638, %dma_wait3A_639] : memref<200x8x32x8x128xf32, #tpu.memory_space<hbm>> -> memref<1x1x1x8x128xf32, #tpu.memory_space<hbm>>
    %dma_wait3A_641 = tpu.memref_squeeze %dma_wait3A_640 : memref<1x1x1x8x128xf32, #tpu.memory_space<hbm>> -> memref<8x128xf32, #tpu.memory_space<hbm>>
    %dma_wait3A_642 = arith.constant 0 : i32
    %dma_wait3A_643 = arith.constant 0 : i32
    %dma_wait3A_644 = tpu.memref_slice %arg7[%dma_wait3A_623, %dma_wait3A_642, %dma_wait3A_643] : memref<4x64x129xf32, #tpu.memory_space<vmem>> -> memref<1x8x128xf32, #tpu.memory_space<vmem>>
    %dma_wait3A_645 = tpu.memref_squeeze %dma_wait3A_644 : memref<1x8x128xf32, #tpu.memory_space<vmem>> -> memref<8x128xf32, #tpu.memory_space<vmem>>
    tpu.wait_dma2 semaphore(%dma_wait3A_637 : memref<!tpu.dma_semaphore, #tpu.memory_space<semaphore_mem>>) src(%dma_wait3A_645 : memref<8x128xf32, #tpu.memory_space<vmem>>) dst(%dma_wait3A_641 : memref<8x128xf32, #tpu.memory_space<hbm>>)
    %dma_wait3A_646 = arith.constant 3 : i32
    %dma_wait3A_647 = arith.constant 0 : i32
    %dma_wait3A_648 = arith.constant 0 : i32
    %dma_wait3A_649 = arith.constant 0 : i32
    %dma_wait3A_650 = arith.constant 3 : i32
    %dma_wait3A_651 = arith.constant 0 : i32
    %dma_wait3A_652 = arith.constant 0 : i32
    %dma_wait3A_653 = tpu.memref_slice %arg7[%dma_wait3A_646, %dma_wait3A_651, %dma_wait3A_652] : memref<4x64x129xf32, #tpu.memory_space<vmem>> -> memref<1x8x128xf32, #tpu.memory_space<vmem>>
    %dma_wait3A_654 = tpu.memref_squeeze %dma_wait3A_653 : memref<1x8x128xf32, #tpu.memory_space<vmem>> -> memref<8x128xf32, #tpu.memory_space<vmem>>
    %dma_wait3A_655 = arith.constant 0 : i32
    %dma_wait3A_656 = arith.constant 0 : i32
    %dma_wait3A_657 = tpu.memref_slice %arg4[%dma_wait3A_647, %dma_wait3A_648, %dma_wait3A_649, %dma_wait3A_655, %dma_wait3A_656] : memref<200x8x32x8x128xf32, #tpu.memory_space<hbm>> -> memref<1x1x1x8x128xf32, #tpu.memory_space<hbm>>
    %dma_wait3A_658 = tpu.memref_squeeze %dma_wait3A_657 : memref<1x1x1x8x128xf32, #tpu.memory_space<hbm>> -> memref<8x128xf32, #tpu.memory_space<hbm>>
    %dma_wait3A_659 = tpu.memref_slice %arg9[%dma_wait3A_650] : memref<4x!tpu.dma_semaphore, #tpu.memory_space<semaphore_mem>> -> memref<1x!tpu.dma_semaphore, #tpu.memory_space<semaphore_mem>>
    %dma_wait3A_660 = tpu.memref_squeeze %dma_wait3A_659 : memref<1x!tpu.dma_semaphore, #tpu.memory_space<semaphore_mem>> -> memref<!tpu.dma_semaphore, #tpu.memory_space<semaphore_mem>>
    %dma_wait3A_661 = arith.constant 0 : i32
    %dma_wait3A_662 = arith.constant 0 : i32
    %dma_wait3A_663 = tpu.memref_slice %arg4[%dma_wait3A_647, %dma_wait3A_648, %dma_wait3A_649, %dma_wait3A_661, %dma_wait3A_662] : memref<200x8x32x8x128xf32, #tpu.memory_space<hbm>> -> memref<1x1x1x8x128xf32, #tpu.memory_space<hbm>>
    %dma_wait3A_664 = tpu.memref_squeeze %dma_wait3A_663 : memref<1x1x1x8x128xf32, #tpu.memory_space<hbm>> -> memref<8x128xf32, #tpu.memory_space<hbm>>
    %dma_wait3A_665 = arith.constant 0 : i32
    %dma_wait3A_666 = arith.constant 0 : i32
    %dma_wait3A_667 = tpu.memref_slice %arg7[%dma_wait3A_646, %dma_wait3A_665, %dma_wait3A_666] : memref<4x64x129xf32, #tpu.memory_space<vmem>> -> memref<1x8x128xf32, #tpu.memory_space<vmem>>
    %dma_wait3A_668 = tpu.memref_squeeze %dma_wait3A_667 : memref<1x8x128xf32, #tpu.memory_space<vmem>> -> memref<8x128xf32, #tpu.memory_space<vmem>>
    tpu.wait_dma2 semaphore(%dma_wait3A_660 : memref<!tpu.dma_semaphore, #tpu.memory_space<semaphore_mem>>) src(%dma_wait3A_668 : memref<8x128xf32, #tpu.memory_space<vmem>>) dst(%dma_wait3A_664 : memref<8x128xf32, #tpu.memory_space<hbm>>)
    %dma_wait3A_669 = arith.constant 3 : i32
    %dma_wait3A_670 = arith.constant 0 : i32
    %dma_wait3A_671 = arith.constant 0 : i32
    %dma_wait3A_672 = arith.constant 0 : i32
    %dma_wait3A_673 = arith.constant 3 : i32
    %dma_wait3A_674 = arith.constant 0 : i32
    %dma_wait3A_675 = arith.constant 0 : i32
    %dma_wait3A_676 = tpu.memref_slice %arg7[%dma_wait3A_669, %dma_wait3A_674, %dma_wait3A_675] : memref<4x64x129xf32, #tpu.memory_space<vmem>> -> memref<1x8x128xf32, #tpu.memory_space<vmem>>
    %dma_wait3A_677 = tpu.memref_squeeze %dma_wait3A_676 : memref<1x8x128xf32, #tpu.memory_space<vmem>> -> memref<8x128xf32, #tpu.memory_space<vmem>>
    %dma_wait3A_678 = arith.constant 0 : i32
    %dma_wait3A_679 = arith.constant 0 : i32
    %dma_wait3A_680 = tpu.memref_slice %arg4[%dma_wait3A_670, %dma_wait3A_671, %dma_wait3A_672, %dma_wait3A_678, %dma_wait3A_679] : memref<200x8x32x8x128xf32, #tpu.memory_space<hbm>> -> memref<1x1x1x8x128xf32, #tpu.memory_space<hbm>>
    %dma_wait3A_681 = tpu.memref_squeeze %dma_wait3A_680 : memref<1x1x1x8x128xf32, #tpu.memory_space<hbm>> -> memref<8x128xf32, #tpu.memory_space<hbm>>
    %dma_wait3A_682 = tpu.memref_slice %arg9[%dma_wait3A_673] : memref<4x!tpu.dma_semaphore, #tpu.memory_space<semaphore_mem>> -> memref<1x!tpu.dma_semaphore, #tpu.memory_space<semaphore_mem>>
    %dma_wait3A_683 = tpu.memref_squeeze %dma_wait3A_682 : memref<1x!tpu.dma_semaphore, #tpu.memory_space<semaphore_mem>> -> memref<!tpu.dma_semaphore, #tpu.memory_space<semaphore_mem>>
    %dma_wait3A_684 = arith.constant 0 : i32
    %dma_wait3A_685 = arith.constant 0 : i32
    %dma_wait3A_686 = tpu.memref_slice %arg4[%dma_wait3A_670, %dma_wait3A_671, %dma_wait3A_672, %dma_wait3A_684, %dma_wait3A_685] : memref<200x8x32x8x128xf32, #tpu.memory_space<hbm>> -> memref<1x1x1x8x128xf32, #tpu.memory_space<hbm>>
    %dma_wait3A_687 = tpu.memref_squeeze %dma_wait3A_686 : memref<1x1x1x8x128xf32, #tpu.memory_space<hbm>> -> memref<8x128xf32, #tpu.memory_space<hbm>>
    %dma_wait3A_688 = arith.constant 0 : i32
    %dma_wait3A_689 = arith.constant 0 : i32
    %dma_wait3A_690 = tpu.memref_slice %arg7[%dma_wait3A_669, %dma_wait3A_688, %dma_wait3A_689] : memref<4x64x129xf32, #tpu.memory_space<vmem>> -> memref<1x8x128xf32, #tpu.memory_space<vmem>>
    %dma_wait3A_691 = tpu.memref_squeeze %dma_wait3A_690 : memref<1x8x128xf32, #tpu.memory_space<vmem>> -> memref<8x128xf32, #tpu.memory_space<vmem>>
    tpu.wait_dma2 semaphore(%dma_wait3A_683 : memref<!tpu.dma_semaphore, #tpu.memory_space<semaphore_mem>>) src(%dma_wait3A_691 : memref<8x128xf32, #tpu.memory_space<vmem>>) dst(%dma_wait3A_687 : memref<8x128xf32, #tpu.memory_space<hbm>>)
    %dma_wait3A_692 = arith.constant 3 : i32
    %dma_wait3A_693 = arith.constant 0 : i32
    %dma_wait3A_694 = arith.constant 0 : i32
    %dma_wait3A_695 = arith.constant 0 : i32
    %dma_wait3A_696 = arith.constant 3 : i32
    %dma_wait3A_697 = arith.constant 0 : i32
    %dma_wait3A_698 = arith.constant 0 : i32
    %dma_wait3A_699 = tpu.memref_slice %arg7[%dma_wait3A_692, %dma_wait3A_697, %dma_wait3A_698] : memref<4x64x129xf32, #tpu.memory_space<vmem>> -> memref<1x8x128xf32, #tpu.memory_space<vmem>>
    %dma_wait3A_700 = tpu.memref_squeeze %dma_wait3A_699 : memref<1x8x128xf32, #tpu.memory_space<vmem>> -> memref<8x128xf32, #tpu.memory_space<vmem>>
    %dma_wait3A_701 = arith.constant 0 : i32
    %dma_wait3A_702 = arith.constant 0 : i32
    %dma_wait3A_703 = tpu.memref_slice %arg4[%dma_wait3A_693, %dma_wait3A_694, %dma_wait3A_695, %dma_wait3A_701, %dma_wait3A_702] : memref<200x8x32x8x128xf32, #tpu.memory_space<hbm>> -> memref<1x1x1x8x128xf32, #tpu.memory_space<hbm>>
    %dma_wait3A_704 = tpu.memref_squeeze %dma_wait3A_703 : memref<1x1x1x8x128xf32, #tpu.memory_space<hbm>> -> memref<8x128xf32, #tpu.memory_space<hbm>>
    %dma_wait3A_705 = tpu.memref_slice %arg9[%dma_wait3A_696] : memref<4x!tpu.dma_semaphore, #tpu.memory_space<semaphore_mem>> -> memref<1x!tpu.dma_semaphore, #tpu.memory_space<semaphore_mem>>
    %dma_wait3A_706 = tpu.memref_squeeze %dma_wait3A_705 : memref<1x!tpu.dma_semaphore, #tpu.memory_space<semaphore_mem>> -> memref<!tpu.dma_semaphore, #tpu.memory_space<semaphore_mem>>
    %dma_wait3A_707 = arith.constant 0 : i32
    %dma_wait3A_708 = arith.constant 0 : i32
    %dma_wait3A_709 = tpu.memref_slice %arg4[%dma_wait3A_693, %dma_wait3A_694, %dma_wait3A_695, %dma_wait3A_707, %dma_wait3A_708] : memref<200x8x32x8x128xf32, #tpu.memory_space<hbm>> -> memref<1x1x1x8x128xf32, #tpu.memory_space<hbm>>
    %dma_wait3A_710 = tpu.memref_squeeze %dma_wait3A_709 : memref<1x1x1x8x128xf32, #tpu.memory_space<hbm>> -> memref<8x128xf32, #tpu.memory_space<hbm>>
    %dma_wait3A_711 = arith.constant 0 : i32
    %dma_wait3A_712 = arith.constant 0 : i32
    %dma_wait3A_713 = tpu.memref_slice %arg7[%dma_wait3A_692, %dma_wait3A_711, %dma_wait3A_712] : memref<4x64x129xf32, #tpu.memory_space<vmem>> -> memref<1x8x128xf32, #tpu.memory_space<vmem>>
    %dma_wait3A_714 = tpu.memref_squeeze %dma_wait3A_713 : memref<1x8x128xf32, #tpu.memory_space<vmem>> -> memref<8x128xf32, #tpu.memory_space<vmem>>
    tpu.wait_dma2 semaphore(%dma_wait3A_706 : memref<!tpu.dma_semaphore, #tpu.memory_space<semaphore_mem>>) src(%dma_wait3A_714 : memref<8x128xf32, #tpu.memory_space<vmem>>) dst(%dma_wait3A_710 : memref<8x128xf32, #tpu.memory_space<hbm>>)
    %dma_wait3A_715 = arith.constant 3 : i32
    %dma_wait3A_716 = arith.constant 0 : i32
    %dma_wait3A_717 = arith.constant 0 : i32
    %dma_wait3A_718 = arith.constant 0 : i32
    %dma_wait3A_719 = arith.constant 3 : i32
    %dma_wait3A_720 = arith.constant 0 : i32
    %dma_wait3A_721 = arith.constant 0 : i32
    %dma_wait3A_722 = tpu.memref_slice %arg7[%dma_wait3A_715, %dma_wait3A_720, %dma_wait3A_721] : memref<4x64x129xf32, #tpu.memory_space<vmem>> -> memref<1x8x128xf32, #tpu.memory_space<vmem>>
    %dma_wait3A_723 = tpu.memref_squeeze %dma_wait3A_722 : memref<1x8x128xf32, #tpu.memory_space<vmem>> -> memref<8x128xf32, #tpu.memory_space<vmem>>
    %dma_wait3A_724 = arith.constant 0 : i32
    %dma_wait3A_725 = arith.constant 0 : i32
    %dma_wait3A_726 = tpu.memref_slice %arg4[%dma_wait3A_716, %dma_wait3A_717, %dma_wait3A_718, %dma_wait3A_724, %dma_wait3A_725] : memref<200x8x32x8x128xf32, #tpu.memory_space<hbm>> -> memref<1x1x1x8x128xf32, #tpu.memory_space<hbm>>
    %dma_wait3A_727 = tpu.memref_squeeze %dma_wait3A_726 : memref<1x1x1x8x128xf32, #tpu.memory_space<hbm>> -> memref<8x128xf32, #tpu.memory_space<hbm>>
    %dma_wait3A_728 = tpu.memref_slice %arg9[%dma_wait3A_719] : memref<4x!tpu.dma_semaphore, #tpu.memory_space<semaphore_mem>> -> memref<1x!tpu.dma_semaphore, #tpu.memory_space<semaphore_mem>>
    %dma_wait3A_729 = tpu.memref_squeeze %dma_wait3A_728 : memref<1x!tpu.dma_semaphore, #tpu.memory_space<semaphore_mem>> -> memref<!tpu.dma_semaphore, #tpu.memory_space<semaphore_mem>>
    %dma_wait3A_730 = arith.constant 0 : i32
    %dma_wait3A_731 = arith.constant 0 : i32
    %dma_wait3A_732 = tpu.memref_slice %arg4[%dma_wait3A_716, %dma_wait3A_717, %dma_wait3A_718, %dma_wait3A_730, %dma_wait3A_731] : memref<200x8x32x8x128xf32, #tpu.memory_space<hbm>> -> memref<1x1x1x8x128xf32, #tpu.memory_space<hbm>>
    %dma_wait3A_733 = tpu.memref_squeeze %dma_wait3A_732 : memref<1x1x1x8x128xf32, #tpu.memory_space<hbm>> -> memref<8x128xf32, #tpu.memory_space<hbm>>
    %dma_wait3A_734 = arith.constant 0 : i32
    %dma_wait3A_735 = arith.constant 0 : i32
    %dma_wait3A_736 = tpu.memref_slice %arg7[%dma_wait3A_715, %dma_wait3A_734, %dma_wait3A_735] : memref<4x64x129xf32, #tpu.memory_space<vmem>> -> memref<1x8x128xf32, #tpu.memory_space<vmem>>
    %dma_wait3A_737 = tpu.memref_squeeze %dma_wait3A_736 : memref<1x8x128xf32, #tpu.memory_space<vmem>> -> memref<8x128xf32, #tpu.memory_space<vmem>>
    tpu.wait_dma2 semaphore(%dma_wait3A_729 : memref<!tpu.dma_semaphore, #tpu.memory_space<semaphore_mem>>) src(%dma_wait3A_737 : memref<8x128xf32, #tpu.memory_space<vmem>>) dst(%dma_wait3A_733 : memref<8x128xf32, #tpu.memory_space<hbm>>)
    %dma_wait3A_738 = arith.constant 3 : i32
    %dma_wait3A_739 = arith.constant 0 : i32
    %dma_wait3A_740 = arith.constant 0 : i32
    %dma_wait3A_741 = arith.constant 0 : i32
    %dma_wait3A_742 = arith.constant 3 : i32
    %dma_wait3A_743 = arith.constant 0 : i32
    %dma_wait3A_744 = arith.constant 0 : i32
    %dma_wait3A_745 = tpu.memref_slice %arg7[%dma_wait3A_738, %dma_wait3A_743, %dma_wait3A_744] : memref<4x64x129xf32, #tpu.memory_space<vmem>> -> memref<1x8x128xf32, #tpu.memory_space<vmem>>
    %dma_wait3A_746 = tpu.memref_squeeze %dma_wait3A_745 : memref<1x8x128xf32, #tpu.memory_space<vmem>> -> memref<8x128xf32, #tpu.memory_space<vmem>>
    %dma_wait3A_747 = arith.constant 0 : i32
    %dma_wait3A_748 = arith.constant 0 : i32
    %dma_wait3A_749 = tpu.memref_slice %arg4[%dma_wait3A_739, %dma_wait3A_740, %dma_wait3A_741, %dma_wait3A_747, %dma_wait3A_748] : memref<200x8x32x8x128xf32, #tpu.memory_space<hbm>> -> memref<1x1x1x8x128xf32, #tpu.memory_space<hbm>>
    %dma_wait3A_750 = tpu.memref_squeeze %dma_wait3A_749 : memref<1x1x1x8x128xf32, #tpu.memory_space<hbm>> -> memref<8x128xf32, #tpu.memory_space<hbm>>
    %dma_wait3A_751 = tpu.memref_slice %arg9[%dma_wait3A_742] : memref<4x!tpu.dma_semaphore, #tpu.memory_space<semaphore_mem>> -> memref<1x!tpu.dma_semaphore, #tpu.memory_space<semaphore_mem>>
    %dma_wait3A_752 = tpu.memref_squeeze %dma_wait3A_751 : memref<1x!tpu.dma_semaphore, #tpu.memory_space<semaphore_mem>> -> memref<!tpu.dma_semaphore, #tpu.memory_space<semaphore_mem>>
    %dma_wait3A_753 = arith.constant 0 : i32
    %dma_wait3A_754 = arith.constant 0 : i32
    %dma_wait3A_755 = tpu.memref_slice %arg4[%dma_wait3A_739, %dma_wait3A_740, %dma_wait3A_741, %dma_wait3A_753, %dma_wait3A_754] : memref<200x8x32x8x128xf32, #tpu.memory_space<hbm>> -> memref<1x1x1x8x128xf32, #tpu.memory_space<hbm>>
    %dma_wait3A_756 = tpu.memref_squeeze %dma_wait3A_755 : memref<1x1x1x8x128xf32, #tpu.memory_space<hbm>> -> memref<8x128xf32, #tpu.memory_space<hbm>>
    %dma_wait3A_757 = arith.constant 0 : i32
    %dma_wait3A_758 = arith.constant 0 : i32
    %dma_wait3A_759 = tpu.memref_slice %arg7[%dma_wait3A_738, %dma_wait3A_757, %dma_wait3A_758] : memref<4x64x129xf32, #tpu.memory_space<vmem>> -> memref<1x8x128xf32, #tpu.memory_space<vmem>>
    %dma_wait3A_760 = tpu.memref_squeeze %dma_wait3A_759 : memref<1x8x128xf32, #tpu.memory_space<vmem>> -> memref<8x128xf32, #tpu.memory_space<vmem>>
    tpu.wait_dma2 semaphore(%dma_wait3A_752 : memref<!tpu.dma_semaphore, #tpu.memory_space<semaphore_mem>>) src(%dma_wait3A_760 : memref<8x128xf32, #tpu.memory_space<vmem>>) dst(%dma_wait3A_756 : memref<8x128xf32, #tpu.memory_space<hbm>>)
    %dma_wait3A_761 = arith.constant 3 : i32
    %dma_wait3A_762 = arith.constant 0 : i32
    %dma_wait3A_763 = arith.constant 0 : i32
    %dma_wait3A_764 = arith.constant 0 : i32
    %dma_wait3A_765 = arith.constant 3 : i32
    %dma_wait3A_766 = arith.constant 0 : i32
    %dma_wait3A_767 = arith.constant 0 : i32
    %dma_wait3A_768 = tpu.memref_slice %arg7[%dma_wait3A_761, %dma_wait3A_766, %dma_wait3A_767] : memref<4x64x129xf32, #tpu.memory_space<vmem>> -> memref<1x8x128xf32, #tpu.memory_space<vmem>>
    %dma_wait3A_769 = tpu.memref_squeeze %dma_wait3A_768 : memref<1x8x128xf32, #tpu.memory_space<vmem>> -> memref<8x128xf32, #tpu.memory_space<vmem>>
    %dma_wait3A_770 = arith.constant 0 : i32
    %dma_wait3A_771 = arith.constant 0 : i32
    %dma_wait3A_772 = tpu.memref_slice %arg4[%dma_wait3A_762, %dma_wait3A_763, %dma_wait3A_764, %dma_wait3A_770, %dma_wait3A_771] : memref<200x8x32x8x128xf32, #tpu.memory_space<hbm>> -> memref<1x1x1x8x128xf32, #tpu.memory_space<hbm>>
    %dma_wait3A_773 = tpu.memref_squeeze %dma_wait3A_772 : memref<1x1x1x8x128xf32, #tpu.memory_space<hbm>> -> memref<8x128xf32, #tpu.memory_space<hbm>>
    %dma_wait3A_774 = tpu.memref_slice %arg9[%dma_wait3A_765] : memref<4x!tpu.dma_semaphore, #tpu.memory_space<semaphore_mem>> -> memref<1x!tpu.dma_semaphore, #tpu.memory_space<semaphore_mem>>
    %dma_wait3A_775 = tpu.memref_squeeze %dma_wait3A_774 : memref<1x!tpu.dma_semaphore, #tpu.memory_space<semaphore_mem>> -> memref<!tpu.dma_semaphore, #tpu.memory_space<semaphore_mem>>
    %dma_wait3A_776 = arith.constant 0 : i32
    %dma_wait3A_777 = arith.constant 0 : i32
    %dma_wait3A_778 = tpu.memref_slice %arg4[%dma_wait3A_762, %dma_wait3A_763, %dma_wait3A_764, %dma_wait3A_776, %dma_wait3A_777] : memref<200x8x32x8x128xf32, #tpu.memory_space<hbm>> -> memref<1x1x1x8x128xf32, #tpu.memory_space<hbm>>
    %dma_wait3A_779 = tpu.memref_squeeze %dma_wait3A_778 : memref<1x1x1x8x128xf32, #tpu.memory_space<hbm>> -> memref<8x128xf32, #tpu.memory_space<hbm>>
    %dma_wait3A_780 = arith.constant 0 : i32
    %dma_wait3A_781 = arith.constant 0 : i32
    %dma_wait3A_782 = tpu.memref_slice %arg7[%dma_wait3A_761, %dma_wait3A_780, %dma_wait3A_781] : memref<4x64x129xf32, #tpu.memory_space<vmem>> -> memref<1x8x128xf32, #tpu.memory_space<vmem>>
    %dma_wait3A_783 = tpu.memref_squeeze %dma_wait3A_782 : memref<1x8x128xf32, #tpu.memory_space<vmem>> -> memref<8x128xf32, #tpu.memory_space<vmem>>
    tpu.wait_dma2 semaphore(%dma_wait3A_775 : memref<!tpu.dma_semaphore, #tpu.memory_space<semaphore_mem>>) src(%dma_wait3A_783 : memref<8x128xf32, #tpu.memory_space<vmem>>) dst(%dma_wait3A_779 : memref<8x128xf32, #tpu.memory_space<hbm>>)
    %dma_wait3A_784 = arith.constant 3 : i32
    %dma_wait3A_785 = arith.constant 0 : i32
    %dma_wait3A_786 = arith.constant 0 : i32
    %dma_wait3A_787 = arith.constant 0 : i32
    %dma_wait3A_788 = arith.constant 3 : i32
    %dma_wait3A_789 = arith.constant 0 : i32
    %dma_wait3A_790 = arith.constant 0 : i32
    %dma_wait3A_791 = tpu.memref_slice %arg7[%dma_wait3A_784, %dma_wait3A_789, %dma_wait3A_790] : memref<4x64x129xf32, #tpu.memory_space<vmem>> -> memref<1x8x128xf32, #tpu.memory_space<vmem>>
    %dma_wait3A_792 = tpu.memref_squeeze %dma_wait3A_791 : memref<1x8x128xf32, #tpu.memory_space<vmem>> -> memref<8x128xf32, #tpu.memory_space<vmem>>
    %dma_wait3A_793 = arith.constant 0 : i32
    %dma_wait3A_794 = arith.constant 0 : i32
    %dma_wait3A_795 = tpu.memref_slice %arg4[%dma_wait3A_785, %dma_wait3A_786, %dma_wait3A_787, %dma_wait3A_793, %dma_wait3A_794] : memref<200x8x32x8x128xf32, #tpu.memory_space<hbm>> -> memref<1x1x1x8x128xf32, #tpu.memory_space<hbm>>
    %dma_wait3A_796 = tpu.memref_squeeze %dma_wait3A_795 : memref<1x1x1x8x128xf32, #tpu.memory_space<hbm>> -> memref<8x128xf32, #tpu.memory_space<hbm>>
    %dma_wait3A_797 = tpu.memref_slice %arg9[%dma_wait3A_788] : memref<4x!tpu.dma_semaphore, #tpu.memory_space<semaphore_mem>> -> memref<1x!tpu.dma_semaphore, #tpu.memory_space<semaphore_mem>>
    %dma_wait3A_798 = tpu.memref_squeeze %dma_wait3A_797 : memref<1x!tpu.dma_semaphore, #tpu.memory_space<semaphore_mem>> -> memref<!tpu.dma_semaphore, #tpu.memory_space<semaphore_mem>>
    %dma_wait3A_799 = arith.constant 0 : i32
    %dma_wait3A_800 = arith.constant 0 : i32
    %dma_wait3A_801 = tpu.memref_slice %arg4[%dma_wait3A_785, %dma_wait3A_786, %dma_wait3A_787, %dma_wait3A_799, %dma_wait3A_800] : memref<200x8x32x8x128xf32, #tpu.memory_space<hbm>> -> memref<1x1x1x8x128xf32, #tpu.memory_space<hbm>>
    %dma_wait3A_802 = tpu.memref_squeeze %dma_wait3A_801 : memref<1x1x1x8x128xf32, #tpu.memory_space<hbm>> -> memref<8x128xf32, #tpu.memory_space<hbm>>
    %dma_wait3A_803 = arith.constant 0 : i32
    %dma_wait3A_804 = arith.constant 0 : i32
    %dma_wait3A_805 = tpu.memref_slice %arg7[%dma_wait3A_784, %dma_wait3A_803, %dma_wait3A_804] : memref<4x64x129xf32, #tpu.memory_space<vmem>> -> memref<1x8x128xf32, #tpu.memory_space<vmem>>
    %dma_wait3A_806 = tpu.memref_squeeze %dma_wait3A_805 : memref<1x8x128xf32, #tpu.memory_space<vmem>> -> memref<8x128xf32, #tpu.memory_space<vmem>>
    tpu.wait_dma2 semaphore(%dma_wait3A_798 : memref<!tpu.dma_semaphore, #tpu.memory_space<semaphore_mem>>) src(%dma_wait3A_806 : memref<8x128xf32, #tpu.memory_space<vmem>>) dst(%dma_wait3A_802 : memref<8x128xf32, #tpu.memory_space<hbm>>)
    return
  }
}

</mosaic_0001>

<sc_bundles>
// kernel: kernel.3.cloned.1.call-start
scs
__scs_entry_jumppad:
0x0: {  	(pc) =	sbr.rel $0x88, $3  }
0x1: {  	(tag) =	ssettag $0x0;
	lr =	simm.s32 $0x1  }
0x2: {  	[smem:$0x3F9F] =	sst lr;
	_ =	strace $0xD0000000  }
0x3: {  	_ = 	snop  }
0x4: {  	_ = 	snop  }
0x5: {  	_ = 	snop  }
0x6: {  	_ = 	snop  }
0x7: {  	_ = 	snop  }
__scs_overlays_trampoline_lowered:
0x8: {  	[smem:$0x3FAE] =	sst s0  }
0x9: {  	[smem:$0x3FAF] =	sst s1  }
0xa: {  	[smem:$0x3FB0] =	sst s2  }
0xb: {  	[smem:$0x3FB1] =	sst s3  }
0xc: {  	[smem:$0x3FB2] =	sst s4  }
0xd: {  	[smem:$0x3FB3] =	sst s5  }
0xe: {  	[smem:$0x3FB4] =	sst s6  }
0xf: {  	[smem:$0x3FB5] =	sst s7  }
0x10: {  	[smem:$0x3FB6] =	sst s8  }
0x11: {  	[smem:$0x3FB7] =	sst s9;
	s0 =	simm.s32 @!p0 $0x0  }
0x12: {  	s1 =	sld [smem:$0x3F9D];
	s0 =	simm.s32 @p0 $0x1  }
0x13: {  	[smem:$0x3FB8] =	sst s0;
	s0 =	simm.s32 @!p1 $0x0  }
0x14: {  	s2 =	sld [smem:$0x3F9C];
	s0 =	simm.s32 @p1 $0x1  }
0x15: {  	[smem:$0x3FB9] =	sst s0;
	s0 =	simm.s32 @!p2 $0x0  }
0x16: {  	s3 =	sld [smem:$0x3FDB];
	s0 =	simm.s32 @p2 $0x1  }
0x17: {  	s4 =	simm.s32 $0x1BF5;
	[smem:$0x3FBB] =	sst s0  }
0x18: {  	s0 =	sld [smem:$0x3F9E];
	_ =	swait.ge [sflag:s4], $0x0  }
0x19: {  	s7 =	sld [smem:$0x3F9F]  }
0x1a: {  	s8 =	sadd.s32 $0xFFFFE003, lr  }
0x1b: {  	s9 =	sadd.s32 $0xFFFFFEF7, lr;
	s5 =	simm.s32 $0xFFFFFFFF;
	p2 =	slt.u32 s8, $0xFFFFF086  }
0x1c: {  	p1 =	slt.u32 s9, $0xF7A;
	s5 =	simm.s32 @!p2 $0x0  }
0x1d: {  	s5 =	simm.s32 @p1 $0x1;
	p0 =	seq.s32 s7, s2  }
0x1e: {  	s7 =	smul.u32 @!p0 $0xF7A, s2;
	p2 =	seq.s32 @!p0 s5, $0x0  }
0x1f: {  	s9 =	smul.u32 $0xF7A, s1;
	s8 =	simm.s32 @!p0 $0x1BF5;
	p2 =	por !p2, p0  }
0x20: {  	[sflag:s8] =	ssyncset.s32 @!p0 $0xFFFFF086;
	s6 =	sadd.s32 @!p0 s3, s7;
	s7 =	simm.s32 @!p0 $0x108  }
0x21: {  	s3 =	sadd.s32 s3, s9;
	s6 =	sadd.s32 @!p0 $0x88, s6;
	s7 =	simm.s32 @p2 $0x1082  }
0x22: {  	[simem:s7], [sflag:s8] =	dma.local @!p0 [hbm:s6], $0xF7A  }
0x23: {  	s9 =	sor.u32 $0xD0000000, s2;
	s6 =	simm.s32 $0x108;
	_ =	swait.ge @!p0 [sflag:s8], $0x0  }
0x24: {  	s3 =	sadd.s32 $0x88, s3;
	s6 =	simm.s32 @!p1 $0x1082;
	[sflag:s4] =	ssyncset.s32 $0xFFFFF086  }
0x25: {  	[simem:s6], [sflag:s4] =	dma.local [hbm:s3], $0xF7A  }
0x26: {  	[smem:$0x3F9F] =	sst s1;
	(tag) =	ssettag s2;
	_ =	strace s9  }
0x27: {  	s1 =	sld [smem:$0x3FAF]  }
0x28: {  	s2 =	sld [smem:$0x3FB0]  }
0x29: {  	s4 =	sld [smem:$0x3FB2]  }
0x2a: {  	p0 =	seq.s32 s5, $0x0;
	s5 =	sld [smem:$0x3FB3]  }
0x2b: {  	s6 =	sld [smem:$0x3FB4]  }
0x2c: {  	s7 =	sld [smem:$0x3FB5]  }
0x2d: {  	s3 =	simm.s32 $0x108;
	s8 =	sld [smem:$0x3FB6]  }
0x2e: {  	s3 =	simm.s32 @!p0 $0x1082;
	s9 =	sld [smem:$0x3FB7]  }
0x2f: {  	lr =	sadd.s32 s0, s3;
	s0 =	sld [smem:$0x3FAE]  }
0x30: {  	s3 =	sld [smem:$0x3FB1]  }
0x31: {  	[smem:$0x3FBA] =	sst s10  }
0x32: {  	s10 =	sld [smem:$0x3FB8];
	_ =	sdelay $0x3  }
0x33: {  	p0 =	seq.s32 s10, $0x1;
	s10 =	sld [smem:$0x3FBA];
	_ =	sdelay $0x3  }
0x34: {  	[smem:$0x3FBA] =	sst s10  }
0x35: {  	s10 =	sld [smem:$0x3FB9];
	_ =	sdelay $0x3  }
0x36: {  	p1 =	seq.s32 s10, $0x1;
	s10 =	sld [smem:$0x3FBA];
	_ =	sdelay $0x3  }
0x37: {  	[smem:$0x3FBA] =	sst s10  }
0x38: {  	s10 =	sld [smem:$0x3FBB]  }
0x39: {  	_ = 	snop;
	(pc) =	sbr.ind lr, $3  }
0x3a: {  	_ = 	snop  }
0x3b: {  	_ = 	snop  }
0x3c: {  	p2 =	seq.s32 s10, $0x1;
	s10 =	sld [smem:$0x3FBA]  }
0x3d: {  	_ =	shalt  }
0x3e: {  	_ =	shalt  }
0x3f: {  	_ =	shalt  }
0x40: {  	_ =	shalt  }
0x41: {  	_ =	shalt  }
0x42: {  	_ =	shalt  }
0x43: {  	_ =	shalt  }
0x44: {  	_ =	shalt  }
0x45: {  	_ =	shalt  }
0x46: {  	_ =	shalt  }
0x47: {  	_ =	shalt  }
0x48: {  	_ =	shalt  }
0x49: {  	_ =	shalt  }
0x4a: {  	_ =	shalt  }
0x4b: {  	_ =	shalt  }
0x4c: {  	_ =	shalt  }
0x4d: {  	_ =	shalt  }
0x4e: {  	_ =	shalt  }
0x4f: {  	_ =	shalt  }
0x50: {  	_ =	shalt  }
0x51: {  	_ =	shalt  }
0x52: {  	_ =	shalt  }
0x53: {  	_ =	shalt  }
0x54: {  	_ =	shalt  }
0x55: {  	_ =	shalt  }
0x56: {  	_ =	shalt  }
0x57: {  	_ =	shalt  }
0x58: {  	_ =	shalt  }
0x59: {  	_ =	shalt  }
0x5a: {  	_ =	shalt  }
0x5b: {  	_ =	shalt  }
0x5c: {  	_ =	shalt  }
0x5d: {  	_ =	shalt  }
0x5e: {  	_ =	shalt  }
0x5f: {  	_ =	shalt  }
0x60: {  	_ =	shalt  }
0x61: {  	_ =	shalt  }
0x62: {  	_ =	shalt  }
0x63: {  	_ =	shalt  }
0x64: {  	_ =	shalt  }
0x65: {  	_ =	shalt  }
0x66: {  	_ =	shalt  }
0x67: {  	_ =	shalt  }
0x68: {  	_ =	shalt  }
0x69: {  	_ =	shalt  }
0x6a: {  	_ =	shalt  }
0x6b: {  	_ =	shalt  }
0x6c: {  	_ =	shalt  }
0x6d: {  	_ =	shalt  }
0x6e: {  	_ =	shalt  }
0x6f: {  	_ =	shalt  }
0x70: {  	_ =	shalt  }
0x71: {  	_ =	shalt  }
0x72: {  	_ =	shalt  }
0x73: {  	_ =	shalt  }
0x74: {  	_ =	shalt  }
0x75: {  	_ =	shalt  }
0x76: {  	_ =	shalt  }
0x77: {  	_ =	shalt  }
0x78: {  	_ =	shalt  }
0x79: {  	_ =	shalt  }
0x7a: {  	_ =	shalt  }
0x7b: {  	_ =	shalt  }
0x7c: {  	_ =	shalt  }
0x7d: {  	_ =	shalt  }
0x7e: {  	_ =	shalt  }
0x7f: {  	_ =	shalt  }
0x80: {  	_ =	shalt  }
0x81: {  	_ =	shalt  }
0x82: {  	_ =	shalt  }
0x83: {  	_ =	shalt  }
0x84: {  	_ =	shalt  }
0x85: {  	_ =	shalt  }
0x86: {  	_ =	shalt  }
0x87: {  	_ =	shalt  }
.Lfunc_end0:
.L_simem_size_0:
called_computation_lowered:
.L_overlay_start_0:
0x88: {  	s2 =	sld [smem:$0x3FD9]  }
0x89: {  	s3 =	sld [smem:$0x3FFE];
	_ =	sdelay $0x1  }
0x8a: {  	s1 =	srdreg.scid  }
0x8b: {  	s0 =	sand.u32 $0x1, s1  }
0x8c: {  	s17 =	sshll.u32 s0, $0xA;
	s2 =	sadd.s32 s3, s2  }
0x8d: {  	s2 =	sadd.s32 s2, s17  }
0x8e: {  	[smem:$0x3FC6] =	sst s2  }
0x8f: {  	_ = 	snop  }
0x90: {  	s2 =	sld [smem:$0x3FD0];
	(tm) =	ssettm $0x1  }
0x91: {  	s18 =	sld [smem:$0x3FFB];
	_ =	sdelay $0x3  }
0x92: {  	_ =	strace s18  }
0x93: {  	s3 =	sld [smem:$0x3FFC];
	_ =	sdelay $0x3  }
0x94: {  	_ =	strace s3  }
0x95: {  	s3 =	sld [smem:$0x3FFD];
	_ =	sdelay $0x3  }
0x96: {  	_ =	strace s3  }
0x97: {  	_ =	strace $0x8FFFFFFF  }
0x98: {  	s19 =	sld [smem:$0x3FDB];
	_ =	sdelay $0x1  }
0x99: {  	s4 =	simm.s32 $_scs_section_size  }
0x9a: {  	s5 =	simm.s32 $_size__tile_overlayer_lowered;
	s6 =	simm.s32 $_tile_overlayer_lowered  }
0x9b: {  	s22 =	simm.s32 $0x1BFF;
	s21 =	sshll.u32 s6, $0x1;
	s3 =	sadd.s32 s4, s19  }
0x9c: {  	s7 =	simm.s32 $0x0;
	s20 =	sshll.u32 s5, $0x1;
	s5 =	sadd.s32 s21, s3  }
0x9d: {  	[timem:s7], [sflag:s22] =	dma.local [hbm:s5], s20  }
0x9e: {  	_ =	swait.ge [sflag:s22], s20  }
0x9f: {  	s4 =	ssub.s32 $0x0, s20;
	[sflag:s22] =	ssyncset.done $0x0  }
0xa0: {  	[sflag:s22] =	ssyncadd.s32 s4;
	_ =	sdelay $0x1  }
0xa1: {  	s23 =	simm.s32 $0x1B8B  }
0xa2: {  	_ =	swait.ge [sflag:s23], $0x1  }
0xa3: {  	[sflag:s23] =	ssyncset.done $0x0  }
0xa4: {  	s25 =	simm.s32 $0x1B8E;
	s24 =	sld [smem:$0x3FFE];
	[sflag:s23] =	ssyncadd.s32 $0xFFFFFFFF  }
0xa5: {  	s26 =	simm.s32 $execute0_lowered;
	[smem:$0x3FD2] =	sst s25  }
0xa6: {  	s5 =	sshll.u32 s26, $0x1;
	_ =	strace $0x80000046;
	[dreg:$0x1] =	wrdreg $0xFFFFFFFF  }
0xa7: {  	s28 =	simm.s32 $_size_execute0_lowered;
	s3 =	sadd.s32 s3, s5;
	[dreg:$0x0] =	wrdreg $0x0  }
0xa8: {  	s5 =	sshll.u32 s28, $0x1;
	[dreg:$0x2] =	wrdreg s3  }
0xa9: {  	[dreg:$0x3] =	wrdreg s5  }
0xaa: {  	[dreg:$0x4] =	wrdreg $0xC0  }
0xab: {  	_ =	task [dreg:s7], $0x5FFFF  }
0xac: {  	[dreg:$0x1] =	wrdreg $0xFFFFFFFF  }
0xad: {  	[dreg:$0x0] =	wrdreg $0x60  }
0xae: {  	[dreg:$0x2] =	wrdreg s24  }
0xaf: {  	[dreg:$0x3] =	wrdreg s2  }
0xb0: {  	[dreg:$0x4] =	wrdreg $0x9  }
0xb1: {  	_ =	task.clear_ibuf [dreg:s7], $0x5FFFF;
	_ =	strace $0x90000046  }
0xb2: {  	s29 =	simm.s32 $0x9;
	_ =	strace $0x80000048  }
0xb3: {  	_ =	swait.ge [sflag:s29], $0x1  }
0xb4: {  	[sflag:s29] =	ssyncadd.s32 $0xFFFFFFFF  }
0xb5: {  	_ =	strace $0x90000048  }
0xb6: {  	_ =	sfence  }
0xb7: {  	s30 =	sld [smem:$0x0];
	_ =	sdelay $0x2  }
0xb8: {  	s31 =	sshll.u32 s1, $0xD;
	s1 =	sshrl.u32 s1, $0x2  }
0xb9: {  	s3 =	sand.u32 $0x4000, s31;
	s1 =	sadd.s32 s1, s30  }
0xba: {  	s0 =	sor.u32 s3, s0;
	s1 =	sshll.u32 s1, $0x11  }
0xbb: {  	s0 =	sor.u32 s1, s0  }
0xbc: {  	s0 =	sadd.s32 $0x8F2B, s0  }
0xbd: {  	[sflag:s0] =	ssyncadd.remote.s32 $0x1  }
0xbe: {  	_ =	sfence.sel $0xFFFF  }
0xbf: {  	[dreg:$0x0] =	wrdreg $0xFFFFFFFF;
	(pc) =	sbr.abs _section_cstart, $3  }
0xc0: {  	[dreg:$0x1] =	wrdreg $0xFFFFFFFF  }
0xc1: {  	_ =	task.clear_ibuf [dreg:s7], $0x2FFFF;
	_ =	strace $0x9FFFFFFF  }
0xc2: {  	(tm) =	ssettm $0x7FFFFFFF  }
0xc3: {  	_ =	shalt  }
tec
execute0_lowered:
.L_overlay_start_1:
0x0: {  	(tag) =	ssettag $0x1  }
0x1: {  	v0 =	vlaneseq.u32  }
0x2: {  	v0 =	vmul.u32 $0x88, v0  }
0x3: {  	s0 =	rddreg [dreg:$0x0];
	s1 =	srdreg.scid;
	v1 =	vimm.s32 $0x0;
	vm0 =	vcmask $0x300  }
0x4: {  	s3 =	stileid.u32;
	s2 =	rddreg [dreg:$0x1];
	v1 =	vsel vm0, $0x3, v1;
	v5 =	vadd.s32 $0x880, v0  }
0x5: {  	s15 =	simm.s32 $0x9;
	s16 =	simm.s32 $0x80;
	s22 =	simm.s32 $0xC400;
	v4 =	vadd.s32 $0x1100, v0;
	v62 =	vadd.s32 $0x1980, v0;
	v13 =	vor.u32 $0x1, v0  }
0x6: {  	s23 =	simm.s32 $0x5;
	s24 =	simm.s32 $0x6;
	s25 =	simm.s32 $0x7;
	v28 =	vadd.s32 $0x881, v0;
	v11 =	vadd.s32 $0x1101, v0;
	v58 =	vadd.s32 $0x1981, v0  }
0x7: {  	s26 =	simm.s32 $0x8;
	s28 =	simm.s32 $0x0;
	s1 =	sand.u32 $0x1, s1;
	v17 =	vor.u32 $0x2, v0;
	v10 =	vadd.s32 $0x882, v0;
	v20 =	vadd.s32 $0x1102, v0  }
0x8: {  	s4 =	sshll.u32 s3, $0x1;
	s3 =	simm.s32 $0x0;
	s7 =	sadd.s32 $0x1000, s2;
	v7 =	vadd.s32 $0x1982, v0;
	v19 =	vor.u32 $0x3, v0;
	v21 =	vadd.s32 $0x883, v0  }
0x9: {  	s8 =	sadd.s32 $0x2000, s2;
	s9 =	sadd.s32 $0x3000, s2;
	s10 =	sadd.s32 $0x4000, s2;
	v24 =	vadd.s32 $0x1103, v0;
	v15 =	vadd.s32 $0x1983, v0;
	v29 =	vor.u32 $0x4, v0  }
0xa: {  	s11 =	sadd.s32 $0x5000, s2;
	s12 =	sadd.s32 $0x6000, s2;
	s5 =	sor.u32 s1, s4;
	v18 =	vadd.s32 $0x884, v0;
	v8 =	vadd.s32 $0x1104, v0;
	v14 =	vadd.s32 $0x1984, v0  }
0xb: {  	s13 =	sadd.s32 $0x7000, s2;
	s1 =	ssub.s32 $0x2, s1;
	s6 =	smul.u32 $0xC80, s5;
	v32 =	vor.u32 $0x5, v0;
	v22 =	vadd.s32 $0x885, v0;
	v6 =	vadd.s32 $0x1105, v0  }
0xc: {  	[smem:$0x7FF] =	sst s3;
	s4 =	sadd.s32 $0xF42A00, s0;
	s31 =	sshrl.u32 s1, $0x1;
	v2 =	vadd.s32 $0x1985, v0;
	v26 =	vor.u32 $0x6, v0;
	v27 =	vadd.s32 $0x886, v0  }
0xd: {  	_ =	strace $0x80000047;
	v23 =	vadd.s32 $0x1106, v0;
	v25 =	vadd.s32 $0x1986, v0;
	v9 =	vor.u32 $0x7, v0;
	s1 =	ssub.s32 s1, s31;
	s0 =	sadd.s32 s6, s0  }
0xe: {  	s5 =	smul.u32 $0xC8, s5;
	v31 =	vadd.s32 $0x887, v0;
	v63 =	vadd.s32 $0x1107, v0;
	v16 =	vadd.s32 $0x1987, v0;
	[tilespmem:$0x1FFF0] =	vst v5;
	s14 =	smax.u32 s1, $0x1;
	s6 =	sadd.s32 $0x600, s0  }
.LBB2_1:
0xf: {  	[tilespmem:s3], [sflag:$0x9] =	stream.linear.gather [hbm4b:s6+s3], $0x6400, $0x38;
	[tilespmem:$0x16C00] =	vst v63  }
0x10: {  	_ =	swait.ge [sflag:s15], $0x6400  }
0x11: {  	[sflag:s15] =	ssyncset.done $0x0  }
0x12: {  	s0 =	simm.s32 $0x6400;
	[sflag:s15] =	ssyncadd.s32 $0xFFFF9C00  }
0x13: {  	[tilespmem:s0], [sflag:$0x1] =	stream.indirect.gather [hbm4b:s4+s16], $0x40, s3, s16, $0xb8;
	[tilespmem:$0x16C00] =	vst v63  }
0x14: {  	s20 =	simm.s32 $0x8400  }
0x15: {  	[tilespmem:s20], [sflag:$0x2] =	stream.indirect.gather [hbm4b:s4+s16], $0x40, s16, s16, $0xb8;
	[tilespmem:$0x16C00] =	vst v63  }
0x16: {  	s21 =	simm.s32 $0x100;
	s1 =	simm.s32 $0xA400  }
0x17: {  	[tilespmem:s1], [sflag:$0x3] =	stream.indirect.gather [hbm4b:s4+s16], $0x40, s21, s16, $0xb8;
	[tilespmem:$0x16C00] =	vst v63  }
0x18: {  	s31 =	simm.s32 $0x180;
	s29 =	simm.s32 $0x0;
	s30 =	simm.s32 $0x0  }
0x19: {  	[tilespmem:s22], [sflag:$0x4] =	stream.indirect.gather [hbm4b:s4+s16], $0x40, s31, s16, $0xb8;
	[tilespmem:$0x16C00] =	vst v63  }
.LBB2_2:
0x1a: {  	s0 =	sand.u32 $0x3, s30  }
0x1b: {  	s31 =	sadd.s32 $0x1, s0  }
0x1c: {  	_ =	swait.ge [sflag:s31], $0x2000  }
0x1d: {  	p0 =	slt.u32 s30, $0x4;
	[sflag:s31] =	ssyncset.done $0x0  }
0x1e: {  	s1 =	sadd.s32 @!p0 $0x5, s0;
	[sflag:s31] =	ssyncadd.s32 $0xFFFFE000  }
0x1f: {  	_ =	swait.ge @!p0 [sflag:s1], $0x400  }
0x20: {  	[sflag:s1] =	ssyncset.done @!p0 $0x0  }
0x21: {  	[sflag:s1] =	ssyncadd.s32 @!p0 $0xFFFFFC00  }
0x22: {  	_ =	swait.ge @!p0 [sflag:s1], $0x400  }
0x23: {  	[sflag:s1] =	ssyncset.done @!p0 $0x0  }
0x24: {  	[sflag:s1] =	ssyncadd.s32 @!p0 $0xFFFFFC00  }
0x25: {  	_ =	swait.ge @!p0 [sflag:s1], $0x400  }
0x26: {  	[sflag:s1] =	ssyncset.done @!p0 $0x0  }
0x27: {  	[sflag:s1] =	ssyncadd.s32 @!p0 $0xFFFFFC00  }
0x28: {  	_ =	swait.ge @!p0 [sflag:s1], $0x400  }
0x29: {  	[sflag:s1] =	ssyncset.done @!p0 $0x0  }
0x2a: {  	[sflag:s1] =	ssyncadd.s32 @!p0 $0xFFFFFC00  }
0x2b: {  	_ =	swait.ge @!p0 [sflag:s1], $0x400  }
0x2c: {  	[sflag:s1] =	ssyncset.done @!p0 $0x0  }
0x2d: {  	[sflag:s1] =	ssyncadd.s32 @!p0 $0xFFFFFC00  }
0x2e: {  	_ =	swait.ge @!p0 [sflag:s1], $0x400  }
0x2f: {  	[sflag:s1] =	ssyncset.done @!p0 $0x0  }
0x30: {  	s17 =	simm.s32 $0x0;
	[sflag:s1] =	ssyncadd.s32 @!p0 $0xFFFFFC00  }
0x31: {  	s21 =	simm.s32 $0x1;
	s19 =	simm.s32 $0x3;
	_ =	swait.ge @!p0 [sflag:s1], $0x400  }
0x32: {  	s18 =	simm.s32 $0x2;
	v36 =	vmov s19;
	s19 =	simm.s32 $0x4;
	[sflag:s1] =	ssyncset.done @!p0 $0x0  }
0x33: {  	s20 =	simm.s32 $0x5;
	v33 =	vmov s17;
	v34 =	vmov s21;
	v37 =	vmov s19;
	s19 =	simm.s32 $0x7;
	[sflag:s1] =	ssyncadd.s32 @!p0 $0xFFFFFC00  }
0x34: {  	v35 =	vmov s18;
	s21 =	simm.s32 $0x6;
	v38 =	vmov s20;
	s20 =	sand.u32 $0x3, s29;
	v40 =	vmov s19;
	_ =	swait.ge @!p0 [sflag:s1], $0x400  }
0x35: {  	v33 =	vshrl.u32 v33, $0x3;
	v39 =	vmov s21;
	s21 =	sshll.u32 s20, $0xD;
	v40 =	vshrl.u32 v40, $0x3;
	[sflag:s1] =	ssyncset.done @!p0 $0x0  }
0x36: {  	v34 =	vshrl.u32 v34, $0x3;
	v35 =	vshrl.u32 v35, $0x3;
	s19 =	sadd.s32 $0x6500, s21;
	v40 =	vshll.u32 v40, v1;
	[sflag:s1] =	ssyncadd.s32 @!p0 $0xFFFFFC00  }
0x37: {  	v33 =	vshll.u32 v33, v1;
	v42 =	vshrl.u32 v39, $0x3;
	v39 =	vbroadcast v40, $0x0;
	v57 =	vld [tilespmem:s19+$0xC0]  }
0x38: {  	v37 =	vshrl.u32 v37, $0x3;
	v34 =	vshll.u32 v34, v1;
	v30 =	vbroadcast v33, $0x0;
	v43 =	vld [tilespmem:s19+$0xFFFFFF00]  }
0x39: {  	v35 =	vshll.u32 v35, v1;
	v41 =	vbroadcast v34, $0x0;
	v46 =	vadd.s32 v9, v39;
	v45 =	vld [tilespmem:s19+$0xFFFFFF40]  }
0x3a: {  	s18 =	smul.u32 $0x8800, s0;
	v44 =	vshll.u32 v37, v1;
	v37 =	vbroadcast v35, $0x0;
	v60 =	vadd.s32 v0, v30;
	v47 =	vld [tilespmem:s19+$0xFFFFFF80]  }
0x3b: {  	v36 =	vshrl.u32 v36, $0x3;
	v38 =	vshrl.u32 v38, $0x3;
	v48 =	vadd.s32 v13, v41  }
0x3c: {  	v36 =	vshll.u32 v36, v1;
	v50 =	vadd.s32 v17, v37;
	s1 =	sshrl.u32 s18, $0x2;
	v49 =	vld [tilespmem:s19+$0xFFFFFFC0];
	v61 =	vmul.f32 $8.000000000e+00, v57  }
0x3d: {  	v59 =	vshll.u32 v38, v1;
	v36 =	vbroadcast v36, $0x0;
	v51 =	vld [tilespmem:s19+$0x0];
	s18 =	sadd.s32 $0xE400, s1;
	v43 =	vmul.f32 $8.000000000e+00, v43  }
0x3e: {  	v42 =	vshll.u32 v42, v1;
	v35 =	vbroadcast v44, $0x0;
	v53 =	vld [tilespmem:s19+$0x40];
	v45 =	vmul.f32 $8.000000000e+00, v45;
	[tilespmem:v46+s18+$0x0] =	vst.idx.msk $0xffff, v61  }
0x3f: {  	v33 =	vbroadcast v59, $0x0;
	v52 =	vadd.s32 v19, v36;
	v55 =	vld [tilespmem:s19+$0x80];
	v59 =	vmul.f32 $8.000000000e+00, v47;
	[tilespmem:v60+s18+$0x0] =	vst.idx.msk $0xffff, v43  }
0x40: {  	v34 =	vbroadcast v42, $0x0;
	v54 =	vadd.s32 v29, v35;
	[tilespmem:v48+s18+$0x0] =	vst.idx.msk $0xffff, v45;
	v44 =	vld [tilespmem:s19+$0xD0]  }
0x41: {  	v43 =	vadd.s32 v32, v33;
	[tilespmem:v50+s18+$0x0] =	vst.idx.msk $0xffff, v59;
	v46 =	vld [tilespmem:s19+$0xFFFFFF10]  }
0x42: {  	s20 =	simm.s32 $0x8;
	v47 =	vadd.s32 v26, v34;
	v60 =	vmul.f32 $8.000000000e+00, v49;
	v49 =	vld [tilespmem:s19+$0xFFFFFF50];
	[tilespmem:$0x1FFC0] =	vst v39  }
0x43: {  	v57 =	vmov s20;
	v61 =	vmul.f32 $8.000000000e+00, v51;
	v50 =	vadd.s32 v31, v39;
	[tilespmem:$0x1FFE0] =	vst v30  }
0x44: {  	v56 =	vadd.s32 v5, v30;
	v40 =	vmul.f32 $8.000000000e+00, v53;
	v42 =	vshrl.u32 v57, $0x3;
	v57 =	vld [tilespmem:s19+$0xFFFFFF90];
	[tilespmem:v52+s18+$0x0] =	vst.idx.msk $0xffff, v60  }
0x45: {  	v5 =	vmovc v30;
	v53 =	vadd.s32 v28, v41;
	v38 =	vmul.f32 $8.000000000e+00, v55;
	v30 =	vmov v58;
	[tilespmem:v54+s18+$0x0] =	vst.idx.msk $0xffff, v61;
	v58 =	vld [tilespmem:s19+$0xFFFFFFD0]  }
0x46: {  	v55 =	vadd.s32 v10, v37;
	[tilespmem:v43+s18+$0x0] =	vst.idx.msk $0xffff, v40;
	v43 =	vmul.f32 $8.000000000e+00, v44  }
0x47: {  	s20 =	simm.s32 $0xA;
	v59 =	vld [tilespmem:s19+$0x10];
	[tilespmem:v47+s18+$0x0] =	vst.idx.msk $0xffff, v38;
	v45 =	vmul.f32 $8.000000000e+00, v46;
	v46 =	vadd.s32 v21, v36  }
0x48: {  	v51 =	vmov s20;
	v60 =	vld [tilespmem:s19+$0x50];
	v47 =	vmul.f32 $8.000000000e+00, v49;
	[tilespmem:v50+s18+$0x0] =	vst.idx.msk $0xffff, v43  }
0x49: {  	s20 =	simm.s32 $0xC;
	v61 =	vld [tilespmem:s19+$0x90];
	v49 =	vadd.s32 v18, v35;
	v43 =	vshll.u32 v42, v1;
	[tilespmem:v56+s18+$0x0] =	vst.idx.msk $0xffff, v45;
	v42 =	vmul.f32 $8.000000000e+00, v57  }
0x4a: {  	v54 =	vmov s20;
	v45 =	vadd.s32 v22, v33;
	[tilespmem:v53+s18+$0x0] =	vst.idx.msk $0xffff, v47;
	v47 =	vmul.f32 $8.000000000e+00, v58;
	v50 =	vld [tilespmem:s19+$0xE0]  }
0x4b: {  	s21 =	simm.s32 $0x9;
	v53 =	vadd.s32 v27, v34;
	v58 =	vadd.s32 v4, v5;
	v5 =	vshrl.u32 v54, $0x3;
	v56 =	vld [tilespmem:s19+$0xFFFFFF20];
	[tilespmem:v55+s18+$0x0] =	vst.idx.msk $0xffff, v42  }
0x4c: {  	v48 =	vmov s21;
	s21 =	simm.s32 $0xB;
	v57 =	vld [tilespmem:s19+$0xFFFFFF60];
	v42 =	vmul.f32 $8.000000000e+00, v59;
	v55 =	vadd.s32 v63, v39;
	[tilespmem:v46+s18+$0x0] =	vst.idx.msk $0xffff, v47  }
0x4d: {  	v52 =	vmov s21;
	s21 =	simm.s32 $0xD;
	v59 =	vld [tilespmem:s19+$0xFFFFFFA0];
	v46 =	vmul.f32 $8.000000000e+00, v60;
	[tilespmem:$0x1FFD0] =	vst v5  }
0x4e: {  	v44 =	vmov s21;
	v47 =	vmul.f32 $8.000000000e+00, v61;
	v5 =	vmovc v62;
	v62 =	vadd.s32 v11, v41;
	[tilespmem:v49+s18+$0x0] =	vst.idx.msk $0xffff, v42  }
0x4f: {  	v61 =	vshrl.u32 v44, $0x3;
	v49 =	vadd.s32 v20, v37;
	[tilespmem:v45+s18+$0x0] =	vst.idx.msk $0xffff, v46;
	v44 =	vmul.f32 $8.000000000e+00, v50  }
0x50: {  	[tilespmem:v53+s18+$0x0] =	vst.idx.msk $0xffff, v47;
	v50 =	vmul.f32 $8.000000000e+00, v56  }
0x51: {  	v12 =	vmov v23;
	v23 =	vmov v63;
	v63 =	vld [tilespmem:s19+$0xFFFFFFE0];
	v46 =	vmul.f32 $8.000000000e+00, v57;
	[tilespmem:v55+s18+$0x0] =	vst.idx.msk $0xffff, v44  }
0x52: {  	v39 =	vld [tilespmem:s19+$0x20];
	[tilespmem:v58+s18+$0x0] =	vst.idx.msk $0xffff, v50;
	v45 =	vmul.f32 $8.000000000e+00, v59  }
0x53: {  	v40 =	vld [tilespmem:s19+$0x60];
	[tilespmem:v62+s18+$0x0] =	vst.idx.msk $0xffff, v46  }
0x54: {  	v60 =	vld [tilespmem:s19+$0xA0];
	[tilespmem:v49+s18+$0x0] =	vst.idx.msk $0xffff, v45  }
0x55: {  	v3 =	vmov v0;
	v0 =	vshrl.u32 v48, $0x3;
	s20 =	simm.s32 $0xE;
	v53 =	vld [tilespmem:$0x1FFC0]  }
0x56: {  	v51 =	vshrl.u32 v51, $0x3;
	v38 =	vmov s20;
	v56 =	vadd.s32 v24, v36;
	v62 =	vld [tilespmem:$0x1FFD0]  }
0x57: {  	v52 =	vshrl.u32 v52, $0x3;
	v57 =	vadd.s32 v8, v35;
	v58 =	vmul.f32 $8.000000000e+00, v63;
	v63 =	vld [tilespmem:$0x1FFE0]  }
0x58: {  	v54 =	vadd.s32 v6, v33;
	v41 =	vadd.s32 v30, v41;
	v42 =	vshrl.u32 v38, $0x3;
	v55 =	vld [tilespmem:s19+$0xF0]  }
0x59: {  	v48 =	vmovc v16;
	v38 =	vbroadcast v43, $0x0;
	v47 =	vshll.u32 v0, v1;
	v43 =	vshll.u32 v51, v1;
	v50 =	vld [tilespmem:s19+$0xFFFFFF30]  }
0x5a: {  	v16 =	vmovc v12;
	v51 =	vadd.s32 v12, v34;
	v12 =	vmovc v48;
	v44 =	vshll.u32 v52, v1;
	v52 =	vld [tilespmem:s19+$0xFFFFFF70];
	v59 =	vmul.f32 $8.000000000e+00, v39  }
0x5b: {  	s21 =	sshll.u32 s0, $0xD;
	v45 =	vshll.u32 v61, v1;
	v49 =	vld [tilespmem:s19+$0xFFFFFFB0];
	v39 =	vmul.f32 $8.000000000e+00, v40;
	[tilespmem:v56+s18+$0x0] =	vst.idx.msk $0xffff, v58;
	v53 =	vadd.s32 v48, v53  }
0x5c: {  	s20 =	simm.s32 $0x10;
	s17 =	sadd.s32 $0x6400, s21;
	s21 =	simm.s32 $0xF;
	v40 =	vmul.f32 $8.000000000e+00, v60;
	v56 =	vld [tilespmem:s19+$0xFFFFFFF0];
	[tilespmem:v57+s18+$0x0] =	vst.idx.msk $0xffff, v59;
	v46 =	vshll.u32 v62, v1;
	v48 =	vadd.s32 v5, v63  }
.LBB2_3:
0x5d: {  	v57 =	vmov s21;
	v58 =	vld [tilespmem:s19+$0x30]  }
0x5e: {  	v37 =	vadd.s32 v7, v37;
	v36 =	vadd.s32 v15, v36;
	v0 =	vld [tilespmem:$0x1FFF0];
	[tilespmem:v54+s18+$0x0] =	vst.idx.msk $0xffff, v39;
	v60 =	vmul.f32 $8.000000000e+00, v55  }
0x5f: {  	v35 =	vadd.s32 v14, v35;
	v61 =	vshrl.u32 v57, $0x3;
	[tilespmem:v51+s18+$0x0] =	vst.idx.msk $0xffff, v40;
	v62 =	vld [tilespmem:s19+$0x70];
	v50 =	vmul.f32 $8.000000000e+00, v50  }
0x60: {  	v39 =	vmov v38;
	v38 =	vshll.u32 v61, v1;
	v63 =	vmul.f32 $8.000000000e+00, v52;
	v52 =	vld [tilespmem:s19+$0xB0];
	s19 =	sadd.s32 $0x200, s19;
	[tilespmem:v53+s18+$0x0] =	vst.idx.msk $0xffff, v60  }
0x61: {  	v33 =	vadd.s32 v2, v33;
	v40 =	vbroadcast v38, $0x0;
	v54 =	vmul.f32 $8.000000000e+00, v49;
	[tilespmem:v48+s18+$0x0] =	vst.idx.msk $0xffff, v50;
	v53 =	vld [tilespmem:s19+$0xC0]  }
0x62: {  	v42 =	vshll.u32 v42, v1;
	v34 =	vadd.s32 v25, v34;
	v57 =	vmul.f32 $8.000000000e+00, v56;
	[tilespmem:v41+s18+$0x0] =	vst.idx.msk $0xffff, v63;
	v48 =	vld [tilespmem:s19+$0xFFFFFF00]  }
0x63: {  	v41 =	vbroadcast v47, $0x0;
	v47 =	vadd.s32 v9, v40;
	[tilespmem:v37+s18+$0x0] =	vst.idx.msk $0xffff, v54;
	v60 =	vmul.f32 $8.000000000e+00, v58;
	v59 =	vld [tilespmem:s19+$0xFFFFFF40]  }
0x64: {  	v51 =	vadd.s32 v3, v39;
	v37 =	vbroadcast v43, $0x0;
	[tilespmem:v36+s18+$0x0] =	vst.idx.msk $0xffff, v57;
	v61 =	vld [tilespmem:s19+$0xFFFFFF80];
	v62 =	vmul.f32 $8.000000000e+00, v62  }
0x65: {  	v36 =	vbroadcast v44, $0x0;
	v63 =	vld [tilespmem:s19+$0xFFFFFFC0];
	v49 =	vadd.s32 v13, v41;
	[tilespmem:v35+s18+$0x0] =	vst.idx.msk $0xffff, v60;
	v56 =	vmul.f32 $8.000000000e+00, v52  }
0x66: {  	v44 =	vadd.s32 v17, v37;
	v35 =	vbroadcast v46, $0x0;
	v52 =	vld [tilespmem:s19+$0x0];
	[tilespmem:v33+s18+$0x0] =	vst.idx.msk $0xffff, v62;
	v57 =	vmul.f32 $8.000000000e+00, v53  }
0x67: {  	v33 =	vbroadcast v45, $0x0;
	[tilespmem:v34+s18+$0x0] =	vst.idx.msk $0xffff, v56;
	v58 =	vmul.f32 $8.000000000e+00, v48;
	v48 =	vadd.s32 v19, v36;
	v53 =	vld [tilespmem:s19+$0x40]  }
0x68: {  	s21 =	sadd.s32 $0x1, s20;
	v45 =	vadd.s32 v29, v35;
	v34 =	vbroadcast v42, $0x0;
	v59 =	vmul.f32 $8.000000000e+00, v59;
	v50 =	vld [tilespmem:s19+$0x80];
	[tilespmem:v47+s18+$0x0] =	vst.idx.msk $0xffff, v57  }
0x69: {  	v54 =	vmov s21;
	v62 =	vadd.s32 v32, v33;
	v61 =	vmul.f32 $8.000000000e+00, v61;
	[tilespmem:v51+s18+$0x0] =	vst.idx.msk $0xffff, v58;
	v47 =	vld [tilespmem:s19+$0xD0]  }
0x6a: {  	v60 =	vmov s20;
	v63 =	vmul.f32 $8.000000000e+00, v63;
	[tilespmem:v49+s18+$0x0] =	vst.idx.msk $0xffff, v59;
	v49 =	vadd.s32 v26, v34;
	v51 =	vld [tilespmem:s19+$0xFFFFFF10]  }
0x6b: {  	v42 =	vshrl.u32 v60, $0x3;
	[tilespmem:v44+s18+$0x0] =	vst.idx.msk $0xffff, v61;
	v60 =	vmul.f32 $8.000000000e+00, v52;
	v44 =	vadd.s32 v31, v40;
	v55 =	vld [tilespmem:s19+$0xFFFFFF50]  }
0x6c: {  	s21 =	sadd.s32 $0x2, s20;
	v54 =	vshrl.u32 v54, $0x3;
	v56 =	vadd.s32 v0, v39;
	v57 =	vld [tilespmem:s19+$0xFFFFFF90];
	[tilespmem:v48+s18+$0x0] =	vst.idx.msk $0xffff, v63;
	v61 =	vmul.f32 $8.000000000e+00, v53  }
0x6d: {  	v52 =	vmov s21;
	[tilespmem:v45+s18+$0x0] =	vst.idx.msk $0xffff, v60;
	v53 =	vadd.s32 v28, v41;
	v43 =	vmul.f32 $8.000000000e+00, v50;
	v58 =	vld [tilespmem:s19+$0xFFFFFFD0]  }
0x6e: {  	s21 =	sadd.s32 $0x3, s20;
	v52 =	vshrl.u32 v52, $0x3;
	v50 =	vadd.s32 v10, v37;
	v59 =	vld [tilespmem:s19+$0x10];
	[tilespmem:v62+s18+$0x0] =	vst.idx.msk $0xffff, v61;
	v38 =	vmul.f32 $8.000000000e+00, v47  }
0x6f: {  	v48 =	vmov s21;
	s21 =	sadd.s32 $0x4, s20;
	[tilespmem:v49+s18+$0x0] =	vst.idx.msk $0xffff, v43;
	v47 =	vmul.f32 $8.000000000e+00, v51;
	v51 =	vadd.s32 v21, v36;
	v60 =	vld [tilespmem:s19+$0x50]  }
0x70: {  	v45 =	vmov s21;
	v49 =	vmul.f32 $8.000000000e+00, v55;
	v55 =	vadd.s32 v18, v35;
	v61 =	vld [tilespmem:s19+$0x90];
	[tilespmem:v44+s18+$0x0] =	vst.idx.msk $0xffff, v38  }
0x71: {  	s21 =	sadd.s32 $0x5, s20;
	v48 =	vshrl.u32 v48, $0x3;
	v62 =	vmul.f32 $8.000000000e+00, v57;
	[tilespmem:v56+s18+$0x0] =	vst.idx.msk $0xffff, v47;
	v44 =	vadd.s32 v22, v33;
	v47 =	vld [tilespmem:s19+$0xE0]  }
0x72: {  	v46 =	vmov s21;
	[tilespmem:v53+s18+$0x0] =	vst.idx.msk $0xffff, v49;
	v53 =	vadd.s32 v27, v34;
	v56 =	vld [tilespmem:s19+$0xFFFFFF20];
	v63 =	vmul.f32 $8.000000000e+00, v58  }
0x73: {  	v38 =	vshll.u32 v42, v1;
	[tilespmem:v50+s18+$0x0] =	vst.idx.msk $0xffff, v62;
	v42 =	vmul.f32 $8.000000000e+00, v59;
	v50 =	vadd.s32 v23, v40;
	v57 =	vld [tilespmem:s19+$0xFFFFFF60]  }
0x74: {  	s21 =	sadd.s32 $0x6, s20;
	v45 =	vshrl.u32 v45, $0x3;
	v58 =	vadd.s32 v4, v39;
	v59 =	vld [tilespmem:s19+$0xFFFFFFA0];
	[tilespmem:v51+s18+$0x0] =	vst.idx.msk $0xffff, v63;
	v49 =	vmul.f32 $8.000000000e+00, v60  }
0x75: {  	v43 =	vmov s21;
	v51 =	vadd.s32 v11, v41;
	[tilespmem:v55+s18+$0x0] =	vst.idx.msk $0xffff, v42;
	v55 =	vmul.f32 $8.000000000e+00, v61;
	v60 =	vld [tilespmem:s19+$0xFFFFFFE0]  }
0x76: {  	v61 =	vshrl.u32 v46, $0x3;
	v46 =	vadd.s32 v20, v37;
	v62 =	vld [tilespmem:s19+$0x20];
	[tilespmem:v44+s18+$0x0] =	vst.idx.msk $0xffff, v49;
	v44 =	vmul.f32 $8.000000000e+00, v47  }
0x77: {  	v42 =	vshrl.u32 v43, $0x3;
	[tilespmem:v53+s18+$0x0] =	vst.idx.msk $0xffff, v55;
	v43 =	vmul.f32 $8.000000000e+00, v56;
	v56 =	vadd.s32 v24, v36;
	v63 =	vld [tilespmem:s19+$0x60]  }
0x78: {  	p0 =	slt.u32 s20, $0x78;
	v41 =	vadd.s32 v30, v41;
	v49 =	vmul.f32 $8.000000000e+00, v57;
	v57 =	vadd.s32 v8, v35;
	v0 =	vld [tilespmem:s19+$0xA0];
	[tilespmem:v50+s18+$0x0] =	vst.idx.msk $0xffff, v44  }
.Ltmp0:
0x79: {  	v47 =	vshll.u32 v54, v1;
	v53 =	vmul.f32 $8.000000000e+00, v59;
	v54 =	vadd.s32 v6, v33;
	[tilespmem:v58+s18+$0x0] =	vst.idx.msk $0xffff, v43;
	v55 =	vld [tilespmem:s19+$0xF0];
	(pc) =	sbr.rel @p0 .LBB2_3-.Ltmp0, $4  }
0x7a: {  	v43 =	vshll.u32 v52, v1;
	[tilespmem:v51+s18+$0x0] =	vst.idx.msk $0xffff, v49;
	v51 =	vadd.s32 v16, v34;
	v50 =	vld [tilespmem:s19+$0xFFFFFF30];
	v60 =	vmul.f32 $8.000000000e+00, v60  }
0x7b: {  	v44 =	vshll.u32 v48, v1;
	[tilespmem:v46+s18+$0x0] =	vst.idx.msk $0xffff, v53;
	v53 =	vadd.s32 v12, v40;
	v52 =	vld [tilespmem:s19+$0xFFFFFF70];
	v62 =	vmul.f32 $8.000000000e+00, v62  }
0x7c: {  	v38 =	vbroadcast v38, $0x0;
	v46 =	vshll.u32 v45, v1;
	v48 =	vadd.s32 v5, v39;
	v49 =	vld [tilespmem:s19+$0xFFFFFFB0];
	[tilespmem:v56+s18+$0x0] =	vst.idx.msk $0xffff, v60  }
0x7d: {  	s21 =	sadd.s32 $0x7, s20;
	s20 =	sadd.s32 $0x8, s20;
	v45 =	vshll.u32 v61, v1;
	v39 =	vmul.f32 $8.000000000e+00, v63;
	[tilespmem:v57+s18+$0x0] =	vst.idx.msk $0xffff, v62;
	v40 =	vmul.f32 $8.000000000e+00, v0;
	v56 =	vld [tilespmem:s19+$0xFFFFFFF0]  }
0x7e: {  	_ =	sdelay $0x3  }
0x7f: {  	v0 =	vmov s21;
	v37 =	vadd.s32 v7, v37;
	v57 =	vld [tilespmem:s19+$0x30];
	v59 =	vmul.f32 $8.000000000e+00, v55;
	[tilespmem:v54+s18+$0x0] =	vst.idx.msk $0xffff, v39  }
0x80: {  	v36 =	vadd.s32 v15, v36;
	v0 =	vshrl.u32 v0, $0x3;
	v50 =	vmul.f32 $8.000000000e+00, v50;
	[tilespmem:v51+s18+$0x0] =	vst.idx.msk $0xffff, v40;
	v54 =	vld [tilespmem:s19+$0x70]  }
0x81: {  	v35 =	vadd.s32 v14, v35;
	s20 =	sadd.s32 $0x200, s19;
	v0 =	vshll.u32 v0, v1;
	v60 =	vmul.f32 $8.000000000e+00, v52;
	v51 =	vld [tilespmem:s19+$0xB0];
	[tilespmem:v53+s18+$0x0] =	vst.idx.msk $0xffff, v59  }
0x82: {  	v33 =	vadd.s32 v2, v33;
	v39 =	vld [tilespmem:s20+$0xC0];
	v0 =	vbroadcast v0, $0x0;
	[tilespmem:v48+s18+$0x0] =	vst.idx.msk $0xffff, v50;
	v61 =	vmul.f32 $8.000000000e+00, v49  }
0x83: {  	v34 =	vadd.s32 v25, v34;
	v49 =	vld [tilespmem:s20+$0xFFFFFF00];
	[tilespmem:v41+s18+$0x0] =	vst.idx.msk $0xffff, v60;
	v63 =	vmul.f32 $8.000000000e+00, v56  }
0x84: {  	v43 =	vbroadcast v43, $0x0;
	v59 =	vld [tilespmem:s20+$0xFFFFFF80];
	v50 =	vadd.s32 v9, v0;
	[tilespmem:v37+s18+$0x0] =	vst.idx.msk $0xffff, v61;
	v57 =	vmul.f32 $8.000000000e+00, v57  }
0x85: {  	v47 =	vbroadcast v47, $0x0;
	v48 =	vadd.s32 v3, v38;
	v56 =	vld [tilespmem:s20+$0xFFFFFF40];
	[tilespmem:v36+s18+$0x0] =	vst.idx.msk $0xffff, v63;
	v60 =	vmul.f32 $8.000000000e+00, v54  }
0x86: {  	v53 =	vld [tilespmem:s20+$0xFFFFFFC0];
	v37 =	vadd.s32 v17, v43;
	[tilespmem:v35+s18+$0x0] =	vst.idx.msk $0xffff, v57;
	v61 =	vmul.f32 $8.000000000e+00, v51  }
0x87: {  	v44 =	vbroadcast v44, $0x0;
	v40 =	vadd.s32 v13, v47;
	v63 =	vld [tilespmem:s20+$0x0];
	v39 =	vmul.f32 $8.000000000e+00, v39;
	[tilespmem:v33+s18+$0x0] =	vst.idx.msk $0xffff, v60  }
0x88: {  	v46 =	vbroadcast v46, $0x0;
	v57 =	vld [tilespmem:s20+$0x80];
	v55 =	vmul.f32 $8.000000000e+00, v49;
	[tilespmem:v34+s18+$0x0] =	vst.idx.msk $0xffff, v61  }
0x89: {  	v42 =	vshll.u32 v42, v1;
	v36 =	vadd.s32 v19, v44;
	v59 =	vmul.f32 $8.000000000e+00, v59;
	v49 =	vld [tilespmem:s20+$0x40];
	[tilespmem:v50+s18+$0x0] =	vst.idx.msk $0xffff, v39  }
0x8a: {  	v45 =	vbroadcast v45, $0x0;
	v35 =	vadd.s32 v29, v46;
	v56 =	vmul.f32 $8.000000000e+00, v56;
	[tilespmem:v48+s18+$0x0] =	vst.idx.msk $0xffff, v55;
	v60 =	vld [tilespmem:s20+$0xD0]  }
0x8b: {  	v42 =	vbroadcast v42, $0x0;
	[tilespmem:v37+s18+$0x0] =	vst.idx.msk $0xffff, v59;
	v50 =	vld [tilespmem:s20+$0xFFFFFF10]  }
0x8c: {  	v61 =	vmul.f32 $8.000000000e+00, v53;
	v39 =	vadd.s32 v32, v45;
	[tilespmem:v40+s18+$0x0] =	vst.idx.msk $0xffff, v56;
	v53 =	vld [tilespmem:s20+$0xFFFFFF90]  }
0x8d: {  	v40 =	vadd.s32 v26, v42;
	v63 =	vmul.f32 $8.000000000e+00, v63;
	v52 =	vld [tilespmem:s20+$0xFFFFFF50]  }
0x8e: {  	v62 =	vmov v5;
	v37 =	vadd.s32 v31, v0;
	v5 =	vld [tilespmem:$0x1FFF0];
	[tilespmem:v36+s18+$0x0] =	vst.idx.msk $0xffff, v61  }
0x8f: {  	v56 =	vmul.f32 $8.000000000e+00, v49;
	v49 =	vld [tilespmem:s20+$0xFFFFFFD0];
	[tilespmem:v35+s18+$0x0] =	vst.idx.msk $0xffff, v63;
	v35 =	vadd.s32 v10, v43  }
0x90: {  	v36 =	vadd.s32 v28, v47;
	v57 =	vmul.f32 $8.000000000e+00, v57;
	v59 =	vld [tilespmem:s20+$0x10]  }
0x91: {  	v48 =	vadd.s32 v21, v44;
	[tilespmem:v39+s18+$0x0] =	vst.idx.msk $0xffff, v56;
	v60 =	vmul.f32 $8.000000000e+00, v60  }
0x92: {  	[tilespmem:v40+s18+$0x0] =	vst.idx.msk $0xffff, v57;
	v40 =	vadd.s32 v18, v46;
	v55 =	vmul.f32 $8.000000000e+00, v53  }
0x93: {  	v61 =	vmul.f32 $8.000000000e+00, v50;
	v50 =	vld [tilespmem:s20+$0x50];
	v51 =	vadd.s32 v5, v38;
	v63 =	vmul.f32 $8.000000000e+00, v52;
	[tilespmem:v37+s18+$0x0] =	vst.idx.msk $0xffff, v60  }
0x94: {  	v52 =	vld [tilespmem:s20+$0x90];
	v57 =	vmul.f32 $8.000000000e+00, v49;
	[tilespmem:v35+s18+$0x0] =	vst.idx.msk $0xffff, v55  }
0x95: {  	v37 =	vadd.s32 v22, v45;
	v56 =	vld [tilespmem:s20+$0xE0];
	[tilespmem:v36+s18+$0x0] =	vst.idx.msk $0xffff, v63;
	v59 =	vmul.f32 $8.000000000e+00, v59  }
0x96: {  	v36 =	vadd.s32 v27, v42;
	v53 =	vld [tilespmem:s20+$0xFFFFFFA0];
	[tilespmem:v48+s18+$0x0] =	vst.idx.msk $0xffff, v57  }
0x97: {  	v35 =	vadd.s32 v23, v0;
	v49 =	vld [tilespmem:s20+$0xFFFFFF60];
	[tilespmem:v40+s18+$0x0] =	vst.idx.msk $0xffff, v59  }
0x98: {  	v60 =	vmul.f32 $8.000000000e+00, v50;
	v50 =	vld [tilespmem:s20+$0xFFFFFFE0];
	v40 =	vadd.s32 v20, v43;
	[tilespmem:v51+s18+$0x0] =	vst.idx.msk $0xffff, v61  }
0x99: {  	v48 =	vadd.s32 v11, v47;
	v61 =	vmul.f32 $8.000000000e+00, v52;
	v51 =	vld [tilespmem:s20+$0xFFFFFF20]  }
0x9a: {  	v39 =	vadd.s32 v24, v44;
	[tilespmem:v37+s18+$0x0] =	vst.idx.msk $0xffff, v60;
	v55 =	vmul.f32 $8.000000000e+00, v56  }
0x9b: {  	v41 =	vadd.s32 v4, v38;
	v52 =	vld [tilespmem:s20+$0x20];
	[tilespmem:v36+s18+$0x0] =	vst.idx.msk $0xffff, v61;
	v61 =	vmul.f32 $8.000000000e+00, v53  }
0x9c: {  	v57 =	vld [tilespmem:s20+$0x60];
	v59 =	vmul.f32 $8.000000000e+00, v49;
	[tilespmem:v35+s18+$0x0] =	vst.idx.msk $0xffff, v55  }
0x9d: {  	v36 =	vadd.s32 v8, v46;
	v60 =	vld [tilespmem:s20+$0xA0];
	v53 =	vmul.f32 $8.000000000e+00, v50;
	[tilespmem:v40+s18+$0x0] =	vst.idx.msk $0xffff, v61  }
0x9e: {  	v35 =	vadd.s32 v6, v45;
	v37 =	vld [tilespmem:s20+$0xF0];
	[tilespmem:v48+s18+$0x0] =	vst.idx.msk $0xffff, v59;
	v56 =	vmul.f32 $8.000000000e+00, v51  }
0x9f: {  	v54 =	vadd.s32 v16, v42;
	v55 =	vld [tilespmem:s20+$0xFFFFFF70];
	[tilespmem:v39+s18+$0x0] =	vst.idx.msk $0xffff, v53  }
0xa0: {  	v0 =	vadd.s32 v12, v0;
	v59 =	vld [tilespmem:s20+$0xFFFFFFF0];
	[tilespmem:v41+s18+$0x0] =	vst.idx.msk $0xffff, v56;
	v56 =	vmul.f32 $8.000000000e+00, v52  }
0xa1: {  	v40 =	vld [tilespmem:s20+$0xFFFFFFB0];
	v39 =	vadd.s32 v30, v47;
	v57 =	vmul.f32 $8.000000000e+00, v57  }
0xa2: {  	v60 =	vmul.f32 $8.000000000e+00, v60;
	v52 =	vadd.s32 v15, v44;
	v41 =	vld [tilespmem:s20+$0xFFFFFF30];
	[tilespmem:v36+s18+$0x0] =	vst.idx.msk $0xffff, v56  }
0xa3: {  	[tilespmem:v35+s18+$0x0] =	vst.idx.msk $0xffff, v57;
	v36 =	vadd.s32 v7, v43;
	v49 =	vmul.f32 $8.000000000e+00, v37;
	v61 =	vld [tilespmem:s20+$0x30]  }
0xa4: {  	v38 =	vadd.s32 v62, v38;
	v53 =	vld [tilespmem:s20+$0x70];
	[tilespmem:v54+s18+$0x0] =	vst.idx.msk $0xffff, v60;
	v54 =	vmul.f32 $8.000000000e+00, v55  }
0xa5: {  	v55 =	vadd.s32 v14, v46;
	v56 =	vld [tilespmem:s20+$0xB0];
	[tilespmem:v0+s18+$0x0] =	vst.idx.msk $0xffff, v49;
	v59 =	vmul.f32 $8.000000000e+00, v59  }
0xa6: {  	v57 =	vadd.s32 v2, v45;
	v0 =	vmul.f32 $8.000000000e+00, v40;
	[tilespmem:v39+s18+$0x0] =	vst.idx.msk $0xffff, v54  }
0xa7: {  	v60 =	vadd.s32 v25, v42;
	v51 =	vmul.f32 $8.000000000e+00, v41;
	[tilespmem:v52+s18+$0x0] =	vst.idx.msk $0xffff, v59  }
0xa8: {  	s21 =	sadd.s32 s5, s30;
	[tilespmem:v36+s18+$0x0] =	vst.idx.msk $0xffff, v0;
	v0 =	vmul.f32 $8.000000000e+00, v61  }
0xa9: {  	s19 =	sshll.u32 s21, $0x7;
	s20 =	sshll.u32 s21, $0xA;
	[tilespmem:v38+s18+$0x0] =	vst.idx.msk $0xffff, v51;
	v61 =	vmul.f32 $8.000000000e+00, v53  }
0xaa: {  	s19 =	sand.u32 $0xF80, s19;
	s20 =	sand.u32 $0xFFF8000, s20;
	[tilespmem:v55+s18+$0x0] =	vst.idx.msk $0xffff, v0;
	v0 =	vmul.f32 $8.000000000e+00, v56  }
0xab: {  	s19 =	sor.u32 s19, s20;
	[tilespmem:v57+s18+$0x0] =	vst.idx.msk $0xffff, v61  }
0xac: {  	s0 =	sadd.s32 $0x5, s0;
	s20 =	sadd.s32 s2, s19;
	[tilespmem:v60+s18+$0x0] =	vst.idx.msk $0xffff, v0  }
0xad: {  	[hbm4b:s20+s3] =	stream.linear.scatter [tilespmem:s18], [sflag:s0], $0x80, $0x38;
	[tilespmem:$0x16C00] =	vst v63  }
0xae: {  	s21 =	sadd.s32 $0x10, s20;
	s18 =	sadd.s32 $0xE488, s1  }
0xaf: {  	[hbm4b:s21+s3] =	stream.linear.scatter [tilespmem:s18], [sflag:s0], $0x80, $0x38;
	[tilespmem:$0x16C00] =	vst v63  }
0xb0: {  	s18 =	sadd.s32 $0xE510, s1;
	s21 =	sadd.s32 $0x20, s20  }
0xb1: {  	[hbm4b:s21+s3] =	stream.linear.scatter [tilespmem:s18], [sflag:s0], $0x80, $0x38;
	[tilespmem:$0x16C00] =	vst v63  }
0xb2: {  	s18 =	sadd.s32 $0xE598, s1;
	s21 =	sadd.s32 $0x30, s20  }
0xb3: {  	[hbm4b:s21+s3] =	stream.linear.scatter [tilespmem:s18], [sflag:s0], $0x80, $0x38;
	[tilespmem:$0x16C00] =	vst v63  }
0xb4: {  	s18 =	sadd.s32 $0xE620, s1;
	s21 =	sadd.s32 $0x40, s20  }
0xb5: {  	[hbm4b:s21+s3] =	stream.linear.scatter [tilespmem:s18], [sflag:s0], $0x80, $0x38;
	[tilespmem:$0x16C00] =	vst v63  }
0xb6: {  	s18 =	sadd.s32 $0xE6A8, s1;
	s21 =	sadd.s32 $0x50, s20  }
0xb7: {  	[hbm4b:s21+s3] =	stream.linear.scatter [tilespmem:s18], [sflag:s0], $0x80, $0x38;
	[tilespmem:$0x16C00] =	vst v63  }
0xb8: {  	s18 =	sadd.s32 $0xE730, s1;
	s21 =	sadd.s32 $0x60, s20  }
0xb9: {  	[hbm4b:s21+s3] =	stream.linear.scatter [tilespmem:s18], [sflag:s0], $0x80, $0x38;
	[tilespmem:$0x16C00] =	vst v63  }
0xba: {  	s20 =	sadd.s32 $0x70, s20;
	s21 =	sadd.s32 $0xE7B8, s1  }
0xbb: {  	[hbm4b:s20+s3] =	stream.linear.scatter [tilespmem:s21], [sflag:s0], $0x80, $0x38;
	[tilespmem:$0x16C00] =	vst v63  }
0xbc: {  	s18 =	sadd.s32 s19, s7;
	s21 =	sadd.s32 $0xE840, s1  }
0xbd: {  	[hbm4b:s18+s3] =	stream.linear.scatter [tilespmem:s21], [sflag:s0], $0x80, $0x38;
	[tilespmem:$0x16C00] =	vst v63  }
0xbe: {  	s20 =	sadd.s32 $0xE8C8, s1;
	s21 =	sadd.s32 $0x10, s18  }
0xbf: {  	[hbm4b:s21+s3] =	stream.linear.scatter [tilespmem:s20], [sflag:s0], $0x80, $0x38;
	[tilespmem:$0x16C00] =	vst v63  }
0xc0: {  	s20 =	sadd.s32 $0xE950, s1;
	s21 =	sadd.s32 $0x20, s18  }
0xc1: {  	[hbm4b:s21+s3] =	stream.linear.scatter [tilespmem:s20], [sflag:s0], $0x80, $0x38;
	[tilespmem:$0x16C00] =	vst v63  }
0xc2: {  	s20 =	sadd.s32 $0xE9D8, s1;
	s21 =	sadd.s32 $0x30, s18  }
0xc3: {  	[hbm4b:s21+s3] =	stream.linear.scatter [tilespmem:s20], [sflag:s0], $0x80, $0x38;
	[tilespmem:$0x16C00] =	vst v63  }
0xc4: {  	s20 =	sadd.s32 $0xEA60, s1;
	s21 =	sadd.s32 $0x40, s18  }
0xc5: {  	[hbm4b:s21+s3] =	stream.linear.scatter [tilespmem:s20], [sflag:s0], $0x80, $0x38;
	[tilespmem:$0x16C00] =	vst v63  }
0xc6: {  	s20 =	sadd.s32 $0xEAE8, s1;
	s21 =	sadd.s32 $0x50, s18  }
0xc7: {  	[hbm4b:s21+s3] =	stream.linear.scatter [tilespmem:s20], [sflag:s0], $0x80, $0x38;
	[tilespmem:$0x16C00] =	vst v63  }
0xc8: {  	s20 =	sadd.s32 $0xEB70, s1;
	s21 =	sadd.s32 $0x60, s18  }
0xc9: {  	[hbm4b:s21+s3] =	stream.linear.scatter [tilespmem:s20], [sflag:s0], $0x80, $0x38;
	[tilespmem:$0x16C00] =	vst v63  }
0xca: {  	s18 =	sadd.s32 $0x70, s18;
	s21 =	sadd.s32 $0xEBF8, s1  }
0xcb: {  	[hbm4b:s18+s3] =	stream.linear.scatter [tilespmem:s21], [sflag:s0], $0x80, $0x38;
	[tilespmem:$0x16C00] =	vst v63  }
0xcc: {  	s18 =	sadd.s32 s19, s8;
	s21 =	sadd.s32 $0xEC80, s1  }
0xcd: {  	[hbm4b:s18+s3] =	stream.linear.scatter [tilespmem:s21], [sflag:s0], $0x80, $0x38;
	[tilespmem:$0x16C00] =	vst v63  }
0xce: {  	s20 =	sadd.s32 $0xED08, s1;
	s21 =	sadd.s32 $0x10, s18  }
0xcf: {  	[hbm4b:s21+s3] =	stream.linear.scatter [tilespmem:s20], [sflag:s0], $0x80, $0x38;
	[tilespmem:$0x16C00] =	vst v63  }
0xd0: {  	s20 =	sadd.s32 $0xED90, s1;
	s21 =	sadd.s32 $0x20, s18  }
0xd1: {  	[hbm4b:s21+s3] =	stream.linear.scatter [tilespmem:s20], [sflag:s0], $0x80, $0x38;
	[tilespmem:$0x16C00] =	vst v63  }
0xd2: {  	s20 =	sadd.s32 $0xEE18, s1;
	s21 =	sadd.s32 $0x30, s18  }
0xd3: {  	[hbm4b:s21+s3] =	stream.linear.scatter [tilespmem:s20], [sflag:s0], $0x80, $0x38;
	[tilespmem:$0x16C00] =	vst v63  }
0xd4: {  	s20 =	sadd.s32 $0xEEA0, s1;
	s21 =	sadd.s32 $0x40, s18  }
0xd5: {  	[hbm4b:s21+s3] =	stream.linear.scatter [tilespmem:s20], [sflag:s0], $0x80, $0x38;
	[tilespmem:$0x16C00] =	vst v63  }
0xd6: {  	s20 =	sadd.s32 $0xEF28, s1;
	s21 =	sadd.s32 $0x50, s18  }
0xd7: {  	[hbm4b:s21+s3] =	stream.linear.scatter [tilespmem:s20], [sflag:s0], $0x80, $0x38;
	[tilespmem:$0x16C00] =	vst v63  }
0xd8: {  	s20 =	sadd.s32 $0xEFB0, s1;
	s21 =	sadd.s32 $0x60, s18  }
0xd9: {  	[hbm4b:s21+s3] =	stream.linear.scatter [tilespmem:s20], [sflag:s0], $0x80, $0x38;
	[tilespmem:$0x16C00] =	vst v63  }
0xda: {  	s18 =	sadd.s32 $0x70, s18;
	s21 =	sadd.s32 $0xF038, s1  }
0xdb: {  	[hbm4b:s18+s3] =	stream.linear.scatter [tilespmem:s21], [sflag:s0], $0x80, $0x38;
	[tilespmem:$0x16C00] =	vst v63  }
0xdc: {  	s18 =	sadd.s32 s19, s9;
	s21 =	sadd.s32 $0xF0C0, s1  }
0xdd: {  	[hbm4b:s18+s3] =	stream.linear.scatter [tilespmem:s21], [sflag:s0], $0x80, $0x38;
	[tilespmem:$0x16C00] =	vst v63  }
0xde: {  	s20 =	sadd.s32 $0xF148, s1;
	s21 =	sadd.s32 $0x10, s18  }
0xdf: {  	[hbm4b:s21+s3] =	stream.linear.scatter [tilespmem:s20], [sflag:s0], $0x80, $0x38;
	[tilespmem:$0x16C00] =	vst v63  }
0xe0: {  	s20 =	sadd.s32 $0xF1D0, s1;
	s21 =	sadd.s32 $0x20, s18  }
0xe1: {  	[hbm4b:s21+s3] =	stream.linear.scatter [tilespmem:s20], [sflag:s0], $0x80, $0x38;
	[tilespmem:$0x16C00] =	vst v63  }
0xe2: {  	s20 =	sadd.s32 $0xF258, s1;
	s21 =	sadd.s32 $0x30, s18  }
0xe3: {  	[hbm4b:s21+s3] =	stream.linear.scatter [tilespmem:s20], [sflag:s0], $0x80, $0x38;
	[tilespmem:$0x16C00] =	vst v63  }
0xe4: {  	s20 =	sadd.s32 $0xF2E0, s1;
	s21 =	sadd.s32 $0x40, s18  }
0xe5: {  	[hbm4b:s21+s3] =	stream.linear.scatter [tilespmem:s20], [sflag:s0], $0x80, $0x38;
	[tilespmem:$0x16C00] =	vst v63  }
0xe6: {  	s20 =	sadd.s32 $0xF368, s1;
	s21 =	sadd.s32 $0x50, s18  }
0xe7: {  	[hbm4b:s21+s3] =	stream.linear.scatter [tilespmem:s20], [sflag:s0], $0x80, $0x38;
	[tilespmem:$0x16C00] =	vst v63  }
0xe8: {  	s20 =	sadd.s32 $0xF3F0, s1;
	s21 =	sadd.s32 $0x60, s18  }
0xe9: {  	[hbm4b:s21+s3] =	stream.linear.scatter [tilespmem:s20], [sflag:s0], $0x80, $0x38;
	[tilespmem:$0x16C00] =	vst v63  }
0xea: {  	s18 =	sadd.s32 $0x70, s18;
	s21 =	sadd.s32 $0xF478, s1  }
0xeb: {  	[hbm4b:s18+s3] =	stream.linear.scatter [tilespmem:s21], [sflag:s0], $0x80, $0x38;
	[tilespmem:$0x16C00] =	vst v63  }
0xec: {  	s18 =	sadd.s32 s19, s10;
	s21 =	sadd.s32 $0xF500, s1  }
0xed: {  	[hbm4b:s18+s3] =	stream.linear.scatter [tilespmem:s21], [sflag:s0], $0x80, $0x38;
	[tilespmem:$0x16C00] =	vst v63  }
0xee: {  	s20 =	sadd.s32 $0xF588, s1;
	s21 =	sadd.s32 $0x10, s18  }
0xef: {  	[hbm4b:s21+s3] =	stream.linear.scatter [tilespmem:s20], [sflag:s0], $0x80, $0x38;
	[tilespmem:$0x16C00] =	vst v63  }
0xf0: {  	s20 =	sadd.s32 $0xF610, s1;
	s21 =	sadd.s32 $0x20, s18  }
0xf1: {  	[hbm4b:s21+s3] =	stream.linear.scatter [tilespmem:s20], [sflag:s0], $0x80, $0x38;
	[tilespmem:$0x16C00] =	vst v63  }
0xf2: {  	s20 =	sadd.s32 $0xF698, s1;
	s21 =	sadd.s32 $0x30, s18  }
0xf3: {  	[hbm4b:s21+s3] =	stream.linear.scatter [tilespmem:s20], [sflag:s0], $0x80, $0x38;
	[tilespmem:$0x16C00] =	vst v63  }
0xf4: {  	s20 =	sadd.s32 $0xF720, s1;
	s21 =	sadd.s32 $0x40, s18  }
0xf5: {  	[hbm4b:s21+s3] =	stream.linear.scatter [tilespmem:s20], [sflag:s0], $0x80, $0x38;
	[tilespmem:$0x16C00] =	vst v63  }
0xf6: {  	s20 =	sadd.s32 $0xF7A8, s1;
	s21 =	sadd.s32 $0x50, s18  }
0xf7: {  	[hbm4b:s21+s3] =	stream.linear.scatter [tilespmem:s20], [sflag:s0], $0x80, $0x38;
	[tilespmem:$0x16C00] =	vst v63  }
0xf8: {  	s20 =	sadd.s32 $0xF830, s1;
	s21 =	sadd.s32 $0x60, s18  }
0xf9: {  	[hbm4b:s21+s3] =	stream.linear.scatter [tilespmem:s20], [sflag:s0], $0x80, $0x38;
	[tilespmem:$0x16C00] =	vst v63  }
0xfa: {  	s18 =	sadd.s32 $0x70, s18;
	s21 =	sadd.s32 $0xF8B8, s1  }
0xfb: {  	[hbm4b:s18+s3] =	stream.linear.scatter [tilespmem:s21], [sflag:s0], $0x80, $0x38;
	[tilespmem:$0x16C00] =	vst v63  }
0xfc: {  	s18 =	sadd.s32 s19, s11;
	s21 =	sadd.s32 $0xF940, s1  }
0xfd: {  	[hbm4b:s18+s3] =	stream.linear.scatter [tilespmem:s21], [sflag:s0], $0x80, $0x38;
	[tilespmem:$0x16C00] =	vst v63  }
0xfe: {  	s20 =	sadd.s32 $0xF9C8, s1;
	s21 =	sadd.s32 $0x10, s18  }
0xff: {  	[hbm4b:s21+s3] =	stream.linear.scatter [tilespmem:s20], [sflag:s0], $0x80, $0x38;
	[tilespmem:$0x16C00] =	vst v63  }
0x100: {  	s20 =	sadd.s32 $0xFA50, s1;
	s21 =	sadd.s32 $0x20, s18  }
0x101: {  	[hbm4b:s21+s3] =	stream.linear.scatter [tilespmem:s20], [sflag:s0], $0x80, $0x38;
	[tilespmem:$0x16C00] =	vst v63  }
0x102: {  	s20 =	sadd.s32 $0xFAD8, s1;
	s21 =	sadd.s32 $0x30, s18  }
0x103: {  	[hbm4b:s21+s3] =	stream.linear.scatter [tilespmem:s20], [sflag:s0], $0x80, $0x38;
	[tilespmem:$0x16C00] =	vst v63  }
0x104: {  	s20 =	sadd.s32 $0xFB60, s1;
	s21 =	sadd.s32 $0x40, s18  }
0x105: {  	[hbm4b:s21+s3] =	stream.linear.scatter [tilespmem:s20], [sflag:s0], $0x80, $0x38;
	[tilespmem:$0x16C00] =	vst v63  }
0x106: {  	s20 =	sadd.s32 $0xFBE8, s1;
	s21 =	sadd.s32 $0x50, s18  }
0x107: {  	[hbm4b:s21+s3] =	stream.linear.scatter [tilespmem:s20], [sflag:s0], $0x80, $0x38;
	[tilespmem:$0x16C00] =	vst v63  }
0x108: {  	s20 =	sadd.s32 $0xFC70, s1;
	s21 =	sadd.s32 $0x60, s18  }
0x109: {  	[hbm4b:s21+s3] =	stream.linear.scatter [tilespmem:s20], [sflag:s0], $0x80, $0x38;
	[tilespmem:$0x16C00] =	vst v63  }
0x10a: {  	s18 =	sadd.s32 $0x70, s18;
	s21 =	sadd.s32 $0xFCF8, s1  }
0x10b: {  	[hbm4b:s18+s3] =	stream.linear.scatter [tilespmem:s21], [sflag:s0], $0x80, $0x38;
	[tilespmem:$0x16C00] =	vst v63  }
0x10c: {  	s18 =	sadd.s32 s19, s12;
	s21 =	sadd.s32 $0xFD80, s1  }
0x10d: {  	[hbm4b:s18+s3] =	stream.linear.scatter [tilespmem:s21], [sflag:s0], $0x80, $0x38;
	[tilespmem:$0x16C00] =	vst v63  }
0x10e: {  	s20 =	sadd.s32 $0xFE08, s1;
	s21 =	sadd.s32 $0x10, s18  }
0x10f: {  	[hbm4b:s21+s3] =	stream.linear.scatter [tilespmem:s20], [sflag:s0], $0x80, $0x38;
	[tilespmem:$0x16C00] =	vst v63  }
0x110: {  	s20 =	sadd.s32 $0xFE90, s1;
	s21 =	sadd.s32 $0x20, s18  }
0x111: {  	[hbm4b:s21+s3] =	stream.linear.scatter [tilespmem:s20], [sflag:s0], $0x80, $0x38;
	[tilespmem:$0x16C00] =	vst v63  }
0x112: {  	s20 =	sadd.s32 $0xFF18, s1;
	s21 =	sadd.s32 $0x30, s18  }
0x113: {  	[hbm4b:s21+s3] =	stream.linear.scatter [tilespmem:s20], [sflag:s0], $0x80, $0x38;
	[tilespmem:$0x16C00] =	vst v63  }
0x114: {  	s20 =	sadd.s32 $0xFFA0, s1;
	s21 =	sadd.s32 $0x40, s18  }
0x115: {  	[hbm4b:s21+s3] =	stream.linear.scatter [tilespmem:s20], [sflag:s0], $0x80, $0x38;
	[tilespmem:$0x16C00] =	vst v63  }
0x116: {  	s20 =	sadd.s32 $0x10028, s1;
	s21 =	sadd.s32 $0x50, s18  }
0x117: {  	[hbm4b:s21+s3] =	stream.linear.scatter [tilespmem:s20], [sflag:s0], $0x80, $0x38;
	[tilespmem:$0x16C00] =	vst v63  }
0x118: {  	s20 =	sadd.s32 $0x100B0, s1;
	s21 =	sadd.s32 $0x60, s18  }
0x119: {  	[hbm4b:s21+s3] =	stream.linear.scatter [tilespmem:s20], [sflag:s0], $0x80, $0x38;
	[tilespmem:$0x16C00] =	vst v63  }
0x11a: {  	s18 =	sadd.s32 $0x70, s18;
	s21 =	sadd.s32 $0x10138, s1  }
0x11b: {  	[hbm4b:s18+s3] =	stream.linear.scatter [tilespmem:s21], [sflag:s0], $0x80, $0x38;
	[tilespmem:$0x16C00] =	vst v63  }
0x11c: {  	s18 =	sadd.s32 s19, s13;
	s21 =	sadd.s32 $0x101C0, s1  }
0x11d: {  	[hbm4b:s18+s3] =	stream.linear.scatter [tilespmem:s21], [sflag:s0], $0x80, $0x38;
	[tilespmem:$0x16C00] =	vst v63  }
0x11e: {  	s20 =	sadd.s32 $0x10248, s1;
	s21 =	sadd.s32 $0x10, s18  }
0x11f: {  	[hbm4b:s21+s3] =	stream.linear.scatter [tilespmem:s20], [sflag:s0], $0x80, $0x38;
	[tilespmem:$0x16C00] =	vst v63  }
0x120: {  	s20 =	sadd.s32 $0x102D0, s1;
	s21 =	sadd.s32 $0x20, s18  }
0x121: {  	[hbm4b:s21+s3] =	stream.linear.scatter [tilespmem:s20], [sflag:s0], $0x80, $0x38;
	[tilespmem:$0x16C00] =	vst v63  }
0x122: {  	s20 =	sadd.s32 $0x10358, s1;
	s21 =	sadd.s32 $0x30, s18  }
0x123: {  	[hbm4b:s21+s3] =	stream.linear.scatter [tilespmem:s20], [sflag:s0], $0x80, $0x38;
	[tilespmem:$0x16C00] =	vst v63  }
0x124: {  	s20 =	sadd.s32 $0x103E0, s1;
	s21 =	sadd.s32 $0x40, s18  }
0x125: {  	[hbm4b:s21+s3] =	stream.linear.scatter [tilespmem:s20], [sflag:s0], $0x80, $0x38;
	[tilespmem:$0x16C00] =	vst v63  }
0x126: {  	s20 =	sadd.s32 $0x10468, s1;
	s21 =	sadd.s32 $0x50, s18  }
0x127: {  	[hbm4b:s21+s3] =	stream.linear.scatter [tilespmem:s20], [sflag:s0], $0x80, $0x38;
	[tilespmem:$0x16C00] =	vst v63  }
0x128: {  	s20 =	sadd.s32 $0x104F0, s1;
	s21 =	sadd.s32 $0x60, s18  }
0x129: {  	[hbm4b:s21+s3] =	stream.linear.scatter [tilespmem:s20], [sflag:s0], $0x80, $0x38;
	[tilespmem:$0x16C00] =	vst v63  }
0x12a: {  	p0 =	sgt.u32 s30, $0xC3;
	s18 =	sadd.s32 $0x70, s18;
	s21 =	sadd.s32 $0x10578, s1  }
0x12b: {  	[hbm4b:s18+s3] =	stream.linear.scatter [tilespmem:s21], [sflag:s0], $0x80, $0x38;
	[tilespmem:$0x16C00] =	vst v63  }
0x12c: {  	s0 =	sshll.u32 @!p0 s30, $0x7  }
0x12d: {  	s0 =	sand.u32 @!p0 $0x3FFFFF80, s0  }
0x12e: {  	s1 =	simm.s32 @!p0 $0x80;
	s30 =	sadd.s32 $0x1, s30;
	s0 =	sadd.s32 @!p0 $0x200, s0  }
0x12f: {  	[tilespmem:s17], [sflag:s31] =	stream.indirect.gather @!p0 [hbm4b:s4+s1], $0x40, s0, s1, $0xb8;
	[tilespmem:$0x16C00] =	vst v63  }
0x130: {  	p0 =	sne.s32 s30, $0xC8  }
.Ltmp1:
0x131: {  	_ = 	snop;
	(pc) =	sbr.rel @p0 .LBB2_2-.Ltmp1, $2  }
0x132: {  	_ =	sdelay $0x2  }
0x133: {  	v58 =	vmovc v30;
	s29 =	sadd.s32 $0x1, s29;
	v63 =	vmovc v23;
	v23 =	vmov v16;
	v16 =	vmov v12;
	v0 =	vmov v3  }
0x134: {  	_ =	swait.ge [sflag:s23], $0x400  }
0x135: {  	[sflag:s23] =	ssyncset.done $0x0  }
0x136: {  	[sflag:s23] =	ssyncadd.s32 $0xFFFFFC00  }
0x137: {  	_ =	swait.ge [sflag:s23], $0x400  }
0x138: {  	[sflag:s23] =	ssyncset.done $0x0  }
0x139: {  	[sflag:s23] =	ssyncadd.s32 $0xFFFFFC00  }
0x13a: {  	_ =	swait.ge [sflag:s23], $0x400  }
0x13b: {  	[sflag:s23] =	ssyncset.done $0x0  }
0x13c: {  	[sflag:s23] =	ssyncadd.s32 $0xFFFFFC00  }
0x13d: {  	_ =	swait.ge [sflag:s23], $0x400  }
0x13e: {  	[sflag:s23] =	ssyncset.done $0x0  }
0x13f: {  	[sflag:s23] =	ssyncadd.s32 $0xFFFFFC00  }
0x140: {  	_ =	swait.ge [sflag:s23], $0x400  }
0x141: {  	[sflag:s23] =	ssyncset.done $0x0  }
0x142: {  	[sflag:s23] =	ssyncadd.s32 $0xFFFFFC00  }
0x143: {  	_ =	swait.ge [sflag:s23], $0x400  }
0x144: {  	[sflag:s23] =	ssyncset.done $0x0  }
0x145: {  	[sflag:s23] =	ssyncadd.s32 $0xFFFFFC00  }
0x146: {  	_ =	swait.ge [sflag:s23], $0x400  }
0x147: {  	[sflag:s23] =	ssyncset.done $0x0  }
0x148: {  	[sflag:s23] =	ssyncadd.s32 $0xFFFFFC00  }
0x149: {  	_ =	swait.ge [sflag:s23], $0x400  }
0x14a: {  	[sflag:s23] =	ssyncset.done $0x0  }
0x14b: {  	[sflag:s23] =	ssyncadd.s32 $0xFFFFFC00  }
0x14c: {  	_ =	swait.ge [sflag:s24], $0x400  }
0x14d: {  	[sflag:s24] =	ssyncset.done $0x0  }
0x14e: {  	[sflag:s24] =	ssyncadd.s32 $0xFFFFFC00  }
0x14f: {  	_ =	swait.ge [sflag:s24], $0x400  }
0x150: {  	[sflag:s24] =	ssyncset.done $0x0  }
0x151: {  	[sflag:s24] =	ssyncadd.s32 $0xFFFFFC00  }
0x152: {  	_ =	swait.ge [sflag:s24], $0x400  }
0x153: {  	[sflag:s24] =	ssyncset.done $0x0  }
0x154: {  	[sflag:s24] =	ssyncadd.s32 $0xFFFFFC00  }
0x155: {  	_ =	swait.ge [sflag:s24], $0x400  }
0x156: {  	[sflag:s24] =	ssyncset.done $0x0  }
0x157: {  	[sflag:s24] =	ssyncadd.s32 $0xFFFFFC00  }
0x158: {  	_ =	swait.ge [sflag:s24], $0x400  }
0x159: {  	[sflag:s24] =	ssyncset.done $0x0  }
0x15a: {  	[sflag:s24] =	ssyncadd.s32 $0xFFFFFC00  }
0x15b: {  	_ =	swait.ge [sflag:s24], $0x400  }
0x15c: {  	[sflag:s24] =	ssyncset.done $0x0  }
0x15d: {  	[sflag:s24] =	ssyncadd.s32 $0xFFFFFC00  }
0x15e: {  	_ =	swait.ge [sflag:s24], $0x400  }
0x15f: {  	[sflag:s24] =	ssyncset.done $0x0  }
0x160: {  	[sflag:s24] =	ssyncadd.s32 $0xFFFFFC00  }
0x161: {  	_ =	swait.ge [sflag:s24], $0x400  }
0x162: {  	[sflag:s24] =	ssyncset.done $0x0  }
0x163: {  	[sflag:s24] =	ssyncadd.s32 $0xFFFFFC00  }
0x164: {  	_ =	swait.ge [sflag:s25], $0x400  }
0x165: {  	[sflag:s25] =	ssyncset.done $0x0  }
0x166: {  	[sflag:s25] =	ssyncadd.s32 $0xFFFFFC00  }
0x167: {  	_ =	swait.ge [sflag:s25], $0x400  }
0x168: {  	[sflag:s25] =	ssyncset.done $0x0  }
0x169: {  	[sflag:s25] =	ssyncadd.s32 $0xFFFFFC00  }
0x16a: {  	_ =	swait.ge [sflag:s25], $0x400  }
0x16b: {  	[sflag:s25] =	ssyncset.done $0x0  }
0x16c: {  	[sflag:s25] =	ssyncadd.s32 $0xFFFFFC00  }
0x16d: {  	_ =	swait.ge [sflag:s25], $0x400  }
0x16e: {  	[sflag:s25] =	ssyncset.done $0x0  }
0x16f: {  	[sflag:s25] =	ssyncadd.s32 $0xFFFFFC00  }
0x170: {  	_ =	swait.ge [sflag:s25], $0x400  }
0x171: {  	[sflag:s25] =	ssyncset.done $0x0  }
0x172: {  	[sflag:s25] =	ssyncadd.s32 $0xFFFFFC00  }
0x173: {  	_ =	swait.ge [sflag:s25], $0x400  }
0x174: {  	[sflag:s25] =	ssyncset.done $0x0  }
0x175: {  	[sflag:s25] =	ssyncadd.s32 $0xFFFFFC00  }
0x176: {  	_ =	swait.ge [sflag:s25], $0x400  }
0x177: {  	[sflag:s25] =	ssyncset.done $0x0  }
0x178: {  	[sflag:s25] =	ssyncadd.s32 $0xFFFFFC00  }
0x179: {  	_ =	swait.ge [sflag:s25], $0x400  }
0x17a: {  	[sflag:s25] =	ssyncset.done $0x0  }
0x17b: {  	[sflag:s25] =	ssyncadd.s32 $0xFFFFFC00  }
0x17c: {  	_ =	swait.ge [sflag:s26], $0x400  }
0x17d: {  	[sflag:s26] =	ssyncset.done $0x0  }
0x17e: {  	[sflag:s26] =	ssyncadd.s32 $0xFFFFFC00  }
0x17f: {  	_ =	swait.ge [sflag:s26], $0x400  }
0x180: {  	[sflag:s26] =	ssyncset.done $0x0  }
0x181: {  	[sflag:s26] =	ssyncadd.s32 $0xFFFFFC00  }
0x182: {  	_ =	swait.ge [sflag:s26], $0x400  }
0x183: {  	[sflag:s26] =	ssyncset.done $0x0  }
0x184: {  	[sflag:s26] =	ssyncadd.s32 $0xFFFFFC00  }
0x185: {  	_ =	swait.ge [sflag:s26], $0x400  }
0x186: {  	[sflag:s26] =	ssyncset.done $0x0  }
0x187: {  	[sflag:s26] =	ssyncadd.s32 $0xFFFFFC00  }
0x188: {  	_ =	swait.ge [sflag:s26], $0x400  }
0x189: {  	[sflag:s26] =	ssyncset.done $0x0  }
0x18a: {  	[sflag:s26] =	ssyncadd.s32 $0xFFFFFC00  }
0x18b: {  	_ =	swait.ge [sflag:s26], $0x400  }
0x18c: {  	[sflag:s26] =	ssyncset.done $0x0  }
0x18d: {  	s28 =	sadd.s32 $0x1, s28;
	[sflag:s26] =	ssyncadd.s32 $0xFFFFFC00  }
0x18e: {  	p0 =	sne.s32 s28, s14;
	_ =	swait.ge [sflag:s26], $0x400  }
.Ltmp2:
0x18f: {  	[sflag:s26] =	ssyncset.done $0x0;
	(pc) =	sbr.rel @p0 .LBB2_1-.Ltmp2, $4  }
0x190: {  	[sflag:s26] =	ssyncadd.s32 $0xFFFFFC00  }
0x191: {  	_ =	swait.ge [sflag:s26], $0x400  }
0x192: {  	[sflag:s26] =	ssyncset.done $0x0  }
0x193: {  	[sflag:s26] =	ssyncadd.s32 $0xFFFFFC00  }
0x194: {  	_ =	sfence.sel $0x180000  }
0x195: {  	[bflag:$0x0] =	sbarrier.arrive $0xFFFF  }
0x196: {  	_ =	strace $0x90000047  }
0x197: {  	s0 =	stileid.u32;
	[bflag:$0x2] =	sbarrier.arrive $0xFFFF  }
0x198: {  	p0 =	sne.s32 s0, $0x0;
	s0 =	rddreg [dreg:$0x2]  }
0x199: {  	s0 =	sadd.s32 @!p0 $0x100000, s0  }
0x19a: {  	[sflag:s0] =	ssyncadd.tile.s32 @!p0 $0x1;
	_ =	shalt  }
.Lfunc_end2:
_tile_overlayer_lowered:
.L_overlay_start_2:
0x19b: {  	(tag) =	ssettag $0x2  }
0x19c: {  	s0 =	rddreg [dreg:$0x0];
	s2 =	stileid.u32  }
0x19d: {  	s1 =	rddreg [dreg:$0x1];
	p0 =	sne.s32 s2, $0x0  }
0x19e: {  	s3 =	rddreg [dreg:$0x2];
	[bflag:$0x3] =	sbarrier.arrive $0xFFFF;
	s2 =	simm.s32 @!p0 $0x1C09  }
0x19f: {  	[timem:s3], [sflag:s2] =	dma.local @!p0 [hbm:s0], s1  }
0x1a0: {  	s0 =	simm.s32 @!p0 $0x9  }
0x1a1: {  	_ =	swait.ge @!p0 [sflag:s0], s1  }
0x1a2: {  	s1 =	ssub.s32 @!p0 $0x0, s1;
	[sflag:s0] =	ssyncset.done @!p0 $0x0  }
0x1a3: {  	[sflag:s0] =	ssyncadd.s32 @!p0 s1  }
0x1a4: {  	[bflag:$0x3] =	sbarrier.arrive $0xFFFF  }
0x1a5: {  	_ =	shalt  }

</sc_bundles>
